<compile_context>
chip_gen: v7x
topology: tpu7x:2x2x1
jax: 0.10.2.dev20260603
libtpu: 0.0.44.dev20260713+nightly
codegen_flags: <defaults>
</compile_context>

<pallas_src>
import functools

import jax
import jax.numpy as jnp
from jax import lax
from jax.experimental import pallas as pl
from jax.experimental.pallas import tpu as pltpu
from jax.experimental.pallas import tpu_sc as plsc

N = 10000
E = 320000
H = 128
C = 10
G = 64

NC = 2
NS = 16
NW = NC * NS
EW = E // NW
B = 40
NB = EW // B
NSLOT = 3
NPAD = 10112
ROWS_PER_TILE = NPAD // NS

@functools.cache
def _sc_mesh():
    return plsc.VectorSubcoreMesh(
        core_axis_name="c", subcore_axis_name="s", num_cores=NC, num_subcores=NS
    )



BE = 3200


def _filters_body(d_ref, we1_ref, we2_ref, wf1_ref, wf2_ref, m_ref, f_ref):
    d = d_ref[...]
    inv = jnp.float32(1.0) / jnp.float32(H - 1)
    centers = lax.broadcasted_iota(jnp.int32, (BE, H), 1).astype(jnp.float32) * inv
    gamma = jnp.float32(1.0) / (inv * inv)
    diff = d - centers
    rbf = jnp.exp(-gamma * diff * diff)
    cut = jnp.where(d < 1.0, 0.5 * (jnp.cos(jnp.pi * d) + 1.0), 0.0).astype(jnp.float32)
    bf = rbf * cut
    dot = functools.partial(jnp.dot, preferred_element_type=jnp.float32)
    m_ref[...] = dot(jnp.maximum(dot(bf, we1_ref[...]), 0.0), we2_ref[...])
    for i in range(3):
        h1 = jnp.maximum(dot(bf, wf1_ref[i]), 0.0)
        f_ref[i] = dot(h1, wf2_ref[i]) * cut


def _filters(d2, we1, we2, wf1, wf2):
    grid = E // BE
    return pl.pallas_call(
        _filters_body,
        grid=(grid,),
        in_specs=[
            pl.BlockSpec((BE, 1), lambda i: (i, 0)),
            pl.BlockSpec((H, H), lambda i: (0, 0)),
            pl.BlockSpec((H, H), lambda i: (0, 0)),
            pl.BlockSpec((3, H, H), lambda i: (0, 0, 0)),
            pl.BlockSpec((3, H, H), lambda i: (0, 0, 0)),
        ],
        out_specs=[
            pl.BlockSpec((BE, H), lambda i: (i, 0)),
            pl.BlockSpec((3, BE, H), lambda i: (0, i, 0)),
        ],
        out_shape=[
            jax.ShapeDtypeStruct((E, H), jnp.float32),
            jax.ShapeDtypeStruct((3, E, H), jnp.float32),
        ],
    )(d2, we1, we2, wf1, wf2)




def _sc_zero_and_ids(acc, zeros_hbm):
    c = lax.axis_index("c")
    s = lax.axis_index("s")
    w = c * NS + s
    pltpu.sync_copy(zeros_hbm, acc.at[pl.ds(s * ROWS_PER_TILE, ROWS_PER_TILE)])
    plsc.subcore_barrier()
    return c, s, w


def _sc_writeout(acc, out_hbm, c, s):
    plsc.subcore_barrier()
    pltpu.sync_copy(
        acc.at[pl.ds(s * ROWS_PER_TILE, ROWS_PER_TILE)],
        out_hbm.at[c, pl.ds(s * ROWS_PER_TILE, ROWS_PER_TILE)],
    )


def _sc_embed_body(m_hbm, idx4_hbm, zeros_hbm, out_hbm, idxb, rows, acc, gsem, ssem):
    c, s, w = _sc_zero_and_ids(acc, zeros_hbm)

    def issue(b, slot):
        pltpu.sync_copy(idx4_hbm.at[w, b], idxb.at[slot])
        pltpu.async_copy(
            m_hbm.at[pl.ds(w * EW + b * B, B)], rows.at[slot], gsem.at[slot]
        )

    issue(0, 0)

    def step(b, carry):
        slot = lax.rem(b, NSLOT)
        nxt = lax.rem(b + 1, NSLOT)

        @pl.when(b + 1 < NB)
        def _():
            @pl.when(b + 1 >= NSLOT)
            def _():
                pltpu.make_async_copy(
                    rows.at[nxt], acc.at[idxb.at[nxt, 1]], ssem.at[nxt]
                ).wait()
            issue(b + 1, nxt)

        pltpu.make_async_copy(
            m_hbm.at[pl.ds(w * EW + b * B, B)], rows.at[slot], gsem.at[slot]
        ).wait()
        pltpu.async_copy(
            rows.at[slot], acc.at[idxb.at[slot, 1]], ssem.at[slot], add=True
        )
        return carry

    lax.fori_loop(0, NB, step, 0)
    for sl in range(NSLOT):
        pltpu.make_async_copy(
            rows.at[sl], acc.at[idxb.at[sl, 1]], ssem.at[sl]
        ).wait()
    _sc_writeout(acc, out_hbm, c, s)


def _sc_embed(m, idx4, zeros):
    return pl.kernel(
        _sc_embed_body,
        out_type=jax.ShapeDtypeStruct((NC, NPAD, H), jnp.float32),
        mesh=_sc_mesh(),
        scratch_types=[
            pltpu.VMEM((NSLOT, 2, B), jnp.int32),
            pltpu.VMEM((NSLOT, B, H), jnp.float32),
            pltpu.VMEM_SHARED((NPAD, H), jnp.float32),
            pltpu.SemaphoreType.DMA((NSLOT,)),
            pltpu.SemaphoreType.DMA((NSLOT,)),
        ],
    )(m, idx4, zeros)


def _make_sc_conv():
    def body(x_hbm, f_hbm, idx4_hbm, zeros_hbm, out_hbm,
             idxb, xrows, frows, acc, gsem, fsem, ssem):
        c, s, w = _sc_zero_and_ids(acc, zeros_hbm)

        def issue(b, slot):
            pltpu.sync_copy(idx4_hbm.at[w, b], idxb.at[slot])
            pltpu.async_copy(x_hbm.at[idxb.at[slot, 0]], xrows.at[slot], gsem.at[slot])
            pltpu.async_copy(
                f_hbm.at[pl.ds(w * EW + b * B, B)], frows.at[slot], fsem.at[slot]
            )

        issue(0, 0)

        def step(b, carry):
            slot = lax.rem(b, NSLOT)
            nxt = lax.rem(b + 1, NSLOT)

            @pl.when(b + 1 < NB)
            def _():
                @pl.when(b + 1 >= NSLOT)
                def _():
                    pltpu.make_async_copy(
                        xrows.at[nxt], acc.at[idxb.at[nxt, 1]], ssem.at[nxt]
                    ).wait()
                issue(b + 1, nxt)

            pltpu.make_async_copy(
                x_hbm.at[idxb.at[slot, 0]], xrows.at[slot], gsem.at[slot]
            ).wait()
            pltpu.make_async_copy(
                f_hbm.at[pl.ds(w * EW + b * B, B)], frows.at[slot], fsem.at[slot]
            ).wait()

            def mul_row(r, c2):
                for j in range(H // 16):
                    sl = pl.ds(j * 16, 16)
                    xrows[slot, r, sl] = xrows[slot, r, sl] * frows[slot, r, sl]
                return c2

            lax.fori_loop(0, B, mul_row, 0)
            pltpu.async_copy(
                xrows.at[slot], acc.at[idxb.at[slot, 1]], ssem.at[slot], add=True
            )
            return carry

        lax.fori_loop(0, NB, step, 0)
        for sl in range(NSLOT):
            pltpu.make_async_copy(
                xrows.at[sl], acc.at[idxb.at[sl, 1]], ssem.at[sl]
            ).wait()
        _sc_writeout(acc, out_hbm, c, s)

    return pl.kernel(
        body,
        out_type=jax.ShapeDtypeStruct((NC, NPAD, H), jnp.float32),
        mesh=_sc_mesh(),
        scratch_types=[
            pltpu.VMEM((NSLOT, 2, B), jnp.int32),
            pltpu.VMEM((NSLOT, B, H), jnp.float32),
            pltpu.VMEM((NSLOT, B, H), jnp.float32),
            pltpu.VMEM_SHARED((NPAD, H), jnp.float32),
            pltpu.SemaphoreType.DMA((NSLOT,)),
            pltpu.SemaphoreType.DMA((NSLOT,)),
            pltpu.SemaphoreType.DMA((NSLOT,)),
        ],
    )




def _combine_body(p_ref, o_ref):
    o_ref[...] = p_ref[0] + p_ref[1]


def _combine(parts):
    return pl.pallas_call(
        _combine_body,
        out_shape=jax.ShapeDtypeStruct((NPAD, H), jnp.float32),
    )(parts)


def _update_body(p_ref, w_ref, o_ref):
    agg = p_ref[0] + p_ref[1]
    o_ref[...] = jnp.maximum(
        jnp.dot(agg, w_ref[...], preferred_element_type=jnp.float32), 0.0
    )


def _update(parts, w):
    return pl.pallas_call(
        _update_body,
        out_shape=jax.ShapeDtypeStruct((NPAD, H), jnp.float32),
    )(parts, w)


def _head_body(p_ref, wl_ref, gid_ref, wfc_ref, bfc_ref, o_ref):
    agg = p_ref[0] + p_ref[1]
    x = jnp.maximum(jnp.dot(agg, wl_ref[...], preferred_element_type=jnp.float32), 0.0)
    gid = gid_ref[...]
    onehot = (gid == lax.broadcasted_iota(jnp.int32, (NPAD, G), 1)).astype(jnp.float32)
    sums = lax.dot_general(
        onehot, x, (((0,), (0,)), ((), ())), preferred_element_type=jnp.float32
    )
    cnt = jnp.sum(onehot, axis=0)[:, None]
    xg = sums / jnp.maximum(cnt, 1.0)
    logits = jnp.dot(xg, wfc_ref[...], preferred_element_type=jnp.float32) + bfc_ref[...]
    mx = jnp.max(logits, axis=1, keepdims=True)
    z = logits - mx
    lse = jnp.log(jnp.sum(jnp.exp(z), axis=1, keepdims=True))
    o_ref[...] = z - lse


def _head(parts, wl, gid2, wfc, bfc2):
    return pl.pallas_call(
        _head_body,
        out_shape=jax.ShapeDtypeStruct((G, C), jnp.float32),
    )(parts, wl, gid2, wfc, bfc2)




def kernel(edge_index, edge_dist, node_types, graph_ids, W_emb1, W_emb2,
           duplet_src, duplet_dst, Wf1, Wf2, Wl, W_fc, b_fc):
    del node_types, duplet_src, duplet_dst
    src3 = edge_index[0].astype(jnp.int32).reshape(NW, NB, 1, B)
    dst3 = edge_index[1].astype(jnp.int32).reshape(NW, NB, 1, B)
    idx4 = jnp.concatenate([src3, dst3], axis=2)
    d2 = edge_dist.astype(jnp.float32).reshape(E, 1)
    zeros = jnp.zeros((ROWS_PER_TILE, H), jnp.float32)
    gid2 = jnp.concatenate(
        [graph_ids.astype(jnp.int32), jnp.full((NPAD - N,), G, jnp.int32)]
    ).reshape(NPAD, 1)
    bfc2 = b_fc.reshape(1, C)

    m, filt = _filters(d2, W_emb1, W_emb2, Wf1, Wf2)
    parts = _sc_embed(m, idx4, zeros)
    x = _combine(parts)
    sc_conv = _make_sc_conv()
    for i in range(2):
        parts = sc_conv(x, filt[i], idx4, zeros)
        x = _update(parts, Wl[i])
    parts = sc_conv(x, filt[2], idx4, zeros)
    return _head(parts, Wl[2], gid2, W_fc, bfc2)

# --- scband reference (transcript-rebuilt; emitter-appended) ---
"""Pipeline reference for scband-alignn-56667798504232 (READ-ONLY COPY).

The authoritative reference and input builder live on the scoring server;
editing this copy changes nothing except your own understanding.
"""

import jax, jax.numpy as jnp
import numpy as np

N = 10000
E = 320000
H = 128
C = 10
NUM_LAYERS = 4  # num_layers-1 = 3 conv layers
G = 64
NUM_TYPES = 100


def setup_inputs(seed: int = 0) -> dict:
    key = jax.random.key(seed)
    ks = jax.random.split(key, 16)
    s = 0.05
    inp = {}
    inp["edge_index"] = jax.random.randint(ks[0], (2, E), 0, N, dtype=jnp.int64) if jax.config.jax_enable_x64 else jax.random.randint(ks[0], (2, E), 0, N)
    inp["edge_dist"] = jax.random.uniform(ks[1], (E,), dtype=jnp.float32)
    inp["node_types"] = jax.random.randint(ks[2], (N,), 0, NUM_TYPES)
    inp["graph_ids"] = jnp.sort(jax.random.randint(ks[3], (N,), 0, G))
    # learned parameters
    inp["W_emb1"] = jax.random.normal(ks[4], (H, H), dtype=jnp.float32) * s   # radial_embedding MLP / SchnetEmbedding filter
    inp["W_emb2"] = jax.random.normal(ks[5], (H, H), dtype=jnp.float32) * s
    inp["duplet_src"] = jax.random.normal(ks[6], (NUM_TYPES, H), dtype=jnp.float32) * s  # color_invariant_duplet tables
    inp["duplet_dst"] = jax.random.normal(ks[7], (NUM_TYPES, H), dtype=jnp.float32) * s
    inp["Wf1"] = jax.random.normal(ks[8], (NUM_LAYERS - 1, H, H), dtype=jnp.float32) * s  # SchnetConv filter MLPs
    inp["Wf2"] = jax.random.normal(ks[9], (NUM_LAYERS - 1, H, H), dtype=jnp.float32) * s
    inp["Wl"] = jax.random.normal(ks[10], (NUM_LAYERS - 1, H, H), dtype=jnp.float32) * s  # SchnetConv output linear
    inp["W_fc"] = jax.random.normal(ks[11], (H, C), dtype=jnp.float32) * s
    inp["b_fc"] = jnp.zeros((C,), dtype=jnp.float32)
    return inp


def _basis(edge_dist):
    centers = jnp.linspace(0.0, 1.0, H, dtype=jnp.float32)
    gamma = 1.0 / ((centers[1] - centers[0]) ** 2)
    rbf = jnp.exp(-gamma * (edge_dist[:, None] - centers[None, :]) ** 2)
    cutoff = jnp.where(edge_dist < 1.0, 0.5 * (jnp.cos(jnp.pi * edge_dist) + 1.0), 0.0).astype(jnp.float32)
    return rbf * cutoff[:, None], cutoff


def reference(edge_index, edge_dist, node_types, graph_ids, W_emb1, W_emb2, duplet_src, duplet_dst, Wf1, Wf2, Wl, W_fc, b_fc):
    src = edge_index[0]
    dst = edge_index[1]
    bf, cutoff = _basis(edge_dist)  # get_bf_cutoff: g.edata['bf'] = rbf * cutoff
    # SchnetEmbedding: node features from scatter-add of filtered radial basis
    m = jax.nn.relu(bf @ W_emb1) @ W_emb2
    x = jax.ops.segment_sum(m, dst, num_segments=N)
    # color_invariant_duplet edge embedding (computed in torch forward, unused downstream)
    y = duplet_src[node_types[src]] + duplet_dst[node_types[dst]]
    # SchnetConv layers: continuous-filter convolution with cosine cutoff
    for i in range(NUM_LAYERS - 1):
        filt = (jax.nn.relu(bf @ Wf1[i]) @ Wf2[i]) * cutoff[:, None]
        msg = x[src] * filt                      # gather on src nodes
        agg = jax.ops.segment_sum(msg, dst, num_segments=N)  # scatter-add to dst nodes
        x = jax.nn.relu(agg @ Wl[i])
    # dgl.mean_nodes: per-graph mean pooling
    sums = jax.ops.segment_sum(x, graph_ids, num_segments=G)
    cnt = jax.ops.segment_sum(jnp.ones((N, 1), dtype=x.dtype), graph_ids, num_segments=G)
    xg = sums / jnp.clip(cnt, 1.0)
    logits = xg @ W_fc + b_fc
    return jax.nn.log_softmax(logits, axis=1)

if __name__ == "__main__":
    import jax
    _d = setup_inputs()
    print(jax.jit(kernel)(*tuple(_d.values())))

</pallas_src>

<mosaic_0001>
#map = affine_map<(d0, d1) -> (0, 0)>
#map1 = affine_map<(d0, d1) -> (0, 0, 0, 0)>
#map2 = affine_map<(d0, d1) -> (0, 0, 0)>
module attributes {stable_mosaic.version = 14 : i64} {
  func.func @body(%arg0: i32, %arg1: i32, %arg2: memref<10112x128xf32, #tpu.memory_space<hbm>>, %arg3: memref<320000x128xf32, #tpu.memory_space<hbm>>, %arg4: memref<32x250x2x40xi32, #tpu.memory_space<hbm>>, %arg5: memref<632x128xf32, #tpu.memory_space<hbm>>, %arg6: memref<2x10112x128xf32, #tpu.memory_space<hbm>>, %arg7: memref<3x2x40xi32, #tpu.memory_space<vmem>>, %arg8: memref<3x40x128xf32, #tpu.memory_space<vmem>>, %arg9: memref<3x40x128xf32, #tpu.memory_space<vmem>>, %arg10: memref<10112x128xf32, #tpu.memory_space<vmem_shared>>, %arg11: memref<3x!tpu.dma_semaphore, #tpu.memory_space<semaphore_mem>>, %arg12: memref<3x!tpu.dma_semaphore, #tpu.memory_space<semaphore_mem>>, %arg13: memref<3x!tpu.dma_semaphore, #tpu.memory_space<semaphore_mem>>) attributes {dimension_semantics = [#tpu.dimension_semantics<core_parallel>, #tpu.dimension_semantics<subcore_parallel>], iteration_bounds = array<i64: 2, 16>, scalar_prefetch = 0 : i64, scratch_operands = 7 : i64, tpu.core_type = #tpu.core_type<sc_vector_subcore>, window_params = [{transform_indices = #map}, {transform_indices = #map}, {transform_indices = #map1}, {transform_indices = #map}, {transform_indices = #map2}]} {
    %mul3A = arith.constant 16 : i32
    %mul3A_0 = arith.muli %arg0, %mul3A : i32
    %add3A = arith.addi %mul3A_0, %arg1 : i32
    %mul3A_1 = arith.constant 632 : i32
    %mul3A_2 = arith.muli %arg1, %mul3A_1 : i32
    "tpu.region"() ({
      %run_scoped3A_96 = tpu.sem_alloc : memref<!tpu.dma_semaphore, #tpu.memory_space<semaphore_mem>>
      %dma_start3A_97 = arith.constant 0 : i32
      %dma_start3A_98 = tpu.memref_slice %arg10[%mul3A_2, %dma_start3A_97] : memref<10112x128xf32, #tpu.memory_space<vmem_shared>> -> memref<632x128xf32, #tpu.memory_space<vmem_shared>>
      tpu.enqueue_dma source(%arg5 : memref<632x128xf32, #tpu.memory_space<hbm>>) target(%dma_start3A_98 : memref<632x128xf32, #tpu.memory_space<vmem_shared>>) target_semaphore(%run_scoped3A_96 : memref<!tpu.dma_semaphore, #tpu.memory_space<semaphore_mem>>)
      %dma_wait3A_99 = arith.constant 0 : i32
      %dma_wait3A_100 = tpu.memref_slice %arg10[%mul3A_2, %dma_wait3A_99] : memref<10112x128xf32, #tpu.memory_space<vmem_shared>> -> memref<632x128xf32, #tpu.memory_space<vmem_shared>>
      tpu.wait_dma2 semaphore(%run_scoped3A_96 : memref<!tpu.dma_semaphore, #tpu.memory_space<semaphore_mem>>) src(%arg5 : memref<632x128xf32, #tpu.memory_space<hbm>>) dst(%dma_wait3A_100 : memref<632x128xf32, #tpu.memory_space<vmem_shared>>)
      tpu.yield
    }) : () -> ()
    %barrier3A = arith.constant 0 : index
    tpu.barrier barrier_id(%barrier3A)
    %run_scoped3A = arith.constant 0 : i32
    %run_scoped3A_3 = arith.constant 0 : i32
    "tpu.region"() ({
      %run_scoped3A_96 = tpu.sem_alloc : memref<!tpu.dma_semaphore, #tpu.memory_space<semaphore_mem>>
      %dma_start3A_97 = arith.constant 0 : i32
      %dma_start3A_98 = arith.constant 0 : i32
      %dma_start3A_99 = tpu.memref_slice %arg7[%run_scoped3A_3, %dma_start3A_97, %dma_start3A_98] : memref<3x2x40xi32, #tpu.memory_space<vmem>> -> memref<1x2x40xi32, #tpu.memory_space<vmem>>
      %dma_start3A_100 = tpu.memref_squeeze %dma_start3A_99 : memref<1x2x40xi32, #tpu.memory_space<vmem>> -> memref<2x40xi32, #tpu.memory_space<vmem>>
      %dma_start3A_101 = arith.constant 0 : i32
      %dma_start3A_102 = arith.constant 0 : i32
      %dma_start3A_103 = tpu.memref_slice %arg4[%add3A, %run_scoped3A, %dma_start3A_101, %dma_start3A_102] : memref<32x250x2x40xi32, #tpu.memory_space<hbm>> -> memref<1x1x2x40xi32, #tpu.memory_space<hbm>>
      %dma_start3A_104 = tpu.memref_squeeze %dma_start3A_103 : memref<1x1x2x40xi32, #tpu.memory_space<hbm>> -> memref<2x40xi32, #tpu.memory_space<hbm>>
      %dma_start3A_105 = arith.constant 0 : i32
      %dma_start3A_106 = arith.constant 0 : i32
      %dma_start3A_107 = tpu.memref_slice %arg7[%run_scoped3A_3, %dma_start3A_105, %dma_start3A_106] : memref<3x2x40xi32, #tpu.memory_space<vmem>> -> memref<1x2x40xi32, #tpu.memory_space<vmem>>
      %dma_start3A_108 = tpu.memref_squeeze %dma_start3A_107 : memref<1x2x40xi32, #tpu.memory_space<vmem>> -> memref<2x40xi32, #tpu.memory_space<vmem>>
      %dma_start3A_109 = arith.constant 0 : i32
      %dma_start3A_110 = arith.constant 0 : i32
      %dma_start3A_111 = tpu.memref_slice %arg4[%add3A, %run_scoped3A, %dma_start3A_109, %dma_start3A_110] : memref<32x250x2x40xi32, #tpu.memory_space<hbm>> -> memref<1x1x2x40xi32, #tpu.memory_space<hbm>>
      %dma_start3A_112 = tpu.memref_squeeze %dma_start3A_111 : memref<1x1x2x40xi32, #tpu.memory_space<hbm>> -> memref<2x40xi32, #tpu.memory_space<hbm>>
      tpu.enqueue_dma source(%dma_start3A_112 : memref<2x40xi32, #tpu.memory_space<hbm>>) target(%dma_start3A_108 : memref<2x40xi32, #tpu.memory_space<vmem>>) target_semaphore(%run_scoped3A_96 : memref<!tpu.dma_semaphore, #tpu.memory_space<semaphore_mem>>)
      %dma_wait3A_113 = arith.constant 0 : i32
      %dma_wait3A_114 = arith.constant 0 : i32
      %dma_wait3A_115 = tpu.memref_slice %arg7[%run_scoped3A_3, %dma_wait3A_113, %dma_wait3A_114] : memref<3x2x40xi32, #tpu.memory_space<vmem>> -> memref<1x2x40xi32, #tpu.memory_space<vmem>>
      %dma_wait3A_116 = tpu.memref_squeeze %dma_wait3A_115 : memref<1x2x40xi32, #tpu.memory_space<vmem>> -> memref<2x40xi32, #tpu.memory_space<vmem>>
      %dma_wait3A_117 = arith.constant 0 : i32
      %dma_wait3A_118 = arith.constant 0 : i32
      %dma_wait3A_119 = tpu.memref_slice %arg4[%add3A, %run_scoped3A, %dma_wait3A_117, %dma_wait3A_118] : memref<32x250x2x40xi32, #tpu.memory_space<hbm>> -> memref<1x1x2x40xi32, #tpu.memory_space<hbm>>
      %dma_wait3A_120 = tpu.memref_squeeze %dma_wait3A_119 : memref<1x1x2x40xi32, #tpu.memory_space<hbm>> -> memref<2x40xi32, #tpu.memory_space<hbm>>
      %dma_wait3A_121 = arith.constant 0 : i32
      %dma_wait3A_122 = arith.constant 0 : i32
      %dma_wait3A_123 = tpu.memref_slice %arg7[%run_scoped3A_3, %dma_wait3A_121, %dma_wait3A_122] : memref<3x2x40xi32, #tpu.memory_space<vmem>> -> memref<1x2x40xi32, #tpu.memory_space<vmem>>
      %dma_wait3A_124 = tpu.memref_squeeze %dma_wait3A_123 : memref<1x2x40xi32, #tpu.memory_space<vmem>> -> memref<2x40xi32, #tpu.memory_space<vmem>>
      %dma_wait3A_125 = arith.constant 0 : i32
      %dma_wait3A_126 = arith.constant 0 : i32
      %dma_wait3A_127 = tpu.memref_slice %arg4[%add3A, %run_scoped3A, %dma_wait3A_125, %dma_wait3A_126] : memref<32x250x2x40xi32, #tpu.memory_space<hbm>> -> memref<1x1x2x40xi32, #tpu.memory_space<hbm>>
      %dma_wait3A_128 = tpu.memref_squeeze %dma_wait3A_127 : memref<1x1x2x40xi32, #tpu.memory_space<hbm>> -> memref<2x40xi32, #tpu.memory_space<hbm>>
      tpu.wait_dma2 semaphore(%run_scoped3A_96 : memref<!tpu.dma_semaphore, #tpu.memory_space<semaphore_mem>>) src(%dma_wait3A_128 : memref<2x40xi32, #tpu.memory_space<hbm>>) dst(%dma_wait3A_124 : memref<2x40xi32, #tpu.memory_space<vmem>>)
      tpu.yield
    }) : () -> ()
    %dma_start3A = arith.constant 0 : i32
    %dma_start3A_4 = arith.constant 0 : i32
    %dma_start3A_5 = arith.constant 0 : i32
    %dma_start3A_6 = arith.constant 0 : i32
    %dma_start3A_7 = arith.constant 0 : i32
    %dma_start3A_8 = arith.constant 0 : i32
    %dma_start3A_9 = tpu.memref_slice %arg8[%dma_start3A_5, %dma_start3A_7, %dma_start3A_8] : memref<3x40x128xf32, #tpu.memory_space<vmem>> -> memref<1x40x128xf32, #tpu.memory_space<vmem>>
    %dma_start3A_10 = tpu.memref_squeeze %dma_start3A_9 : memref<1x40x128xf32, #tpu.memory_space<vmem>> -> memref<40x128xf32, #tpu.memory_space<vmem>>
    %dma_start3A_11 = arith.constant 0 : i32
    %dma_start3A_12 = tpu.memref_slice %arg7[%dma_start3A, %dma_start3A_4, %dma_start3A_11] : memref<3x2x40xi32, #tpu.memory_space<vmem>> -> memref<1x1x40xi32, #tpu.memory_space<vmem>>
    %dma_start3A_13 = tpu.memref_squeeze %dma_start3A_12 : memref<1x1x40xi32, #tpu.memory_space<vmem>> -> memref<40xi32, #tpu.memory_space<vmem>>
    %dma_start3A_14 = arith.constant 0 : i32
    %dma_start3A_15 = arith.constant 0 : i32
    %dma_start3A_16 = tpu.memref_slice %arg2[%dma_start3A_14, %dma_start3A_15] : memref<10112x128xf32, #tpu.memory_space<hbm>> -> memref<10112x128xf32, #tpu.memory_space<hbm>>
    %dma_start3A_17 = tpu.memref_slice %arg11[%dma_start3A_6] : memref<3x!tpu.dma_semaphore, #tpu.memory_space<semaphore_mem>> -> memref<1x!tpu.dma_semaphore, #tpu.memory_space<semaphore_mem>>
    %dma_start3A_18 = tpu.memref_squeeze %dma_start3A_17 : memref<1x!tpu.dma_semaphore, #tpu.memory_space<semaphore_mem>> -> memref<!tpu.dma_semaphore, #tpu.memory_space<semaphore_mem>>
    tpu.enqueue_indirect_dma source(%dma_start3A_16 : memref<10112x128xf32, #tpu.memory_space<hbm>>) target(%dma_start3A_10 : memref<40x128xf32, #tpu.memory_space<vmem>>) offsets(%dma_start3A_13 : memref<40xi32, #tpu.memory_space<vmem>>) semaphore(%dma_start3A_18 : memref<!tpu.dma_semaphore, #tpu.memory_space<semaphore_mem>>)
    %mul3A_19 = arith.constant 10000 : i32
    %mul3A_20 = arith.muli %add3A, %mul3A_19 : i32
    %add3A_21 = arith.constant 0 : i32
    %add3A_22 = arith.addi %mul3A_20, %add3A_21 : i32
    %dma_start3A_23 = arith.constant 0 : i32
    %dma_start3A_24 = arith.constant 0 : i32
    %dma_start3A_25 = arith.constant 0 : i32
    %dma_start3A_26 = arith.constant 0 : i32
    %dma_start3A_27 = tpu.memref_slice %arg9[%dma_start3A_23, %dma_start3A_25, %dma_start3A_26] : memref<3x40x128xf32, #tpu.memory_space<vmem>> -> memref<1x40x128xf32, #tpu.memory_space<vmem>>
    %dma_start3A_28 = tpu.memref_squeeze %dma_start3A_27 : memref<1x40x128xf32, #tpu.memory_space<vmem>> -> memref<40x128xf32, #tpu.memory_space<vmem>>
    %dma_start3A_29 = arith.constant 0 : i32
    %dma_start3A_30 = tpu.memref_slice %arg3[%add3A_22, %dma_start3A_29] : memref<320000x128xf32, #tpu.memory_space<hbm>> -> memref<40x128xf32, #tpu.memory_space<hbm>>
    %dma_start3A_31 = tpu.memref_slice %arg12[%dma_start3A_24] : memref<3x!tpu.dma_semaphore, #tpu.memory_space<semaphore_mem>> -> memref<1x!tpu.dma_semaphore, #tpu.memory_space<semaphore_mem>>
    %dma_start3A_32 = tpu.memref_squeeze %dma_start3A_31 : memref<1x!tpu.dma_semaphore, #tpu.memory_space<semaphore_mem>> -> memref<!tpu.dma_semaphore, #tpu.memory_space<semaphore_mem>>
    %dma_start3A_33 = arith.constant 0 : i32
    %dma_start3A_34 = arith.constant 0 : i32
    %dma_start3A_35 = tpu.memref_slice %arg9[%dma_start3A_23, %dma_start3A_33, %dma_start3A_34] : memref<3x40x128xf32, #tpu.memory_space<vmem>> -> memref<1x40x128xf32, #tpu.memory_space<vmem>>
    %dma_start3A_36 = tpu.memref_squeeze %dma_start3A_35 : memref<1x40x128xf32, #tpu.memory_space<vmem>> -> memref<40x128xf32, #tpu.memory_space<vmem>>
    %dma_start3A_37 = arith.constant 0 : i32
    %dma_start3A_38 = tpu.memref_slice %arg3[%add3A_22, %dma_start3A_37] : memref<320000x128xf32, #tpu.memory_space<hbm>> -> memref<40x128xf32, #tpu.memory_space<hbm>>
    tpu.enqueue_dma source(%dma_start3A_38 : memref<40x128xf32, #tpu.memory_space<hbm>>) target(%dma_start3A_36 : memref<40x128xf32, #tpu.memory_space<vmem>>) target_semaphore(%dma_start3A_32 : memref<!tpu.dma_semaphore, #tpu.memory_space<semaphore_mem>>)
    %scan3A = arith.constant 0 : i32
    %scan3A_39 = arith.constant 0 : i32
    %scan3A_40 = arith.constant 250 : i32
    %scan3A_41 = arith.addi %scan3A_39, %scan3A_40 : i32
    %scan3A_42 = arith.constant 1 : i32
    scf.for %scan3A_96 = %scan3A_39 to %scan3A_41 step %scan3A_42  : i32 {
      %rem3A = arith.constant 3 : i32
      %rem3A_97 = arith.remsi %scan3A_96, %rem3A : i32
      %add3A_98 = arith.constant 1 : i32
      %add3A_99 = arith.addi %scan3A_96, %add3A_98 : i32
      %rem3A_100 = arith.constant 3 : i32
      %rem3A_101 = arith.remsi %add3A_99, %rem3A_100 : i32
      %add3A_102 = arith.constant 1 : i32
      %add3A_103 = arith.addi %scan3A_96, %add3A_102 : i32
      %lt3A = arith.constant 250 : i32
      %lt3A_104 = arith.cmpi slt, %add3A_103, %lt3A : i32
      %convert_element_type3A = arith.extui %lt3A_104 : i1 to i32
      %cond3A = arith.constant 0 : i32
      %cond3A_105 = arith.cmpi ne, %convert_element_type3A, %cond3A : i32
      scf.if %cond3A_105 {
        %add3A_157 = arith.constant 1 : i32
        %add3A_158 = arith.addi %scan3A_96, %add3A_157 : i32
        %ge3A = arith.constant 3 : i32
        %ge3A_159 = arith.cmpi sge, %add3A_158, %ge3A : i32
        %convert_element_type3A_160 = arith.extui %ge3A_159 : i1 to i32
        %cond3A_161 = arith.constant 0 : i32
        %cond3A_162 = arith.cmpi ne, %convert_element_type3A_160, %cond3A_161 : i32
        scf.if %cond3A_162 {
          %dma_wait3A_197 = arith.constant 1 : i32
          %dma_wait3A_198 = arith.constant 0 : i32
          %dma_wait3A_199 = arith.constant 0 : i32
          %dma_wait3A_200 = tpu.memref_slice %arg8[%rem3A_101, %dma_wait3A_198, %dma_wait3A_199] : memref<3x40x128xf32, #tpu.memory_space<vmem>> -> memref<1x40x128xf32, #tpu.memory_space<vmem>>
          %dma_wait3A_201 = tpu.memref_squeeze %dma_wait3A_200 : memref<1x40x128xf32, #tpu.memory_space<vmem>> -> memref<40x128xf32, #tpu.memory_space<vmem>>
          %dma_wait3A_202 = arith.constant 0 : i32
          %dma_wait3A_203 = tpu.memref_slice %arg7[%rem3A_101, %dma_wait3A_197, %dma_wait3A_202] : memref<3x2x40xi32, #tpu.memory_space<vmem>> -> memref<1x1x40xi32, #tpu.memory_space<vmem>>
          %dma_wait3A_204 = tpu.memref_squeeze %dma_wait3A_203 : memref<1x1x40xi32, #tpu.memory_space<vmem>> -> memref<40xi32, #tpu.memory_space<vmem>>
          %dma_wait3A_205 = arith.constant 0 : i32
          %dma_wait3A_206 = arith.constant 0 : i32
          %dma_wait3A_207 = tpu.memref_slice %arg10[%dma_wait3A_205, %dma_wait3A_206] : memref<10112x128xf32, #tpu.memory_space<vmem_shared>> -> memref<10112x128xf32, #tpu.memory_space<vmem_shared>>
          %dma_wait3A_208 = tpu.memref_slice %arg13[%rem3A_101] : memref<3x!tpu.dma_semaphore, #tpu.memory_space<semaphore_mem>> -> memref<1x!tpu.dma_semaphore, #tpu.memory_space<semaphore_mem>>
          %dma_wait3A_209 = tpu.memref_squeeze %dma_wait3A_208 : memref<1x!tpu.dma_semaphore, #tpu.memory_space<semaphore_mem>> -> memref<!tpu.dma_semaphore, #tpu.memory_space<semaphore_mem>>
          tpu.wait_indirect_dma semaphore(%dma_wait3A_209 : memref<!tpu.dma_semaphore, #tpu.memory_space<semaphore_mem>>) src(%dma_wait3A_201 : memref<40x128xf32, #tpu.memory_space<vmem>>) dst(%dma_wait3A_207 : memref<10112x128xf32, #tpu.memory_space<vmem_shared>>)
        } else {
        }
        %add3A_163 = arith.constant 1 : i32
        %add3A_164 = arith.addi %scan3A_96, %add3A_163 : i32
        "tpu.region"() ({
          %run_scoped3A_197 = tpu.sem_alloc : memref<!tpu.dma_semaphore, #tpu.memory_space<semaphore_mem>>
          %dma_start3A_198 = arith.constant 0 : i32
          %dma_start3A_199 = arith.constant 0 : i32
          %dma_start3A_200 = tpu.memref_slice %arg7[%rem3A_101, %dma_start3A_198, %dma_start3A_199] : memref<3x2x40xi32, #tpu.memory_space<vmem>> -> memref<1x2x40xi32, #tpu.memory_space<vmem>>
          %dma_start3A_201 = tpu.memref_squeeze %dma_start3A_200 : memref<1x2x40xi32, #tpu.memory_space<vmem>> -> memref<2x40xi32, #tpu.memory_space<vmem>>
          %dma_start3A_202 = arith.constant 0 : i32
          %dma_start3A_203 = arith.constant 0 : i32
          %dma_start3A_204 = tpu.memref_slice %arg4[%add3A, %add3A_164, %dma_start3A_202, %dma_start3A_203] : memref<32x250x2x40xi32, #tpu.memory_space<hbm>> -> memref<1x1x2x40xi32, #tpu.memory_space<hbm>>
          %dma_start3A_205 = tpu.memref_squeeze %dma_start3A_204 : memref<1x1x2x40xi32, #tpu.memory_space<hbm>> -> memref<2x40xi32, #tpu.memory_space<hbm>>
          %dma_start3A_206 = arith.constant 0 : i32
          %dma_start3A_207 = arith.constant 0 : i32
          %dma_start3A_208 = tpu.memref_slice %arg7[%rem3A_101, %dma_start3A_206, %dma_start3A_207] : memref<3x2x40xi32, #tpu.memory_space<vmem>> -> memref<1x2x40xi32, #tpu.memory_space<vmem>>
          %dma_start3A_209 = tpu.memref_squeeze %dma_start3A_208 : memref<1x2x40xi32, #tpu.memory_space<vmem>> -> memref<2x40xi32, #tpu.memory_space<vmem>>
          %dma_start3A_210 = arith.constant 0 : i32
          %dma_start3A_211 = arith.constant 0 : i32
          %dma_start3A_212 = tpu.memref_slice %arg4[%add3A, %add3A_164, %dma_start3A_210, %dma_start3A_211] : memref<32x250x2x40xi32, #tpu.memory_space<hbm>> -> memref<1x1x2x40xi32, #tpu.memory_space<hbm>>
          %dma_start3A_213 = tpu.memref_squeeze %dma_start3A_212 : memref<1x1x2x40xi32, #tpu.memory_space<hbm>> -> memref<2x40xi32, #tpu.memory_space<hbm>>
          tpu.enqueue_dma source(%dma_start3A_213 : memref<2x40xi32, #tpu.memory_space<hbm>>) target(%dma_start3A_209 : memref<2x40xi32, #tpu.memory_space<vmem>>) target_semaphore(%run_scoped3A_197 : memref<!tpu.dma_semaphore, #tpu.memory_space<semaphore_mem>>)
          %dma_wait3A_214 = arith.constant 0 : i32
          %dma_wait3A_215 = arith.constant 0 : i32
          %dma_wait3A_216 = tpu.memref_slice %arg7[%rem3A_101, %dma_wait3A_214, %dma_wait3A_215] : memref<3x2x40xi32, #tpu.memory_space<vmem>> -> memref<1x2x40xi32, #tpu.memory_space<vmem>>
          %dma_wait3A_217 = tpu.memref_squeeze %dma_wait3A_216 : memref<1x2x40xi32, #tpu.memory_space<vmem>> -> memref<2x40xi32, #tpu.memory_space<vmem>>
          %dma_wait3A_218 = arith.constant 0 : i32
          %dma_wait3A_219 = arith.constant 0 : i32
          %dma_wait3A_220 = tpu.memref_slice %arg4[%add3A, %add3A_164, %dma_wait3A_218, %dma_wait3A_219] : memref<32x250x2x40xi32, #tpu.memory_space<hbm>> -> memref<1x1x2x40xi32, #tpu.memory_space<hbm>>
          %dma_wait3A_221 = tpu.memref_squeeze %dma_wait3A_220 : memref<1x1x2x40xi32, #tpu.memory_space<hbm>> -> memref<2x40xi32, #tpu.memory_space<hbm>>
          %dma_wait3A_222 = arith.constant 0 : i32
          %dma_wait3A_223 = arith.constant 0 : i32
          %dma_wait3A_224 = tpu.memref_slice %arg7[%rem3A_101, %dma_wait3A_222, %dma_wait3A_223] : memref<3x2x40xi32, #tpu.memory_space<vmem>> -> memref<1x2x40xi32, #tpu.memory_space<vmem>>
          %dma_wait3A_225 = tpu.memref_squeeze %dma_wait3A_224 : memref<1x2x40xi32, #tpu.memory_space<vmem>> -> memref<2x40xi32, #tpu.memory_space<vmem>>
          %dma_wait3A_226 = arith.constant 0 : i32
          %dma_wait3A_227 = arith.constant 0 : i32
          %dma_wait3A_228 = tpu.memref_slice %arg4[%add3A, %add3A_164, %dma_wait3A_226, %dma_wait3A_227] : memref<32x250x2x40xi32, #tpu.memory_space<hbm>> -> memref<1x1x2x40xi32, #tpu.memory_space<hbm>>
          %dma_wait3A_229 = tpu.memref_squeeze %dma_wait3A_228 : memref<1x1x2x40xi32, #tpu.memory_space<hbm>> -> memref<2x40xi32, #tpu.memory_space<hbm>>
          tpu.wait_dma2 semaphore(%run_scoped3A_197 : memref<!tpu.dma_semaphore, #tpu.memory_space<semaphore_mem>>) src(%dma_wait3A_229 : memref<2x40xi32, #tpu.memory_space<hbm>>) dst(%dma_wait3A_225 : memref<2x40xi32, #tpu.memory_space<vmem>>)
          tpu.yield
        }) : () -> ()
        %dma_start3A_165 = arith.constant 0 : i32
        %dma_start3A_166 = arith.constant 0 : i32
        %dma_start3A_167 = arith.constant 0 : i32
        %dma_start3A_168 = tpu.memref_slice %arg8[%rem3A_101, %dma_start3A_166, %dma_start3A_167] : memref<3x40x128xf32, #tpu.memory_space<vmem>> -> memref<1x40x128xf32, #tpu.memory_space<vmem>>
        %dma_start3A_169 = tpu.memref_squeeze %dma_start3A_168 : memref<1x40x128xf32, #tpu.memory_space<vmem>> -> memref<40x128xf32, #tpu.memory_space<vmem>>
        %dma_start3A_170 = arith.constant 0 : i32
        %dma_start3A_171 = tpu.memref_slice %arg7[%rem3A_101, %dma_start3A_165, %dma_start3A_170] : memref<3x2x40xi32, #tpu.memory_space<vmem>> -> memref<1x1x40xi32, #tpu.memory_space<vmem>>
        %dma_start3A_172 = tpu.memref_squeeze %dma_start3A_171 : memref<1x1x40xi32, #tpu.memory_space<vmem>> -> memref<40xi32, #tpu.memory_space<vmem>>
        %dma_start3A_173 = arith.constant 0 : i32
        %dma_start3A_174 = arith.constant 0 : i32
        %dma_start3A_175 = tpu.memref_slice %arg2[%dma_start3A_173, %dma_start3A_174] : memref<10112x128xf32, #tpu.memory_space<hbm>> -> memref<10112x128xf32, #tpu.memory_space<hbm>>
        %dma_start3A_176 = tpu.memref_slice %arg11[%rem3A_101] : memref<3x!tpu.dma_semaphore, #tpu.memory_space<semaphore_mem>> -> memref<1x!tpu.dma_semaphore, #tpu.memory_space<semaphore_mem>>
        %dma_start3A_177 = tpu.memref_squeeze %dma_start3A_176 : memref<1x!tpu.dma_semaphore, #tpu.memory_space<semaphore_mem>> -> memref<!tpu.dma_semaphore, #tpu.memory_space<semaphore_mem>>
        tpu.enqueue_indirect_dma source(%dma_start3A_175 : memref<10112x128xf32, #tpu.memory_space<hbm>>) target(%dma_start3A_169 : memref<40x128xf32, #tpu.memory_space<vmem>>) offsets(%dma_start3A_172 : memref<40xi32, #tpu.memory_space<vmem>>) semaphore(%dma_start3A_177 : memref<!tpu.dma_semaphore, #tpu.memory_space<semaphore_mem>>)
        %mul3A_178 = arith.constant 10000 : i32
        %mul3A_179 = arith.muli %add3A, %mul3A_178 : i32
        %mul3A_180 = arith.constant 40 : i32
        %mul3A_181 = arith.muli %add3A_164, %mul3A_180 : i32
        %add3A_182 = arith.addi %mul3A_179, %mul3A_181 : i32
        %dma_start3A_183 = arith.constant 0 : i32
        %dma_start3A_184 = arith.constant 0 : i32
        %dma_start3A_185 = tpu.memref_slice %arg9[%rem3A_101, %dma_start3A_183, %dma_start3A_184] : memref<3x40x128xf32, #tpu.memory_space<vmem>> -> memref<1x40x128xf32, #tpu.memory_space<vmem>>
        %dma_start3A_186 = tpu.memref_squeeze %dma_start3A_185 : memref<1x40x128xf32, #tpu.memory_space<vmem>> -> memref<40x128xf32, #tpu.memory_space<vmem>>
        %dma_start3A_187 = arith.constant 0 : i32
        %dma_start3A_188 = tpu.memref_slice %arg3[%add3A_182, %dma_start3A_187] : memref<320000x128xf32, #tpu.memory_space<hbm>> -> memref<40x128xf32, #tpu.memory_space<hbm>>
        %dma_start3A_189 = tpu.memref_slice %arg12[%rem3A_101] : memref<3x!tpu.dma_semaphore, #tpu.memory_space<semaphore_mem>> -> memref<1x!tpu.dma_semaphore, #tpu.memory_space<semaphore_mem>>
        %dma_start3A_190 = tpu.memref_squeeze %dma_start3A_189 : memref<1x!tpu.dma_semaphore, #tpu.memory_space<semaphore_mem>> -> memref<!tpu.dma_semaphore, #tpu.memory_space<semaphore_mem>>
        %dma_start3A_191 = arith.constant 0 : i32
        %dma_start3A_192 = arith.constant 0 : i32
        %dma_start3A_193 = tpu.memref_slice %arg9[%rem3A_101, %dma_start3A_191, %dma_start3A_192] : memref<3x40x128xf32, #tpu.memory_space<vmem>> -> memref<1x40x128xf32, #tpu.memory_space<vmem>>
        %dma_start3A_194 = tpu.memref_squeeze %dma_start3A_193 : memref<1x40x128xf32, #tpu.memory_space<vmem>> -> memref<40x128xf32, #tpu.memory_space<vmem>>
        %dma_start3A_195 = arith.constant 0 : i32
        %dma_start3A_196 = tpu.memref_slice %arg3[%add3A_182, %dma_start3A_195] : memref<320000x128xf32, #tpu.memory_space<hbm>> -> memref<40x128xf32, #tpu.memory_space<hbm>>
        tpu.enqueue_dma source(%dma_start3A_196 : memref<40x128xf32, #tpu.memory_space<hbm>>) target(%dma_start3A_194 : memref<40x128xf32, #tpu.memory_space<vmem>>) target_semaphore(%dma_start3A_190 : memref<!tpu.dma_semaphore, #tpu.memory_space<semaphore_mem>>)
      } else {
      }
      %dma_wait3A_106 = arith.constant 0 : i32
      %dma_wait3A_107 = arith.constant 0 : i32
      %dma_wait3A_108 = arith.constant 0 : i32
      %dma_wait3A_109 = tpu.memref_slice %arg8[%rem3A_97, %dma_wait3A_107, %dma_wait3A_108] : memref<3x40x128xf32, #tpu.memory_space<vmem>> -> memref<1x40x128xf32, #tpu.memory_space<vmem>>
      %dma_wait3A_110 = tpu.memref_squeeze %dma_wait3A_109 : memref<1x40x128xf32, #tpu.memory_space<vmem>> -> memref<40x128xf32, #tpu.memory_space<vmem>>
      %dma_wait3A_111 = arith.constant 0 : i32
      %dma_wait3A_112 = tpu.memref_slice %arg7[%rem3A_97, %dma_wait3A_106, %dma_wait3A_111] : memref<3x2x40xi32, #tpu.memory_space<vmem>> -> memref<1x1x40xi32, #tpu.memory_space<vmem>>
      %dma_wait3A_113 = tpu.memref_squeeze %dma_wait3A_112 : memref<1x1x40xi32, #tpu.memory_space<vmem>> -> memref<40xi32, #tpu.memory_space<vmem>>
      %dma_wait3A_114 = arith.constant 0 : i32
      %dma_wait3A_115 = arith.constant 0 : i32
      %dma_wait3A_116 = tpu.memref_slice %arg2[%dma_wait3A_114, %dma_wait3A_115] : memref<10112x128xf32, #tpu.memory_space<hbm>> -> memref<10112x128xf32, #tpu.memory_space<hbm>>
      %dma_wait3A_117 = tpu.memref_slice %arg11[%rem3A_97] : memref<3x!tpu.dma_semaphore, #tpu.memory_space<semaphore_mem>> -> memref<1x!tpu.dma_semaphore, #tpu.memory_space<semaphore_mem>>
      %dma_wait3A_118 = tpu.memref_squeeze %dma_wait3A_117 : memref<1x!tpu.dma_semaphore, #tpu.memory_space<semaphore_mem>> -> memref<!tpu.dma_semaphore, #tpu.memory_space<semaphore_mem>>
      tpu.wait_indirect_dma semaphore(%dma_wait3A_118 : memref<!tpu.dma_semaphore, #tpu.memory_space<semaphore_mem>>) src(%dma_wait3A_116 : memref<10112x128xf32, #tpu.memory_space<hbm>>) dst(%dma_wait3A_110 : memref<40x128xf32, #tpu.memory_space<vmem>>)
      %mul3A_119 = arith.constant 10000 : i32
      %mul3A_120 = arith.muli %add3A, %mul3A_119 : i32
      %mul3A_121 = arith.constant 40 : i32
      %mul3A_122 = arith.muli %scan3A_96, %mul3A_121 : i32
      %add3A_123 = arith.addi %mul3A_120, %mul3A_122 : i32
      %dma_wait3A_124 = arith.constant 0 : i32
      %dma_wait3A_125 = arith.constant 0 : i32
      %dma_wait3A_126 = tpu.memref_slice %arg9[%rem3A_97, %dma_wait3A_124, %dma_wait3A_125] : memref<3x40x128xf32, #tpu.memory_space<vmem>> -> memref<1x40x128xf32, #tpu.memory_space<vmem>>
      %dma_wait3A_127 = tpu.memref_squeeze %dma_wait3A_126 : memref<1x40x128xf32, #tpu.memory_space<vmem>> -> memref<40x128xf32, #tpu.memory_space<vmem>>
      %dma_wait3A_128 = arith.constant 0 : i32
      %dma_wait3A_129 = tpu.memref_slice %arg3[%add3A_123, %dma_wait3A_128] : memref<320000x128xf32, #tpu.memory_space<hbm>> -> memref<40x128xf32, #tpu.memory_space<hbm>>
      %dma_wait3A_130 = tpu.memref_slice %arg12[%rem3A_97] : memref<3x!tpu.dma_semaphore, #tpu.memory_space<semaphore_mem>> -> memref<1x!tpu.dma_semaphore, #tpu.memory_space<semaphore_mem>>
      %dma_wait3A_131 = tpu.memref_squeeze %dma_wait3A_130 : memref<1x!tpu.dma_semaphore, #tpu.memory_space<semaphore_mem>> -> memref<!tpu.dma_semaphore, #tpu.memory_space<semaphore_mem>>
      %dma_wait3A_132 = arith.constant 0 : i32
      %dma_wait3A_133 = arith.constant 0 : i32
      %dma_wait3A_134 = tpu.memref_slice %arg9[%rem3A_97, %dma_wait3A_132, %dma_wait3A_133] : memref<3x40x128xf32, #tpu.memory_space<vmem>> -> memref<1x40x128xf32, #tpu.memory_space<vmem>>
      %dma_wait3A_135 = tpu.memref_squeeze %dma_wait3A_134 : memref<1x40x128xf32, #tpu.memory_space<vmem>> -> memref<40x128xf32, #tpu.memory_space<vmem>>
      %dma_wait3A_136 = arith.constant 0 : i32
      %dma_wait3A_137 = tpu.memref_slice %arg3[%add3A_123, %dma_wait3A_136] : memref<320000x128xf32, #tpu.memory_space<hbm>> -> memref<40x128xf32, #tpu.memory_space<hbm>>
      tpu.wait_dma2 semaphore(%dma_wait3A_131 : memref<!tpu.dma_semaphore, #tpu.memory_space<semaphore_mem>>) src(%dma_wait3A_137 : memref<40x128xf32, #tpu.memory_space<hbm>>) dst(%dma_wait3A_135 : memref<40x128xf32, #tpu.memory_space<vmem>>)
      %scan3A_138 = arith.constant 0 : i32
      %scan3A_139 = arith.constant 0 : i32
      %scan3A_140 = arith.constant 40 : i32
      %scan3A_141 = arith.addi %scan3A_139, %scan3A_140 : i32
      %scan3A_142 = arith.constant 1 : i32
      scf.for %scan3A_157 = %scan3A_139 to %scan3A_141 step %scan3A_142  : i32 {
        %get3A = arith.index_cast %rem3A_97 : i32 to index
        %get3A_158 = arith.index_cast %scan3A_157 : i32 to index
        %get3A_159 = arith.constant 0 : index
        %get3A_160 = tpu.vector_load %arg8[%get3A, %get3A_158, %get3A_159] {strides = array<i32>} : memref<3x40x128xf32, #tpu.memory_space<vmem>>, vector<1x1x16xf32>,
        %get3A_161 = vector.shape_cast %get3A_160 : vector<1x1x16xf32> to vector<16xf32>
        %get3A_162 = arith.index_cast %rem3A_97 : i32 to index
        %get3A_163 = arith.index_cast %scan3A_157 : i32 to index
        %get3A_164 = arith.constant 0 : index
        %get3A_165 = tpu.vector_load %arg9[%get3A_162, %get3A_163, %get3A_164] {strides = array<i32>} : memref<3x40x128xf32, #tpu.memory_space<vmem>>, vector<1x1x16xf32>,
        %get3A_166 = vector.shape_cast %get3A_165 : vector<1x1x16xf32> to vector<16xf32>
        %mul3A_167 = arith.mulf %get3A_161, %get3A_166 : vector<16xf32>
        %swap3A = arith.index_cast %rem3A_97 : i32 to index
        %swap3A_168 = arith.index_cast %scan3A_157 : i32 to index
        %swap3A_169 = arith.constant 0 : index
        %swap3A_170 = tpu.vector_load %arg8[%swap3A, %swap3A_168, %swap3A_169] {strides = array<i32>} : memref<3x40x128xf32, #tpu.memory_space<vmem>>, vector<1x1x16xf32>,
        %swap3A_171 = vector.shape_cast %swap3A_170 : vector<1x1x16xf32> to vector<16xf32>
        %swap3A_172 = vector.shape_cast %mul3A_167 : vector<16xf32> to vector<1x1x16xf32>
        tpu.vector_store %arg8[%swap3A, %swap3A_168, %swap3A_169], %swap3A_172 {strides = array<i32>} : memref<3x40x128xf32, #tpu.memory_space<vmem>>, vector<1x1x16xf32>,
        %get3A_173 = arith.index_cast %rem3A_97 : i32 to index
        %get3A_174 = arith.index_cast %scan3A_157 : i32 to index
        %get3A_175 = arith.constant 16 : index
        %get3A_176 = tpu.vector_load %arg8[%get3A_173, %get3A_174, %get3A_175] {strides = array<i32>} : memref<3x40x128xf32, #tpu.memory_space<vmem>>, vector<1x1x16xf32>,
        %get3A_177 = vector.shape_cast %get3A_176 : vector<1x1x16xf32> to vector<16xf32>
        %get3A_178 = arith.index_cast %rem3A_97 : i32 to index
        %get3A_179 = arith.index_cast %scan3A_157 : i32 to index
        %get3A_180 = arith.constant 16 : index
        %get3A_181 = tpu.vector_load %arg9[%get3A_178, %get3A_179, %get3A_180] {strides = array<i32>} : memref<3x40x128xf32, #tpu.memory_space<vmem>>, vector<1x1x16xf32>,
        %get3A_182 = vector.shape_cast %get3A_181 : vector<1x1x16xf32> to vector<16xf32>
        %mul3A_183 = arith.mulf %get3A_177, %get3A_182 : vector<16xf32>
        %swap3A_184 = arith.index_cast %rem3A_97 : i32 to index
        %swap3A_185 = arith.index_cast %scan3A_157 : i32 to index
        %swap3A_186 = arith.constant 16 : index
        %swap3A_187 = tpu.vector_load %arg8[%swap3A_184, %swap3A_185, %swap3A_186] {strides = array<i32>} : memref<3x40x128xf32, #tpu.memory_space<vmem>>, vector<1x1x16xf32>,
        %swap3A_188 = vector.shape_cast %swap3A_187 : vector<1x1x16xf32> to vector<16xf32>
        %swap3A_189 = vector.shape_cast %mul3A_183 : vector<16xf32> to vector<1x1x16xf32>
        tpu.vector_store %arg8[%swap3A_184, %swap3A_185, %swap3A_186], %swap3A_189 {strides = array<i32>} : memref<3x40x128xf32, #tpu.memory_space<vmem>>, vector<1x1x16xf32>,
        %get3A_190 = arith.index_cast %rem3A_97 : i32 to index
        %get3A_191 = arith.index_cast %scan3A_157 : i32 to index
        %get3A_192 = arith.constant 32 : index
        %get3A_193 = tpu.vector_load %arg8[%get3A_190, %get3A_191, %get3A_192] {strides = array<i32>} : memref<3x40x128xf32, #tpu.memory_space<vmem>>, vector<1x1x16xf32>,
        %get3A_194 = vector.shape_cast %get3A_193 : vector<1x1x16xf32> to vector<16xf32>
        %get3A_195 = arith.index_cast %rem3A_97 : i32 to index
        %get3A_196 = arith.index_cast %scan3A_157 : i32 to index
        %get3A_197 = arith.constant 32 : index
        %get3A_198 = tpu.vector_load %arg9[%get3A_195, %get3A_196, %get3A_197] {strides = array<i32>} : memref<3x40x128xf32, #tpu.memory_space<vmem>>, vector<1x1x16xf32>,
        %get3A_199 = vector.shape_cast %get3A_198 : vector<1x1x16xf32> to vector<16xf32>
        %mul3A_200 = arith.mulf %get3A_194, %get3A_199 : vector<16xf32>
        %swap3A_201 = arith.index_cast %rem3A_97 : i32 to index
        %swap3A_202 = arith.index_cast %scan3A_157 : i32 to index
        %swap3A_203 = arith.constant 32 : index
        %swap3A_204 = tpu.vector_load %arg8[%swap3A_201, %swap3A_202, %swap3A_203] {strides = array<i32>} : memref<3x40x128xf32, #tpu.memory_space<vmem>>, vector<1x1x16xf32>,
        %swap3A_205 = vector.shape_cast %swap3A_204 : vector<1x1x16xf32> to vector<16xf32>
        %swap3A_206 = vector.shape_cast %mul3A_200 : vector<16xf32> to vector<1x1x16xf32>
        tpu.vector_store %arg8[%swap3A_201, %swap3A_202, %swap3A_203], %swap3A_206 {strides = array<i32>} : memref<3x40x128xf32, #tpu.memory_space<vmem>>, vector<1x1x16xf32>,
        %get3A_207 = arith.index_cast %rem3A_97 : i32 to index
        %get3A_208 = arith.index_cast %scan3A_157 : i32 to index
        %get3A_209 = arith.constant 48 : index
        %get3A_210 = tpu.vector_load %arg8[%get3A_207, %get3A_208, %get3A_209] {strides = array<i32>} : memref<3x40x128xf32, #tpu.memory_space<vmem>>, vector<1x1x16xf32>,
        %get3A_211 = vector.shape_cast %get3A_210 : vector<1x1x16xf32> to vector<16xf32>
        %get3A_212 = arith.index_cast %rem3A_97 : i32 to index
        %get3A_213 = arith.index_cast %scan3A_157 : i32 to index
        %get3A_214 = arith.constant 48 : index
        %get3A_215 = tpu.vector_load %arg9[%get3A_212, %get3A_213, %get3A_214] {strides = array<i32>} : memref<3x40x128xf32, #tpu.memory_space<vmem>>, vector<1x1x16xf32>,
        %get3A_216 = vector.shape_cast %get3A_215 : vector<1x1x16xf32> to vector<16xf32>
        %mul3A_217 = arith.mulf %get3A_211, %get3A_216 : vector<16xf32>
        %swap3A_218 = arith.index_cast %rem3A_97 : i32 to index
        %swap3A_219 = arith.index_cast %scan3A_157 : i32 to index
        %swap3A_220 = arith.constant 48 : index
        %swap3A_221 = tpu.vector_load %arg8[%swap3A_218, %swap3A_219, %swap3A_220] {strides = array<i32>} : memref<3x40x128xf32, #tpu.memory_space<vmem>>, vector<1x1x16xf32>,
        %swap3A_222 = vector.shape_cast %swap3A_221 : vector<1x1x16xf32> to vector<16xf32>
        %swap3A_223 = vector.shape_cast %mul3A_217 : vector<16xf32> to vector<1x1x16xf32>
        tpu.vector_store %arg8[%swap3A_218, %swap3A_219, %swap3A_220], %swap3A_223 {strides = array<i32>} : memref<3x40x128xf32, #tpu.memory_space<vmem>>, vector<1x1x16xf32>,
        %get3A_224 = arith.index_cast %rem3A_97 : i32 to index
        %get3A_225 = arith.index_cast %scan3A_157 : i32 to index
        %get3A_226 = arith.constant 64 : index
        %get3A_227 = tpu.vector_load %arg8[%get3A_224, %get3A_225, %get3A_226] {strides = array<i32>} : memref<3x40x128xf32, #tpu.memory_space<vmem>>, vector<1x1x16xf32>,
        %get3A_228 = vector.shape_cast %get3A_227 : vector<1x1x16xf32> to vector<16xf32>
        %get3A_229 = arith.index_cast %rem3A_97 : i32 to index
        %get3A_230 = arith.index_cast %scan3A_157 : i32 to index
        %get3A_231 = arith.constant 64 : index
        %get3A_232 = tpu.vector_load %arg9[%get3A_229, %get3A_230, %get3A_231] {strides = array<i32>} : memref<3x40x128xf32, #tpu.memory_space<vmem>>, vector<1x1x16xf32>,
        %get3A_233 = vector.shape_cast %get3A_232 : vector<1x1x16xf32> to vector<16xf32>
        %mul3A_234 = arith.mulf %get3A_228, %get3A_233 : vector<16xf32>
        %swap3A_235 = arith.index_cast %rem3A_97 : i32 to index
        %swap3A_236 = arith.index_cast %scan3A_157 : i32 to index
        %swap3A_237 = arith.constant 64 : index
        %swap3A_238 = tpu.vector_load %arg8[%swap3A_235, %swap3A_236, %swap3A_237] {strides = array<i32>} : memref<3x40x128xf32, #tpu.memory_space<vmem>>, vector<1x1x16xf32>,
        %swap3A_239 = vector.shape_cast %swap3A_238 : vector<1x1x16xf32> to vector<16xf32>
        %swap3A_240 = vector.shape_cast %mul3A_234 : vector<16xf32> to vector<1x1x16xf32>
        tpu.vector_store %arg8[%swap3A_235, %swap3A_236, %swap3A_237], %swap3A_240 {strides = array<i32>} : memref<3x40x128xf32, #tpu.memory_space<vmem>>, vector<1x1x16xf32>,
        %get3A_241 = arith.index_cast %rem3A_97 : i32 to index
        %get3A_242 = arith.index_cast %scan3A_157 : i32 to index
        %get3A_243 = arith.constant 80 : index
        %get3A_244 = tpu.vector_load %arg8[%get3A_241, %get3A_242, %get3A_243] {strides = array<i32>} : memref<3x40x128xf32, #tpu.memory_space<vmem>>, vector<1x1x16xf32>,
        %get3A_245 = vector.shape_cast %get3A_244 : vector<1x1x16xf32> to vector<16xf32>
        %get3A_246 = arith.index_cast %rem3A_97 : i32 to index
        %get3A_247 = arith.index_cast %scan3A_157 : i32 to index
        %get3A_248 = arith.constant 80 : index
        %get3A_249 = tpu.vector_load %arg9[%get3A_246, %get3A_247, %get3A_248] {strides = array<i32>} : memref<3x40x128xf32, #tpu.memory_space<vmem>>, vector<1x1x16xf32>,
        %get3A_250 = vector.shape_cast %get3A_249 : vector<1x1x16xf32> to vector<16xf32>
        %mul3A_251 = arith.mulf %get3A_245, %get3A_250 : vector<16xf32>
        %swap3A_252 = arith.index_cast %rem3A_97 : i32 to index
        %swap3A_253 = arith.index_cast %scan3A_157 : i32 to index
        %swap3A_254 = arith.constant 80 : index
        %swap3A_255 = tpu.vector_load %arg8[%swap3A_252, %swap3A_253, %swap3A_254] {strides = array<i32>} : memref<3x40x128xf32, #tpu.memory_space<vmem>>, vector<1x1x16xf32>,
        %swap3A_256 = vector.shape_cast %swap3A_255 : vector<1x1x16xf32> to vector<16xf32>
        %swap3A_257 = vector.shape_cast %mul3A_251 : vector<16xf32> to vector<1x1x16xf32>
        tpu.vector_store %arg8[%swap3A_252, %swap3A_253, %swap3A_254], %swap3A_257 {strides = array<i32>} : memref<3x40x128xf32, #tpu.memory_space<vmem>>, vector<1x1x16xf32>,
        %get3A_258 = arith.index_cast %rem3A_97 : i32 to index
        %get3A_259 = arith.index_cast %scan3A_157 : i32 to index
        %get3A_260 = arith.constant 96 : index
        %get3A_261 = tpu.vector_load %arg8[%get3A_258, %get3A_259, %get3A_260] {strides = array<i32>} : memref<3x40x128xf32, #tpu.memory_space<vmem>>, vector<1x1x16xf32>,
        %get3A_262 = vector.shape_cast %get3A_261 : vector<1x1x16xf32> to vector<16xf32>
        %get3A_263 = arith.index_cast %rem3A_97 : i32 to index
        %get3A_264 = arith.index_cast %scan3A_157 : i32 to index
        %get3A_265 = arith.constant 96 : index
        %get3A_266 = tpu.vector_load %arg9[%get3A_263, %get3A_264, %get3A_265] {strides = array<i32>} : memref<3x40x128xf32, #tpu.memory_space<vmem>>, vector<1x1x16xf32>,
        %get3A_267 = vector.shape_cast %get3A_266 : vector<1x1x16xf32> to vector<16xf32>
        %mul3A_268 = arith.mulf %get3A_262, %get3A_267 : vector<16xf32>
        %swap3A_269 = arith.index_cast %rem3A_97 : i32 to index
        %swap3A_270 = arith.index_cast %scan3A_157 : i32 to index
        %swap3A_271 = arith.constant 96 : index
        %swap3A_272 = tpu.vector_load %arg8[%swap3A_269, %swap3A_270, %swap3A_271] {strides = array<i32>} : memref<3x40x128xf32, #tpu.memory_space<vmem>>, vector<1x1x16xf32>,
        %swap3A_273 = vector.shape_cast %swap3A_272 : vector<1x1x16xf32> to vector<16xf32>
        %swap3A_274 = vector.shape_cast %mul3A_268 : vector<16xf32> to vector<1x1x16xf32>
        tpu.vector_store %arg8[%swap3A_269, %swap3A_270, %swap3A_271], %swap3A_274 {strides = array<i32>} : memref<3x40x128xf32, #tpu.memory_space<vmem>>, vector<1x1x16xf32>,
        %get3A_275 = arith.index_cast %rem3A_97 : i32 to index
        %get3A_276 = arith.index_cast %scan3A_157 : i32 to index
        %get3A_277 = arith.constant 112 : index
        %get3A_278 = tpu.vector_load %arg8[%get3A_275, %get3A_276, %get3A_277] {strides = array<i32>} : memref<3x40x128xf32, #tpu.memory_space<vmem>>, vector<1x1x16xf32>,
        %get3A_279 = vector.shape_cast %get3A_278 : vector<1x1x16xf32> to vector<16xf32>
        %get3A_280 = arith.index_cast %rem3A_97 : i32 to index
        %get3A_281 = arith.index_cast %scan3A_157 : i32 to index
        %get3A_282 = arith.constant 112 : index
        %get3A_283 = tpu.vector_load %arg9[%get3A_280, %get3A_281, %get3A_282] {strides = array<i32>} : memref<3x40x128xf32, #tpu.memory_space<vmem>>, vector<1x1x16xf32>,
        %get3A_284 = vector.shape_cast %get3A_283 : vector<1x1x16xf32> to vector<16xf32>
        %mul3A_285 = arith.mulf %get3A_279, %get3A_284 : vector<16xf32>
        %swap3A_286 = arith.index_cast %rem3A_97 : i32 to index
        %swap3A_287 = arith.index_cast %scan3A_157 : i32 to index
        %swap3A_288 = arith.constant 112 : index
        %swap3A_289 = tpu.vector_load %arg8[%swap3A_286, %swap3A_287, %swap3A_288] {strides = array<i32>} : memref<3x40x128xf32, #tpu.memory_space<vmem>>, vector<1x1x16xf32>,
        %swap3A_290 = vector.shape_cast %swap3A_289 : vector<1x1x16xf32> to vector<16xf32>
        %swap3A_291 = vector.shape_cast %mul3A_285 : vector<16xf32> to vector<1x1x16xf32>
        tpu.vector_store %arg8[%swap3A_286, %swap3A_287, %swap3A_288], %swap3A_291 {strides = array<i32>} : memref<3x40x128xf32, #tpu.memory_space<vmem>>, vector<1x1x16xf32>,
      }
      %scan3A_143 = arith.constant 40 : i32
      %dma_start3A_144 = arith.constant 1 : i32
      %dma_start3A_145 = arith.constant 0 : i32
      %dma_start3A_146 = arith.constant 0 : i32
      %dma_start3A_147 = tpu.memref_slice %arg8[%rem3A_97, %dma_start3A_145, %dma_start3A_146] : memref<3x40x128xf32, #tpu.memory_space<vmem>> -> memref<1x40x128xf32, #tpu.memory_space<vmem>>
      %dma_start3A_148 = tpu.memref_squeeze %dma_start3A_147 : memref<1x40x128xf32, #tpu.memory_space<vmem>> -> memref<40x128xf32, #tpu.memory_space<vmem>>
      %dma_start3A_149 = arith.constant 0 : i32
      %dma_start3A_150 = tpu.memref_slice %arg7[%rem3A_97, %dma_start3A_144, %dma_start3A_149] : memref<3x2x40xi32, #tpu.memory_space<vmem>> -> memref<1x1x40xi32, #tpu.memory_space<vmem>>
      %dma_start3A_151 = tpu.memref_squeeze %dma_start3A_150 : memref<1x1x40xi32, #tpu.memory_space<vmem>> -> memref<40xi32, #tpu.memory_space<vmem>>
      %dma_start3A_152 = arith.constant 0 : i32
      %dma_start3A_153 = arith.constant 0 : i32
      %dma_start3A_154 = tpu.memref_slice %arg10[%dma_start3A_152, %dma_start3A_153] : memref<10112x128xf32, #tpu.memory_space<vmem_shared>> -> memref<10112x128xf32, #tpu.memory_space<vmem_shared>>
      %dma_start3A_155 = tpu.memref_slice %arg13[%rem3A_97] : memref<3x!tpu.dma_semaphore, #tpu.memory_space<semaphore_mem>> -> memref<1x!tpu.dma_semaphore, #tpu.memory_space<semaphore_mem>>
      %dma_start3A_156 = tpu.memref_squeeze %dma_start3A_155 : memref<1x!tpu.dma_semaphore, #tpu.memory_space<semaphore_mem>> -> memref<!tpu.dma_semaphore, #tpu.memory_space<semaphore_mem>>
      tpu.enqueue_indirect_dma source(%dma_start3A_148 : memref<40x128xf32, #tpu.memory_space<vmem>>) target(%dma_start3A_154 : memref<10112x128xf32, #tpu.memory_space<vmem_shared>>) offsets(%dma_start3A_151 : memref<40xi32, #tpu.memory_space<vmem>>) semaphore(%dma_start3A_156 : memref<!tpu.dma_semaphore, #tpu.memory_space<semaphore_mem>>) {add = true}
    }
    %scan3A_43 = arith.constant 250 : i32
    %dma_wait3A = arith.constant 0 : i32
    %dma_wait3A_44 = arith.constant 0 : i32
    %dma_wait3A_45 = arith.constant 1 : i32
    %dma_wait3A_46 = arith.constant 0 : i32
    %dma_wait3A_47 = arith.constant 0 : i32
    %dma_wait3A_48 = arith.constant 0 : i32
    %dma_wait3A_49 = tpu.memref_slice %arg8[%dma_wait3A, %dma_wait3A_47, %dma_wait3A_48] : memref<3x40x128xf32, #tpu.memory_space<vmem>> -> memref<1x40x128xf32, #tpu.memory_space<vmem>>
    %dma_wait3A_50 = tpu.memref_squeeze %dma_wait3A_49 : memref<1x40x128xf32, #tpu.memory_space<vmem>> -> memref<40x128xf32, #tpu.memory_space<vmem>>
    %dma_wait3A_51 = arith.constant 0 : i32
    %dma_wait3A_52 = tpu.memref_slice %arg7[%dma_wait3A_44, %dma_wait3A_45, %dma_wait3A_51] : memref<3x2x40xi32, #tpu.memory_space<vmem>> -> memref<1x1x40xi32, #tpu.memory_space<vmem>>
    %dma_wait3A_53 = tpu.memref_squeeze %dma_wait3A_52 : memref<1x1x40xi32, #tpu.memory_space<vmem>> -> memref<40xi32, #tpu.memory_space<vmem>>
    %dma_wait3A_54 = arith.constant 0 : i32
    %dma_wait3A_55 = arith.constant 0 : i32
    %dma_wait3A_56 = tpu.memref_slice %arg10[%dma_wait3A_54, %dma_wait3A_55] : memref<10112x128xf32, #tpu.memory_space<vmem_shared>> -> memref<10112x128xf32, #tpu.memory_space<vmem_shared>>
    %dma_wait3A_57 = tpu.memref_slice %arg13[%dma_wait3A_46] : memref<3x!tpu.dma_semaphore, #tpu.memory_space<semaphore_mem>> -> memref<1x!tpu.dma_semaphore, #tpu.memory_space<semaphore_mem>>
    %dma_wait3A_58 = tpu.memref_squeeze %dma_wait3A_57 : memref<1x!tpu.dma_semaphore, #tpu.memory_space<semaphore_mem>> -> memref<!tpu.dma_semaphore, #tpu.memory_space<semaphore_mem>>
    tpu.wait_indirect_dma semaphore(%dma_wait3A_58 : memref<!tpu.dma_semaphore, #tpu.memory_space<semaphore_mem>>) src(%dma_wait3A_50 : memref<40x128xf32, #tpu.memory_space<vmem>>) dst(%dma_wait3A_56 : memref<10112x128xf32, #tpu.memory_space<vmem_shared>>)
    %dma_wait3A_59 = arith.constant 1 : i32
    %dma_wait3A_60 = arith.constant 1 : i32
    %dma_wait3A_61 = arith.constant 1 : i32
    %dma_wait3A_62 = arith.constant 1 : i32
    %dma_wait3A_63 = arith.constant 0 : i32
    %dma_wait3A_64 = arith.constant 0 : i32
    %dma_wait3A_65 = tpu.memref_slice %arg8[%dma_wait3A_59, %dma_wait3A_63, %dma_wait3A_64] : memref<3x40x128xf32, #tpu.memory_space<vmem>> -> memref<1x40x128xf32, #tpu.memory_space<vmem>>
    %dma_wait3A_66 = tpu.memref_squeeze %dma_wait3A_65 : memref<1x40x128xf32, #tpu.memory_space<vmem>> -> memref<40x128xf32, #tpu.memory_space<vmem>>
    %dma_wait3A_67 = arith.constant 0 : i32
    %dma_wait3A_68 = tpu.memref_slice %arg7[%dma_wait3A_60, %dma_wait3A_61, %dma_wait3A_67] : memref<3x2x40xi32, #tpu.memory_space<vmem>> -> memref<1x1x40xi32, #tpu.memory_space<vmem>>
    %dma_wait3A_69 = tpu.memref_squeeze %dma_wait3A_68 : memref<1x1x40xi32, #tpu.memory_space<vmem>> -> memref<40xi32, #tpu.memory_space<vmem>>
    %dma_wait3A_70 = arith.constant 0 : i32
    %dma_wait3A_71 = arith.constant 0 : i32
    %dma_wait3A_72 = tpu.memref_slice %arg10[%dma_wait3A_70, %dma_wait3A_71] : memref<10112x128xf32, #tpu.memory_space<vmem_shared>> -> memref<10112x128xf32, #tpu.memory_space<vmem_shared>>
    %dma_wait3A_73 = tpu.memref_slice %arg13[%dma_wait3A_62] : memref<3x!tpu.dma_semaphore, #tpu.memory_space<semaphore_mem>> -> memref<1x!tpu.dma_semaphore, #tpu.memory_space<semaphore_mem>>
    %dma_wait3A_74 = tpu.memref_squeeze %dma_wait3A_73 : memref<1x!tpu.dma_semaphore, #tpu.memory_space<semaphore_mem>> -> memref<!tpu.dma_semaphore, #tpu.memory_space<semaphore_mem>>
    tpu.wait_indirect_dma semaphore(%dma_wait3A_74 : memref<!tpu.dma_semaphore, #tpu.memory_space<semaphore_mem>>) src(%dma_wait3A_66 : memref<40x128xf32, #tpu.memory_space<vmem>>) dst(%dma_wait3A_72 : memref<10112x128xf32, #tpu.memory_space<vmem_shared>>)
    %dma_wait3A_75 = arith.constant 2 : i32
    %dma_wait3A_76 = arith.constant 2 : i32
    %dma_wait3A_77 = arith.constant 1 : i32
    %dma_wait3A_78 = arith.constant 2 : i32
    %dma_wait3A_79 = arith.constant 0 : i32
    %dma_wait3A_80 = arith.constant 0 : i32
    %dma_wait3A_81 = tpu.memref_slice %arg8[%dma_wait3A_75, %dma_wait3A_79, %dma_wait3A_80] : memref<3x40x128xf32, #tpu.memory_space<vmem>> -> memref<1x40x128xf32, #tpu.memory_space<vmem>>
    %dma_wait3A_82 = tpu.memref_squeeze %dma_wait3A_81 : memref<1x40x128xf32, #tpu.memory_space<vmem>> -> memref<40x128xf32, #tpu.memory_space<vmem>>
    %dma_wait3A_83 = arith.constant 0 : i32
    %dma_wait3A_84 = tpu.memref_slice %arg7[%dma_wait3A_76, %dma_wait3A_77, %dma_wait3A_83] : memref<3x2x40xi32, #tpu.memory_space<vmem>> -> memref<1x1x40xi32, #tpu.memory_space<vmem>>
    %dma_wait3A_85 = tpu.memref_squeeze %dma_wait3A_84 : memref<1x1x40xi32, #tpu.memory_space<vmem>> -> memref<40xi32, #tpu.memory_space<vmem>>
    %dma_wait3A_86 = arith.constant 0 : i32
    %dma_wait3A_87 = arith.constant 0 : i32
    %dma_wait3A_88 = tpu.memref_slice %arg10[%dma_wait3A_86, %dma_wait3A_87] : memref<10112x128xf32, #tpu.memory_space<vmem_shared>> -> memref<10112x128xf32, #tpu.memory_space<vmem_shared>>
    %dma_wait3A_89 = tpu.memref_slice %arg13[%dma_wait3A_78] : memref<3x!tpu.dma_semaphore, #tpu.memory_space<semaphore_mem>> -> memref<1x!tpu.dma_semaphore, #tpu.memory_space<semaphore_mem>>
    %dma_wait3A_90 = tpu.memref_squeeze %dma_wait3A_89 : memref<1x!tpu.dma_semaphore, #tpu.memory_space<semaphore_mem>> -> memref<!tpu.dma_semaphore, #tpu.memory_space<semaphore_mem>>
    tpu.wait_indirect_dma semaphore(%dma_wait3A_90 : memref<!tpu.dma_semaphore, #tpu.memory_space<semaphore_mem>>) src(%dma_wait3A_82 : memref<40x128xf32, #tpu.memory_space<vmem>>) dst(%dma_wait3A_88 : memref<10112x128xf32, #tpu.memory_space<vmem_shared>>)
    %barrier3A_91 = arith.constant 0 : index
    tpu.barrier barrier_id(%barrier3A_91)
    %mul3A_92 = arith.constant 632 : i32
    %mul3A_93 = arith.muli %arg1, %mul3A_92 : i32
    %mul3A_94 = arith.constant 632 : i32
    %mul3A_95 = arith.muli %arg1, %mul3A_94 : i32
    "tpu.region"() ({
      %run_scoped3A_96 = tpu.sem_alloc : memref<!tpu.dma_semaphore, #tpu.memory_space<semaphore_mem>>
      %dma_start3A_97 = arith.constant 0 : i32
      %dma_start3A_98 = tpu.memref_slice %arg6[%arg0, %mul3A_95, %dma_start3A_97] : memref<2x10112x128xf32, #tpu.memory_space<hbm>> -> memref<1x632x128xf32, #tpu.memory_space<hbm>>
      %dma_start3A_99 = tpu.memref_squeeze %dma_start3A_98 : memref<1x632x128xf32, #tpu.memory_space<hbm>> -> memref<632x128xf32, #tpu.memory_space<hbm>>
      %dma_start3A_100 = arith.constant 0 : i32
      %dma_start3A_101 = tpu.memref_slice %arg10[%mul3A_93, %dma_start3A_100] : memref<10112x128xf32, #tpu.memory_space<vmem_shared>> -> memref<632x128xf32, #tpu.memory_space<vmem_shared>>
      tpu.enqueue_dma source(%dma_start3A_101 : memref<632x128xf32, #tpu.memory_space<vmem_shared>>) target(%dma_start3A_99 : memref<632x128xf32, #tpu.memory_space<hbm>>) target_semaphore(%run_scoped3A_96 : memref<!tpu.dma_semaphore, #tpu.memory_space<semaphore_mem>>)
      %dma_wait3A_102 = arith.constant 0 : i32
      %dma_wait3A_103 = tpu.memref_slice %arg6[%arg0, %mul3A_95, %dma_wait3A_102] : memref<2x10112x128xf32, #tpu.memory_space<hbm>> -> memref<1x632x128xf32, #tpu.memory_space<hbm>>
      %dma_wait3A_104 = tpu.memref_squeeze %dma_wait3A_103 : memref<1x632x128xf32, #tpu.memory_space<hbm>> -> memref<632x128xf32, #tpu.memory_space<hbm>>
      %dma_wait3A_105 = arith.constant 0 : i32
      %dma_wait3A_106 = tpu.memref_slice %arg10[%mul3A_93, %dma_wait3A_105] : memref<10112x128xf32, #tpu.memory_space<vmem_shared>> -> memref<632x128xf32, #tpu.memory_space<vmem_shared>>
      tpu.wait_dma2 semaphore(%run_scoped3A_96 : memref<!tpu.dma_semaphore, #tpu.memory_space<semaphore_mem>>) src(%dma_wait3A_106 : memref<632x128xf32, #tpu.memory_space<vmem_shared>>) dst(%dma_wait3A_104 : memref<632x128xf32, #tpu.memory_space<hbm>>)
      tpu.yield
    }) : () -> ()
    return
  }
}

#map = affine_map<(d0, d1) -> (0, 0)>
#map1 = affine_map<(d0, d1) -> (0, 0, 0, 0)>
#map2 = affine_map<(d0, d1) -> (0, 0, 0)>
module attributes {stable_mosaic.version = 14 : i64} {
  func.func @_sc_embed_body(%arg0: i32, %arg1: i32, %arg2: memref<320000x128xf32, #tpu.memory_space<hbm>>, %arg3: memref<32x250x2x40xi32, #tpu.memory_space<hbm>>, %arg4: memref<632x128xf32, #tpu.memory_space<hbm>>, %arg5: memref<2x10112x128xf32, #tpu.memory_space<hbm>>, %arg6: memref<3x2x40xi32, #tpu.memory_space<vmem>>, %arg7: memref<3x40x128xf32, #tpu.memory_space<vmem>>, %arg8: memref<10112x128xf32, #tpu.memory_space<vmem_shared>>, %arg9: memref<3x!tpu.dma_semaphore, #tpu.memory_space<semaphore_mem>>, %arg10: memref<3x!tpu.dma_semaphore, #tpu.memory_space<semaphore_mem>>) attributes {dimension_semantics = [#tpu.dimension_semantics<core_parallel>, #tpu.dimension_semantics<subcore_parallel>], iteration_bounds = array<i64: 2, 16>, scalar_prefetch = 0 : i64, scratch_operands = 5 : i64, tpu.core_type = #tpu.core_type<sc_vector_subcore>, window_params = [{transform_indices = #map}, {transform_indices = #map1}, {transform_indices = #map}, {transform_indices = #map2}]} {
    %mul3A = arith.constant 16 : i32
    %mul3A_0 = arith.muli %arg0, %mul3A : i32
    %add3A = arith.addi %mul3A_0, %arg1 : i32
    %mul3A_1 = arith.constant 632 : i32
    %mul3A_2 = arith.muli %arg1, %mul3A_1 : i32
    "tpu.region"() ({
      %run_scoped3A_80 = tpu.sem_alloc : memref<!tpu.dma_semaphore, #tpu.memory_space<semaphore_mem>>
      %dma_start3A_81 = arith.constant 0 : i32
      %dma_start3A_82 = tpu.memref_slice %arg8[%mul3A_2, %dma_start3A_81] : memref<10112x128xf32, #tpu.memory_space<vmem_shared>> -> memref<632x128xf32, #tpu.memory_space<vmem_shared>>
      tpu.enqueue_dma source(%arg4 : memref<632x128xf32, #tpu.memory_space<hbm>>) target(%dma_start3A_82 : memref<632x128xf32, #tpu.memory_space<vmem_shared>>) target_semaphore(%run_scoped3A_80 : memref<!tpu.dma_semaphore, #tpu.memory_space<semaphore_mem>>)
      %dma_wait3A_83 = arith.constant 0 : i32
      %dma_wait3A_84 = tpu.memref_slice %arg8[%mul3A_2, %dma_wait3A_83] : memref<10112x128xf32, #tpu.memory_space<vmem_shared>> -> memref<632x128xf32, #tpu.memory_space<vmem_shared>>
      tpu.wait_dma2 semaphore(%run_scoped3A_80 : memref<!tpu.dma_semaphore, #tpu.memory_space<semaphore_mem>>) src(%arg4 : memref<632x128xf32, #tpu.memory_space<hbm>>) dst(%dma_wait3A_84 : memref<632x128xf32, #tpu.memory_space<vmem_shared>>)
      tpu.yield
    }) : () -> ()
    %barrier3A = arith.constant 0 : index
    tpu.barrier barrier_id(%barrier3A)
    %run_scoped3A = arith.constant 0 : i32
    %run_scoped3A_3 = arith.constant 0 : i32
    "tpu.region"() ({
      %run_scoped3A_80 = tpu.sem_alloc : memref<!tpu.dma_semaphore, #tpu.memory_space<semaphore_mem>>
      %dma_start3A_81 = arith.constant 0 : i32
      %dma_start3A_82 = arith.constant 0 : i32
      %dma_start3A_83 = tpu.memref_slice %arg6[%run_scoped3A_3, %dma_start3A_81, %dma_start3A_82] : memref<3x2x40xi32, #tpu.memory_space<vmem>> -> memref<1x2x40xi32, #tpu.memory_space<vmem>>
      %dma_start3A_84 = tpu.memref_squeeze %dma_start3A_83 : memref<1x2x40xi32, #tpu.memory_space<vmem>> -> memref<2x40xi32, #tpu.memory_space<vmem>>
      %dma_start3A_85 = arith.constant 0 : i32
      %dma_start3A_86 = arith.constant 0 : i32
      %dma_start3A_87 = tpu.memref_slice %arg3[%add3A, %run_scoped3A, %dma_start3A_85, %dma_start3A_86] : memref<32x250x2x40xi32, #tpu.memory_space<hbm>> -> memref<1x1x2x40xi32, #tpu.memory_space<hbm>>
      %dma_start3A_88 = tpu.memref_squeeze %dma_start3A_87 : memref<1x1x2x40xi32, #tpu.memory_space<hbm>> -> memref<2x40xi32, #tpu.memory_space<hbm>>
      %dma_start3A_89 = arith.constant 0 : i32
      %dma_start3A_90 = arith.constant 0 : i32
      %dma_start3A_91 = tpu.memref_slice %arg6[%run_scoped3A_3, %dma_start3A_89, %dma_start3A_90] : memref<3x2x40xi32, #tpu.memory_space<vmem>> -> memref<1x2x40xi32, #tpu.memory_space<vmem>>
      %dma_start3A_92 = tpu.memref_squeeze %dma_start3A_91 : memref<1x2x40xi32, #tpu.memory_space<vmem>> -> memref<2x40xi32, #tpu.memory_space<vmem>>
      %dma_start3A_93 = arith.constant 0 : i32
      %dma_start3A_94 = arith.constant 0 : i32
      %dma_start3A_95 = tpu.memref_slice %arg3[%add3A, %run_scoped3A, %dma_start3A_93, %dma_start3A_94] : memref<32x250x2x40xi32, #tpu.memory_space<hbm>> -> memref<1x1x2x40xi32, #tpu.memory_space<hbm>>
      %dma_start3A_96 = tpu.memref_squeeze %dma_start3A_95 : memref<1x1x2x40xi32, #tpu.memory_space<hbm>> -> memref<2x40xi32, #tpu.memory_space<hbm>>
      tpu.enqueue_dma source(%dma_start3A_96 : memref<2x40xi32, #tpu.memory_space<hbm>>) target(%dma_start3A_92 : memref<2x40xi32, #tpu.memory_space<vmem>>) target_semaphore(%run_scoped3A_80 : memref<!tpu.dma_semaphore, #tpu.memory_space<semaphore_mem>>)
      %dma_wait3A_97 = arith.constant 0 : i32
      %dma_wait3A_98 = arith.constant 0 : i32
      %dma_wait3A_99 = tpu.memref_slice %arg6[%run_scoped3A_3, %dma_wait3A_97, %dma_wait3A_98] : memref<3x2x40xi32, #tpu.memory_space<vmem>> -> memref<1x2x40xi32, #tpu.memory_space<vmem>>
      %dma_wait3A_100 = tpu.memref_squeeze %dma_wait3A_99 : memref<1x2x40xi32, #tpu.memory_space<vmem>> -> memref<2x40xi32, #tpu.memory_space<vmem>>
      %dma_wait3A_101 = arith.constant 0 : i32
      %dma_wait3A_102 = arith.constant 0 : i32
      %dma_wait3A_103 = tpu.memref_slice %arg3[%add3A, %run_scoped3A, %dma_wait3A_101, %dma_wait3A_102] : memref<32x250x2x40xi32, #tpu.memory_space<hbm>> -> memref<1x1x2x40xi32, #tpu.memory_space<hbm>>
      %dma_wait3A_104 = tpu.memref_squeeze %dma_wait3A_103 : memref<1x1x2x40xi32, #tpu.memory_space<hbm>> -> memref<2x40xi32, #tpu.memory_space<hbm>>
      %dma_wait3A_105 = arith.constant 0 : i32
      %dma_wait3A_106 = arith.constant 0 : i32
      %dma_wait3A_107 = tpu.memref_slice %arg6[%run_scoped3A_3, %dma_wait3A_105, %dma_wait3A_106] : memref<3x2x40xi32, #tpu.memory_space<vmem>> -> memref<1x2x40xi32, #tpu.memory_space<vmem>>
      %dma_wait3A_108 = tpu.memref_squeeze %dma_wait3A_107 : memref<1x2x40xi32, #tpu.memory_space<vmem>> -> memref<2x40xi32, #tpu.memory_space<vmem>>
      %dma_wait3A_109 = arith.constant 0 : i32
      %dma_wait3A_110 = arith.constant 0 : i32
      %dma_wait3A_111 = tpu.memref_slice %arg3[%add3A, %run_scoped3A, %dma_wait3A_109, %dma_wait3A_110] : memref<32x250x2x40xi32, #tpu.memory_space<hbm>> -> memref<1x1x2x40xi32, #tpu.memory_space<hbm>>
      %dma_wait3A_112 = tpu.memref_squeeze %dma_wait3A_111 : memref<1x1x2x40xi32, #tpu.memory_space<hbm>> -> memref<2x40xi32, #tpu.memory_space<hbm>>
      tpu.wait_dma2 semaphore(%run_scoped3A_80 : memref<!tpu.dma_semaphore, #tpu.memory_space<semaphore_mem>>) src(%dma_wait3A_112 : memref<2x40xi32, #tpu.memory_space<hbm>>) dst(%dma_wait3A_108 : memref<2x40xi32, #tpu.memory_space<vmem>>)
      tpu.yield
    }) : () -> ()
    %mul3A_4 = arith.constant 10000 : i32
    %mul3A_5 = arith.muli %add3A, %mul3A_4 : i32
    %add3A_6 = arith.constant 0 : i32
    %add3A_7 = arith.addi %mul3A_5, %add3A_6 : i32
    %dma_start3A = arith.constant 0 : i32
    %dma_start3A_8 = arith.constant 0 : i32
    %dma_start3A_9 = arith.constant 0 : i32
    %dma_start3A_10 = arith.constant 0 : i32
    %dma_start3A_11 = tpu.memref_slice %arg7[%dma_start3A, %dma_start3A_9, %dma_start3A_10] : memref<3x40x128xf32, #tpu.memory_space<vmem>> -> memref<1x40x128xf32, #tpu.memory_space<vmem>>
    %dma_start3A_12 = tpu.memref_squeeze %dma_start3A_11 : memref<1x40x128xf32, #tpu.memory_space<vmem>> -> memref<40x128xf32, #tpu.memory_space<vmem>>
    %dma_start3A_13 = arith.constant 0 : i32
    %dma_start3A_14 = tpu.memref_slice %arg2[%add3A_7, %dma_start3A_13] : memref<320000x128xf32, #tpu.memory_space<hbm>> -> memref<40x128xf32, #tpu.memory_space<hbm>>
    %dma_start3A_15 = tpu.memref_slice %arg9[%dma_start3A_8] : memref<3x!tpu.dma_semaphore, #tpu.memory_space<semaphore_mem>> -> memref<1x!tpu.dma_semaphore, #tpu.memory_space<semaphore_mem>>
    %dma_start3A_16 = tpu.memref_squeeze %dma_start3A_15 : memref<1x!tpu.dma_semaphore, #tpu.memory_space<semaphore_mem>> -> memref<!tpu.dma_semaphore, #tpu.memory_space<semaphore_mem>>
    %dma_start3A_17 = arith.constant 0 : i32
    %dma_start3A_18 = arith.constant 0 : i32
    %dma_start3A_19 = tpu.memref_slice %arg7[%dma_start3A, %dma_start3A_17, %dma_start3A_18] : memref<3x40x128xf32, #tpu.memory_space<vmem>> -> memref<1x40x128xf32, #tpu.memory_space<vmem>>
    %dma_start3A_20 = tpu.memref_squeeze %dma_start3A_19 : memref<1x40x128xf32, #tpu.memory_space<vmem>> -> memref<40x128xf32, #tpu.memory_space<vmem>>
    %dma_start3A_21 = arith.constant 0 : i32
    %dma_start3A_22 = tpu.memref_slice %arg2[%add3A_7, %dma_start3A_21] : memref<320000x128xf32, #tpu.memory_space<hbm>> -> memref<40x128xf32, #tpu.memory_space<hbm>>
    tpu.enqueue_dma source(%dma_start3A_22 : memref<40x128xf32, #tpu.memory_space<hbm>>) target(%dma_start3A_20 : memref<40x128xf32, #tpu.memory_space<vmem>>) target_semaphore(%dma_start3A_16 : memref<!tpu.dma_semaphore, #tpu.memory_space<semaphore_mem>>)
    %scan3A = arith.constant 0 : i32
    %scan3A_23 = arith.constant 0 : i32
    %scan3A_24 = arith.constant 250 : i32
    %scan3A_25 = arith.addi %scan3A_23, %scan3A_24 : i32
    %scan3A_26 = arith.constant 1 : i32
    scf.for %scan3A_80 = %scan3A_23 to %scan3A_25 step %scan3A_26  : i32 {
      %rem3A = arith.constant 3 : i32
      %rem3A_81 = arith.remsi %scan3A_80, %rem3A : i32
      %add3A_82 = arith.constant 1 : i32
      %add3A_83 = arith.addi %scan3A_80, %add3A_82 : i32
      %rem3A_84 = arith.constant 3 : i32
      %rem3A_85 = arith.remsi %add3A_83, %rem3A_84 : i32
      %add3A_86 = arith.constant 1 : i32
      %add3A_87 = arith.addi %scan3A_80, %add3A_86 : i32
      %lt3A = arith.constant 250 : i32
      %lt3A_88 = arith.cmpi slt, %add3A_87, %lt3A : i32
      %convert_element_type3A = arith.extui %lt3A_88 : i1 to i32
      %cond3A = arith.constant 0 : i32
      %cond3A_89 = arith.cmpi ne, %convert_element_type3A, %cond3A : i32
      scf.if %cond3A_89 {
        %add3A_122 = arith.constant 1 : i32
        %add3A_123 = arith.addi %scan3A_80, %add3A_122 : i32
        %ge3A = arith.constant 3 : i32
        %ge3A_124 = arith.cmpi sge, %add3A_123, %ge3A : i32
        %convert_element_type3A_125 = arith.extui %ge3A_124 : i1 to i32
        %cond3A_126 = arith.constant 0 : i32
        %cond3A_127 = arith.cmpi ne, %convert_element_type3A_125, %cond3A_126 : i32
        scf.if %cond3A_127 {
          %dma_wait3A_149 = arith.constant 1 : i32
          %dma_wait3A_150 = arith.constant 0 : i32
          %dma_wait3A_151 = arith.constant 0 : i32
          %dma_wait3A_152 = tpu.memref_slice %arg7[%rem3A_85, %dma_wait3A_150, %dma_wait3A_151] : memref<3x40x128xf32, #tpu.memory_space<vmem>> -> memref<1x40x128xf32, #tpu.memory_space<vmem>>
          %dma_wait3A_153 = tpu.memref_squeeze %dma_wait3A_152 : memref<1x40x128xf32, #tpu.memory_space<vmem>> -> memref<40x128xf32, #tpu.memory_space<vmem>>
          %dma_wait3A_154 = arith.constant 0 : i32
          %dma_wait3A_155 = tpu.memref_slice %arg6[%rem3A_85, %dma_wait3A_149, %dma_wait3A_154] : memref<3x2x40xi32, #tpu.memory_space<vmem>> -> memref<1x1x40xi32, #tpu.memory_space<vmem>>
          %dma_wait3A_156 = tpu.memref_squeeze %dma_wait3A_155 : memref<1x1x40xi32, #tpu.memory_space<vmem>> -> memref<40xi32, #tpu.memory_space<vmem>>
          %dma_wait3A_157 = arith.constant 0 : i32
          %dma_wait3A_158 = arith.constant 0 : i32
          %dma_wait3A_159 = tpu.memref_slice %arg8[%dma_wait3A_157, %dma_wait3A_158] : memref<10112x128xf32, #tpu.memory_space<vmem_shared>> -> memref<10112x128xf32, #tpu.memory_space<vmem_shared>>
          %dma_wait3A_160 = tpu.memref_slice %arg10[%rem3A_85] : memref<3x!tpu.dma_semaphore, #tpu.memory_space<semaphore_mem>> -> memref<1x!tpu.dma_semaphore, #tpu.memory_space<semaphore_mem>>
          %dma_wait3A_161 = tpu.memref_squeeze %dma_wait3A_160 : memref<1x!tpu.dma_semaphore, #tpu.memory_space<semaphore_mem>> -> memref<!tpu.dma_semaphore, #tpu.memory_space<semaphore_mem>>
          tpu.wait_indirect_dma semaphore(%dma_wait3A_161 : memref<!tpu.dma_semaphore, #tpu.memory_space<semaphore_mem>>) src(%dma_wait3A_153 : memref<40x128xf32, #tpu.memory_space<vmem>>) dst(%dma_wait3A_159 : memref<10112x128xf32, #tpu.memory_space<vmem_shared>>)
        } else {
        }
        %add3A_128 = arith.constant 1 : i32
        %add3A_129 = arith.addi %scan3A_80, %add3A_128 : i32
        "tpu.region"() ({
          %run_scoped3A_149 = tpu.sem_alloc : memref<!tpu.dma_semaphore, #tpu.memory_space<semaphore_mem>>
          %dma_start3A_150 = arith.constant 0 : i32
          %dma_start3A_151 = arith.constant 0 : i32
          %dma_start3A_152 = tpu.memref_slice %arg6[%rem3A_85, %dma_start3A_150, %dma_start3A_151] : memref<3x2x40xi32, #tpu.memory_space<vmem>> -> memref<1x2x40xi32, #tpu.memory_space<vmem>>
          %dma_start3A_153 = tpu.memref_squeeze %dma_start3A_152 : memref<1x2x40xi32, #tpu.memory_space<vmem>> -> memref<2x40xi32, #tpu.memory_space<vmem>>
          %dma_start3A_154 = arith.constant 0 : i32
          %dma_start3A_155 = arith.constant 0 : i32
          %dma_start3A_156 = tpu.memref_slice %arg3[%add3A, %add3A_129, %dma_start3A_154, %dma_start3A_155] : memref<32x250x2x40xi32, #tpu.memory_space<hbm>> -> memref<1x1x2x40xi32, #tpu.memory_space<hbm>>
          %dma_start3A_157 = tpu.memref_squeeze %dma_start3A_156 : memref<1x1x2x40xi32, #tpu.memory_space<hbm>> -> memref<2x40xi32, #tpu.memory_space<hbm>>
          %dma_start3A_158 = arith.constant 0 : i32
          %dma_start3A_159 = arith.constant 0 : i32
          %dma_start3A_160 = tpu.memref_slice %arg6[%rem3A_85, %dma_start3A_158, %dma_start3A_159] : memref<3x2x40xi32, #tpu.memory_space<vmem>> -> memref<1x2x40xi32, #tpu.memory_space<vmem>>
          %dma_start3A_161 = tpu.memref_squeeze %dma_start3A_160 : memref<1x2x40xi32, #tpu.memory_space<vmem>> -> memref<2x40xi32, #tpu.memory_space<vmem>>
          %dma_start3A_162 = arith.constant 0 : i32
          %dma_start3A_163 = arith.constant 0 : i32
          %dma_start3A_164 = tpu.memref_slice %arg3[%add3A, %add3A_129, %dma_start3A_162, %dma_start3A_163] : memref<32x250x2x40xi32, #tpu.memory_space<hbm>> -> memref<1x1x2x40xi32, #tpu.memory_space<hbm>>
          %dma_start3A_165 = tpu.memref_squeeze %dma_start3A_164 : memref<1x1x2x40xi32, #tpu.memory_space<hbm>> -> memref<2x40xi32, #tpu.memory_space<hbm>>
          tpu.enqueue_dma source(%dma_start3A_165 : memref<2x40xi32, #tpu.memory_space<hbm>>) target(%dma_start3A_161 : memref<2x40xi32, #tpu.memory_space<vmem>>) target_semaphore(%run_scoped3A_149 : memref<!tpu.dma_semaphore, #tpu.memory_space<semaphore_mem>>)
          %dma_wait3A_166 = arith.constant 0 : i32
          %dma_wait3A_167 = arith.constant 0 : i32
          %dma_wait3A_168 = tpu.memref_slice %arg6[%rem3A_85, %dma_wait3A_166, %dma_wait3A_167] : memref<3x2x40xi32, #tpu.memory_space<vmem>> -> memref<1x2x40xi32, #tpu.memory_space<vmem>>
          %dma_wait3A_169 = tpu.memref_squeeze %dma_wait3A_168 : memref<1x2x40xi32, #tpu.memory_space<vmem>> -> memref<2x40xi32, #tpu.memory_space<vmem>>
          %dma_wait3A_170 = arith.constant 0 : i32
          %dma_wait3A_171 = arith.constant 0 : i32
          %dma_wait3A_172 = tpu.memref_slice %arg3[%add3A, %add3A_129, %dma_wait3A_170, %dma_wait3A_171] : memref<32x250x2x40xi32, #tpu.memory_space<hbm>> -> memref<1x1x2x40xi32, #tpu.memory_space<hbm>>
          %dma_wait3A_173 = tpu.memref_squeeze %dma_wait3A_172 : memref<1x1x2x40xi32, #tpu.memory_space<hbm>> -> memref<2x40xi32, #tpu.memory_space<hbm>>
          %dma_wait3A_174 = arith.constant 0 : i32
          %dma_wait3A_175 = arith.constant 0 : i32
          %dma_wait3A_176 = tpu.memref_slice %arg6[%rem3A_85, %dma_wait3A_174, %dma_wait3A_175] : memref<3x2x40xi32, #tpu.memory_space<vmem>> -> memref<1x2x40xi32, #tpu.memory_space<vmem>>
          %dma_wait3A_177 = tpu.memref_squeeze %dma_wait3A_176 : memref<1x2x40xi32, #tpu.memory_space<vmem>> -> memref<2x40xi32, #tpu.memory_space<vmem>>
          %dma_wait3A_178 = arith.constant 0 : i32
          %dma_wait3A_179 = arith.constant 0 : i32
          %dma_wait3A_180 = tpu.memref_slice %arg3[%add3A, %add3A_129, %dma_wait3A_178, %dma_wait3A_179] : memref<32x250x2x40xi32, #tpu.memory_space<hbm>> -> memref<1x1x2x40xi32, #tpu.memory_space<hbm>>
          %dma_wait3A_181 = tpu.memref_squeeze %dma_wait3A_180 : memref<1x1x2x40xi32, #tpu.memory_space<hbm>> -> memref<2x40xi32, #tpu.memory_space<hbm>>
          tpu.wait_dma2 semaphore(%run_scoped3A_149 : memref<!tpu.dma_semaphore, #tpu.memory_space<semaphore_mem>>) src(%dma_wait3A_181 : memref<2x40xi32, #tpu.memory_space<hbm>>) dst(%dma_wait3A_177 : memref<2x40xi32, #tpu.memory_space<vmem>>)
          tpu.yield
        }) : () -> ()
        %mul3A_130 = arith.constant 10000 : i32
        %mul3A_131 = arith.muli %add3A, %mul3A_130 : i32
        %mul3A_132 = arith.constant 40 : i32
        %mul3A_133 = arith.muli %add3A_129, %mul3A_132 : i32
        %add3A_134 = arith.addi %mul3A_131, %mul3A_133 : i32
        %dma_start3A_135 = arith.constant 0 : i32
        %dma_start3A_136 = arith.constant 0 : i32
        %dma_start3A_137 = tpu.memref_slice %arg7[%rem3A_85, %dma_start3A_135, %dma_start3A_136] : memref<3x40x128xf32, #tpu.memory_space<vmem>> -> memref<1x40x128xf32, #tpu.memory_space<vmem>>
        %dma_start3A_138 = tpu.memref_squeeze %dma_start3A_137 : memref<1x40x128xf32, #tpu.memory_space<vmem>> -> memref<40x128xf32, #tpu.memory_space<vmem>>
        %dma_start3A_139 = arith.constant 0 : i32
        %dma_start3A_140 = tpu.memref_slice %arg2[%add3A_134, %dma_start3A_139] : memref<320000x128xf32, #tpu.memory_space<hbm>> -> memref<40x128xf32, #tpu.memory_space<hbm>>
        %dma_start3A_141 = tpu.memref_slice %arg9[%rem3A_85] : memref<3x!tpu.dma_semaphore, #tpu.memory_space<semaphore_mem>> -> memref<1x!tpu.dma_semaphore, #tpu.memory_space<semaphore_mem>>
        %dma_start3A_142 = tpu.memref_squeeze %dma_start3A_141 : memref<1x!tpu.dma_semaphore, #tpu.memory_space<semaphore_mem>> -> memref<!tpu.dma_semaphore, #tpu.memory_space<semaphore_mem>>
        %dma_start3A_143 = arith.constant 0 : i32
        %dma_start3A_144 = arith.constant 0 : i32
        %dma_start3A_145 = tpu.memref_slice %arg7[%rem3A_85, %dma_start3A_143, %dma_start3A_144] : memref<3x40x128xf32, #tpu.memory_space<vmem>> -> memref<1x40x128xf32, #tpu.memory_space<vmem>>
        %dma_start3A_146 = tpu.memref_squeeze %dma_start3A_145 : memref<1x40x128xf32, #tpu.memory_space<vmem>> -> memref<40x128xf32, #tpu.memory_space<vmem>>
        %dma_start3A_147 = arith.constant 0 : i32
        %dma_start3A_148 = tpu.memref_slice %arg2[%add3A_134, %dma_start3A_147] : memref<320000x128xf32, #tpu.memory_space<hbm>> -> memref<40x128xf32, #tpu.memory_space<hbm>>
        tpu.enqueue_dma source(%dma_start3A_148 : memref<40x128xf32, #tpu.memory_space<hbm>>) target(%dma_start3A_146 : memref<40x128xf32, #tpu.memory_space<vmem>>) target_semaphore(%dma_start3A_142 : memref<!tpu.dma_semaphore, #tpu.memory_space<semaphore_mem>>)
      } else {
      }
      %mul3A_90 = arith.constant 10000 : i32
      %mul3A_91 = arith.muli %add3A, %mul3A_90 : i32
      %mul3A_92 = arith.constant 40 : i32
      %mul3A_93 = arith.muli %scan3A_80, %mul3A_92 : i32
      %add3A_94 = arith.addi %mul3A_91, %mul3A_93 : i32
      %dma_wait3A_95 = arith.constant 0 : i32
      %dma_wait3A_96 = arith.constant 0 : i32
      %dma_wait3A_97 = tpu.memref_slice %arg7[%rem3A_81, %dma_wait3A_95, %dma_wait3A_96] : memref<3x40x128xf32, #tpu.memory_space<vmem>> -> memref<1x40x128xf32, #tpu.memory_space<vmem>>
      %dma_wait3A_98 = tpu.memref_squeeze %dma_wait3A_97 : memref<1x40x128xf32, #tpu.memory_space<vmem>> -> memref<40x128xf32, #tpu.memory_space<vmem>>
      %dma_wait3A_99 = arith.constant 0 : i32
      %dma_wait3A_100 = tpu.memref_slice %arg2[%add3A_94, %dma_wait3A_99] : memref<320000x128xf32, #tpu.memory_space<hbm>> -> memref<40x128xf32, #tpu.memory_space<hbm>>
      %dma_wait3A_101 = tpu.memref_slice %arg9[%rem3A_81] : memref<3x!tpu.dma_semaphore, #tpu.memory_space<semaphore_mem>> -> memref<1x!tpu.dma_semaphore, #tpu.memory_space<semaphore_mem>>
      %dma_wait3A_102 = tpu.memref_squeeze %dma_wait3A_101 : memref<1x!tpu.dma_semaphore, #tpu.memory_space<semaphore_mem>> -> memref<!tpu.dma_semaphore, #tpu.memory_space<semaphore_mem>>
      %dma_wait3A_103 = arith.constant 0 : i32
      %dma_wait3A_104 = arith.constant 0 : i32
      %dma_wait3A_105 = tpu.memref_slice %arg7[%rem3A_81, %dma_wait3A_103, %dma_wait3A_104] : memref<3x40x128xf32, #tpu.memory_space<vmem>> -> memref<1x40x128xf32, #tpu.memory_space<vmem>>
      %dma_wait3A_106 = tpu.memref_squeeze %dma_wait3A_105 : memref<1x40x128xf32, #tpu.memory_space<vmem>> -> memref<40x128xf32, #tpu.memory_space<vmem>>
      %dma_wait3A_107 = arith.constant 0 : i32
      %dma_wait3A_108 = tpu.memref_slice %arg2[%add3A_94, %dma_wait3A_107] : memref<320000x128xf32, #tpu.memory_space<hbm>> -> memref<40x128xf32, #tpu.memory_space<hbm>>
      tpu.wait_dma2 semaphore(%dma_wait3A_102 : memref<!tpu.dma_semaphore, #tpu.memory_space<semaphore_mem>>) src(%dma_wait3A_108 : memref<40x128xf32, #tpu.memory_space<hbm>>) dst(%dma_wait3A_106 : memref<40x128xf32, #tpu.memory_space<vmem>>)
      %dma_start3A_109 = arith.constant 1 : i32
      %dma_start3A_110 = arith.constant 0 : i32
      %dma_start3A_111 = arith.constant 0 : i32
      %dma_start3A_112 = tpu.memref_slice %arg7[%rem3A_81, %dma_start3A_110, %dma_start3A_111] : memref<3x40x128xf32, #tpu.memory_space<vmem>> -> memref<1x40x128xf32, #tpu.memory_space<vmem>>
      %dma_start3A_113 = tpu.memref_squeeze %dma_start3A_112 : memref<1x40x128xf32, #tpu.memory_space<vmem>> -> memref<40x128xf32, #tpu.memory_space<vmem>>
      %dma_start3A_114 = arith.constant 0 : i32
      %dma_start3A_115 = tpu.memref_slice %arg6[%rem3A_81, %dma_start3A_109, %dma_start3A_114] : memref<3x2x40xi32, #tpu.memory_space<vmem>> -> memref<1x1x40xi32, #tpu.memory_space<vmem>>
      %dma_start3A_116 = tpu.memref_squeeze %dma_start3A_115 : memref<1x1x40xi32, #tpu.memory_space<vmem>> -> memref<40xi32, #tpu.memory_space<vmem>>
      %dma_start3A_117 = arith.constant 0 : i32
      %dma_start3A_118 = arith.constant 0 : i32
      %dma_start3A_119 = tpu.memref_slice %arg8[%dma_start3A_117, %dma_start3A_118] : memref<10112x128xf32, #tpu.memory_space<vmem_shared>> -> memref<10112x128xf32, #tpu.memory_space<vmem_shared>>
      %dma_start3A_120 = tpu.memref_slice %arg10[%rem3A_81] : memref<3x!tpu.dma_semaphore, #tpu.memory_space<semaphore_mem>> -> memref<1x!tpu.dma_semaphore, #tpu.memory_space<semaphore_mem>>
      %dma_start3A_121 = tpu.memref_squeeze %dma_start3A_120 : memref<1x!tpu.dma_semaphore, #tpu.memory_space<semaphore_mem>> -> memref<!tpu.dma_semaphore, #tpu.memory_space<semaphore_mem>>
      tpu.enqueue_indirect_dma source(%dma_start3A_113 : memref<40x128xf32, #tpu.memory_space<vmem>>) target(%dma_start3A_119 : memref<10112x128xf32, #tpu.memory_space<vmem_shared>>) offsets(%dma_start3A_116 : memref<40xi32, #tpu.memory_space<vmem>>) semaphore(%dma_start3A_121 : memref<!tpu.dma_semaphore, #tpu.memory_space<semaphore_mem>>) {add = true}
    }
    %scan3A_27 = arith.constant 250 : i32
    %dma_wait3A = arith.constant 0 : i32
    %dma_wait3A_28 = arith.constant 0 : i32
    %dma_wait3A_29 = arith.constant 1 : i32
    %dma_wait3A_30 = arith.constant 0 : i32
    %dma_wait3A_31 = arith.constant 0 : i32
    %dma_wait3A_32 = arith.constant 0 : i32
    %dma_wait3A_33 = tpu.memref_slice %arg7[%dma_wait3A, %dma_wait3A_31, %dma_wait3A_32] : memref<3x40x128xf32, #tpu.memory_space<vmem>> -> memref<1x40x128xf32, #tpu.memory_space<vmem>>
    %dma_wait3A_34 = tpu.memref_squeeze %dma_wait3A_33 : memref<1x40x128xf32, #tpu.memory_space<vmem>> -> memref<40x128xf32, #tpu.memory_space<vmem>>
    %dma_wait3A_35 = arith.constant 0 : i32
    %dma_wait3A_36 = tpu.memref_slice %arg6[%dma_wait3A_28, %dma_wait3A_29, %dma_wait3A_35] : memref<3x2x40xi32, #tpu.memory_space<vmem>> -> memref<1x1x40xi32, #tpu.memory_space<vmem>>
    %dma_wait3A_37 = tpu.memref_squeeze %dma_wait3A_36 : memref<1x1x40xi32, #tpu.memory_space<vmem>> -> memref<40xi32, #tpu.memory_space<vmem>>
    %dma_wait3A_38 = arith.constant 0 : i32
    %dma_wait3A_39 = arith.constant 0 : i32
    %dma_wait3A_40 = tpu.memref_slice %arg8[%dma_wait3A_38, %dma_wait3A_39] : memref<10112x128xf32, #tpu.memory_space<vmem_shared>> -> memref<10112x128xf32, #tpu.memory_space<vmem_shared>>
    %dma_wait3A_41 = tpu.memref_slice %arg10[%dma_wait3A_30] : memref<3x!tpu.dma_semaphore, #tpu.memory_space<semaphore_mem>> -> memref<1x!tpu.dma_semaphore, #tpu.memory_space<semaphore_mem>>
    %dma_wait3A_42 = tpu.memref_squeeze %dma_wait3A_41 : memref<1x!tpu.dma_semaphore, #tpu.memory_space<semaphore_mem>> -> memref<!tpu.dma_semaphore, #tpu.memory_space<semaphore_mem>>
    tpu.wait_indirect_dma semaphore(%dma_wait3A_42 : memref<!tpu.dma_semaphore, #tpu.memory_space<semaphore_mem>>) src(%dma_wait3A_34 : memref<40x128xf32, #tpu.memory_space<vmem>>) dst(%dma_wait3A_40 : memref<10112x128xf32, #tpu.memory_space<vmem_shared>>)
    %dma_wait3A_43 = arith.constant 1 : i32
    %dma_wait3A_44 = arith.constant 1 : i32
    %dma_wait3A_45 = arith.constant 1 : i32
    %dma_wait3A_46 = arith.constant 1 : i32
    %dma_wait3A_47 = arith.constant 0 : i32
    %dma_wait3A_48 = arith.constant 0 : i32
    %dma_wait3A_49 = tpu.memref_slice %arg7[%dma_wait3A_43, %dma_wait3A_47, %dma_wait3A_48] : memref<3x40x128xf32, #tpu.memory_space<vmem>> -> memref<1x40x128xf32, #tpu.memory_space<vmem>>
    %dma_wait3A_50 = tpu.memref_squeeze %dma_wait3A_49 : memref<1x40x128xf32, #tpu.memory_space<vmem>> -> memref<40x128xf32, #tpu.memory_space<vmem>>
    %dma_wait3A_51 = arith.constant 0 : i32
    %dma_wait3A_52 = tpu.memref_slice %arg6[%dma_wait3A_44, %dma_wait3A_45, %dma_wait3A_51] : memref<3x2x40xi32, #tpu.memory_space<vmem>> -> memref<1x1x40xi32, #tpu.memory_space<vmem>>
    %dma_wait3A_53 = tpu.memref_squeeze %dma_wait3A_52 : memref<1x1x40xi32, #tpu.memory_space<vmem>> -> memref<40xi32, #tpu.memory_space<vmem>>
    %dma_wait3A_54 = arith.constant 0 : i32
    %dma_wait3A_55 = arith.constant 0 : i32
    %dma_wait3A_56 = tpu.memref_slice %arg8[%dma_wait3A_54, %dma_wait3A_55] : memref<10112x128xf32, #tpu.memory_space<vmem_shared>> -> memref<10112x128xf32, #tpu.memory_space<vmem_shared>>
    %dma_wait3A_57 = tpu.memref_slice %arg10[%dma_wait3A_46] : memref<3x!tpu.dma_semaphore, #tpu.memory_space<semaphore_mem>> -> memref<1x!tpu.dma_semaphore, #tpu.memory_space<semaphore_mem>>
    %dma_wait3A_58 = tpu.memref_squeeze %dma_wait3A_57 : memref<1x!tpu.dma_semaphore, #tpu.memory_space<semaphore_mem>> -> memref<!tpu.dma_semaphore, #tpu.memory_space<semaphore_mem>>
    tpu.wait_indirect_dma semaphore(%dma_wait3A_58 : memref<!tpu.dma_semaphore, #tpu.memory_space<semaphore_mem>>) src(%dma_wait3A_50 : memref<40x128xf32, #tpu.memory_space<vmem>>) dst(%dma_wait3A_56 : memref<10112x128xf32, #tpu.memory_space<vmem_shared>>)
    %dma_wait3A_59 = arith.constant 2 : i32
    %dma_wait3A_60 = arith.constant 2 : i32
    %dma_wait3A_61 = arith.constant 1 : i32
    %dma_wait3A_62 = arith.constant 2 : i32
    %dma_wait3A_63 = arith.constant 0 : i32
    %dma_wait3A_64 = arith.constant 0 : i32
    %dma_wait3A_65 = tpu.memref_slice %arg7[%dma_wait3A_59, %dma_wait3A_63, %dma_wait3A_64] : memref<3x40x128xf32, #tpu.memory_space<vmem>> -> memref<1x40x128xf32, #tpu.memory_space<vmem>>
    %dma_wait3A_66 = tpu.memref_squeeze %dma_wait3A_65 : memref<1x40x128xf32, #tpu.memory_space<vmem>> -> memref<40x128xf32, #tpu.memory_space<vmem>>
    %dma_wait3A_67 = arith.constant 0 : i32
    %dma_wait3A_68 = tpu.memref_slice %arg6[%dma_wait3A_60, %dma_wait3A_61, %dma_wait3A_67] : memref<3x2x40xi32, #tpu.memory_space<vmem>> -> memref<1x1x40xi32, #tpu.memory_space<vmem>>
    %dma_wait3A_69 = tpu.memref_squeeze %dma_wait3A_68 : memref<1x1x40xi32, #tpu.memory_space<vmem>> -> memref<40xi32, #tpu.memory_space<vmem>>
    %dma_wait3A_70 = arith.constant 0 : i32
    %dma_wait3A_71 = arith.constant 0 : i32
    %dma_wait3A_72 = tpu.memref_slice %arg8[%dma_wait3A_70, %dma_wait3A_71] : memref<10112x128xf32, #tpu.memory_space<vmem_shared>> -> memref<10112x128xf32, #tpu.memory_space<vmem_shared>>
    %dma_wait3A_73 = tpu.memref_slice %arg10[%dma_wait3A_62] : memref<3x!tpu.dma_semaphore, #tpu.memory_space<semaphore_mem>> -> memref<1x!tpu.dma_semaphore, #tpu.memory_space<semaphore_mem>>
    %dma_wait3A_74 = tpu.memref_squeeze %dma_wait3A_73 : memref<1x!tpu.dma_semaphore, #tpu.memory_space<semaphore_mem>> -> memref<!tpu.dma_semaphore, #tpu.memory_space<semaphore_mem>>
    tpu.wait_indirect_dma semaphore(%dma_wait3A_74 : memref<!tpu.dma_semaphore, #tpu.memory_space<semaphore_mem>>) src(%dma_wait3A_66 : memref<40x128xf32, #tpu.memory_space<vmem>>) dst(%dma_wait3A_72 : memref<10112x128xf32, #tpu.memory_space<vmem_shared>>)
    %barrier3A_75 = arith.constant 0 : index
    tpu.barrier barrier_id(%barrier3A_75)
    %mul3A_76 = arith.constant 632 : i32
    %mul3A_77 = arith.muli %arg1, %mul3A_76 : i32
    %mul3A_78 = arith.constant 632 : i32
    %mul3A_79 = arith.muli %arg1, %mul3A_78 : i32
    "tpu.region"() ({
      %run_scoped3A_80 = tpu.sem_alloc : memref<!tpu.dma_semaphore, #tpu.memory_space<semaphore_mem>>
      %dma_start3A_81 = arith.constant 0 : i32
      %dma_start3A_82 = tpu.memref_slice %arg5[%arg0, %mul3A_79, %dma_start3A_81] : memref<2x10112x128xf32, #tpu.memory_space<hbm>> -> memref<1x632x128xf32, #tpu.memory_space<hbm>>
      %dma_start3A_83 = tpu.memref_squeeze %dma_start3A_82 : memref<1x632x128xf32, #tpu.memory_space<hbm>> -> memref<632x128xf32, #tpu.memory_space<hbm>>
      %dma_start3A_84 = arith.constant 0 : i32
      %dma_start3A_85 = tpu.memref_slice %arg8[%mul3A_77, %dma_start3A_84] : memref<10112x128xf32, #tpu.memory_space<vmem_shared>> -> memref<632x128xf32, #tpu.memory_space<vmem_shared>>
      tpu.enqueue_dma source(%dma_start3A_85 : memref<632x128xf32, #tpu.memory_space<vmem_shared>>) target(%dma_start3A_83 : memref<632x128xf32, #tpu.memory_space<hbm>>) target_semaphore(%run_scoped3A_80 : memref<!tpu.dma_semaphore, #tpu.memory_space<semaphore_mem>>)
      %dma_wait3A_86 = arith.constant 0 : i32
      %dma_wait3A_87 = tpu.memref_slice %arg5[%arg0, %mul3A_79, %dma_wait3A_86] : memref<2x10112x128xf32, #tpu.memory_space<hbm>> -> memref<1x632x128xf32, #tpu.memory_space<hbm>>
      %dma_wait3A_88 = tpu.memref_squeeze %dma_wait3A_87 : memref<1x632x128xf32, #tpu.memory_space<hbm>> -> memref<632x128xf32, #tpu.memory_space<hbm>>
      %dma_wait3A_89 = arith.constant 0 : i32
      %dma_wait3A_90 = tpu.memref_slice %arg8[%mul3A_77, %dma_wait3A_89] : memref<10112x128xf32, #tpu.memory_space<vmem_shared>> -> memref<632x128xf32, #tpu.memory_space<vmem_shared>>
      tpu.wait_dma2 semaphore(%run_scoped3A_80 : memref<!tpu.dma_semaphore, #tpu.memory_space<semaphore_mem>>) src(%dma_wait3A_90 : memref<632x128xf32, #tpu.memory_space<vmem_shared>>) dst(%dma_wait3A_88 : memref<632x128xf32, #tpu.memory_space<hbm>>)
      tpu.yield
    }) : () -> ()
    return
  }
}

#map = affine_map<(d0, d1) -> (0, 0)>
#map1 = affine_map<(d0, d1) -> (0, 0, 0, 0)>
#map2 = affine_map<(d0, d1) -> (0, 0, 0)>
module attributes {stable_mosaic.version = 14 : i64} {
  func.func @body(%arg0: i32, %arg1: i32, %arg2: memref<10112x128xf32, #tpu.memory_space<hbm>>, %arg3: memref<320000x128xf32, #tpu.memory_space<hbm>>, %arg4: memref<32x250x2x40xi32, #tpu.memory_space<hbm>>, %arg5: memref<632x128xf32, #tpu.memory_space<hbm>>, %arg6: memref<2x10112x128xf32, #tpu.memory_space<hbm>>, %arg7: memref<3x2x40xi32, #tpu.memory_space<vmem>>, %arg8: memref<3x40x128xf32, #tpu.memory_space<vmem>>, %arg9: memref<3x40x128xf32, #tpu.memory_space<vmem>>, %arg10: memref<10112x128xf32, #tpu.memory_space<vmem_shared>>, %arg11: memref<3x!tpu.dma_semaphore, #tpu.memory_space<semaphore_mem>>, %arg12: memref<3x!tpu.dma_semaphore, #tpu.memory_space<semaphore_mem>>, %arg13: memref<3x!tpu.dma_semaphore, #tpu.memory_space<semaphore_mem>>) attributes {dimension_semantics = [#tpu.dimension_semantics<core_parallel>, #tpu.dimension_semantics<subcore_parallel>], iteration_bounds = array<i64: 2, 16>, scalar_prefetch = 0 : i64, scratch_operands = 7 : i64, tpu.core_type = #tpu.core_type<sc_vector_subcore>, window_params = [{transform_indices = #map}, {transform_indices = #map}, {transform_indices = #map1}, {transform_indices = #map}, {transform_indices = #map2}]} {
    %mul3A = arith.constant 16 : i32
    %mul3A_0 = arith.muli %arg0, %mul3A : i32
    %add3A = arith.addi %mul3A_0, %arg1 : i32
    %mul3A_1 = arith.constant 632 : i32
    %mul3A_2 = arith.muli %arg1, %mul3A_1 : i32
    "tpu.region"() ({
      %run_scoped3A_96 = tpu.sem_alloc : memref<!tpu.dma_semaphore, #tpu.memory_space<semaphore_mem>>
      %dma_start3A_97 = arith.constant 0 : i32
      %dma_start3A_98 = tpu.memref_slice %arg10[%mul3A_2, %dma_start3A_97] : memref<10112x128xf32, #tpu.memory_space<vmem_shared>> -> memref<632x128xf32, #tpu.memory_space<vmem_shared>>
      tpu.enqueue_dma source(%arg5 : memref<632x128xf32, #tpu.memory_space<hbm>>) target(%dma_start3A_98 : memref<632x128xf32, #tpu.memory_space<vmem_shared>>) target_semaphore(%run_scoped3A_96 : memref<!tpu.dma_semaphore, #tpu.memory_space<semaphore_mem>>)
      %dma_wait3A_99 = arith.constant 0 : i32
      %dma_wait3A_100 = tpu.memref_slice %arg10[%mul3A_2, %dma_wait3A_99] : memref<10112x128xf32, #tpu.memory_space<vmem_shared>> -> memref<632x128xf32, #tpu.memory_space<vmem_shared>>
      tpu.wait_dma2 semaphore(%run_scoped3A_96 : memref<!tpu.dma_semaphore, #tpu.memory_space<semaphore_mem>>) src(%arg5 : memref<632x128xf32, #tpu.memory_space<hbm>>) dst(%dma_wait3A_100 : memref<632x128xf32, #tpu.memory_space<vmem_shared>>)
      tpu.yield
    }) : () -> ()
    %barrier3A = arith.constant 0 : index
    tpu.barrier barrier_id(%barrier3A)
    %run_scoped3A = arith.constant 0 : i32
    %run_scoped3A_3 = arith.constant 0 : i32
    "tpu.region"() ({
      %run_scoped3A_96 = tpu.sem_alloc : memref<!tpu.dma_semaphore, #tpu.memory_space<semaphore_mem>>
      %dma_start3A_97 = arith.constant 0 : i32
      %dma_start3A_98 = arith.constant 0 : i32
      %dma_start3A_99 = tpu.memref_slice %arg7[%run_scoped3A_3, %dma_start3A_97, %dma_start3A_98] : memref<3x2x40xi32, #tpu.memory_space<vmem>> -> memref<1x2x40xi32, #tpu.memory_space<vmem>>
      %dma_start3A_100 = tpu.memref_squeeze %dma_start3A_99 : memref<1x2x40xi32, #tpu.memory_space<vmem>> -> memref<2x40xi32, #tpu.memory_space<vmem>>
      %dma_start3A_101 = arith.constant 0 : i32
      %dma_start3A_102 = arith.constant 0 : i32
      %dma_start3A_103 = tpu.memref_slice %arg4[%add3A, %run_scoped3A, %dma_start3A_101, %dma_start3A_102] : memref<32x250x2x40xi32, #tpu.memory_space<hbm>> -> memref<1x1x2x40xi32, #tpu.memory_space<hbm>>
      %dma_start3A_104 = tpu.memref_squeeze %dma_start3A_103 : memref<1x1x2x40xi32, #tpu.memory_space<hbm>> -> memref<2x40xi32, #tpu.memory_space<hbm>>
      %dma_start3A_105 = arith.constant 0 : i32
      %dma_start3A_106 = arith.constant 0 : i32
      %dma_start3A_107 = tpu.memref_slice %arg7[%run_scoped3A_3, %dma_start3A_105, %dma_start3A_106] : memref<3x2x40xi32, #tpu.memory_space<vmem>> -> memref<1x2x40xi32, #tpu.memory_space<vmem>>
      %dma_start3A_108 = tpu.memref_squeeze %dma_start3A_107 : memref<1x2x40xi32, #tpu.memory_space<vmem>> -> memref<2x40xi32, #tpu.memory_space<vmem>>
      %dma_start3A_109 = arith.constant 0 : i32
      %dma_start3A_110 = arith.constant 0 : i32
      %dma_start3A_111 = tpu.memref_slice %arg4[%add3A, %run_scoped3A, %dma_start3A_109, %dma_start3A_110] : memref<32x250x2x40xi32, #tpu.memory_space<hbm>> -> memref<1x1x2x40xi32, #tpu.memory_space<hbm>>
      %dma_start3A_112 = tpu.memref_squeeze %dma_start3A_111 : memref<1x1x2x40xi32, #tpu.memory_space<hbm>> -> memref<2x40xi32, #tpu.memory_space<hbm>>
      tpu.enqueue_dma source(%dma_start3A_112 : memref<2x40xi32, #tpu.memory_space<hbm>>) target(%dma_start3A_108 : memref<2x40xi32, #tpu.memory_space<vmem>>) target_semaphore(%run_scoped3A_96 : memref<!tpu.dma_semaphore, #tpu.memory_space<semaphore_mem>>)
      %dma_wait3A_113 = arith.constant 0 : i32
      %dma_wait3A_114 = arith.constant 0 : i32
      %dma_wait3A_115 = tpu.memref_slice %arg7[%run_scoped3A_3, %dma_wait3A_113, %dma_wait3A_114] : memref<3x2x40xi32, #tpu.memory_space<vmem>> -> memref<1x2x40xi32, #tpu.memory_space<vmem>>
      %dma_wait3A_116 = tpu.memref_squeeze %dma_wait3A_115 : memref<1x2x40xi32, #tpu.memory_space<vmem>> -> memref<2x40xi32, #tpu.memory_space<vmem>>
      %dma_wait3A_117 = arith.constant 0 : i32
      %dma_wait3A_118 = arith.constant 0 : i32
      %dma_wait3A_119 = tpu.memref_slice %arg4[%add3A, %run_scoped3A, %dma_wait3A_117, %dma_wait3A_118] : memref<32x250x2x40xi32, #tpu.memory_space<hbm>> -> memref<1x1x2x40xi32, #tpu.memory_space<hbm>>
      %dma_wait3A_120 = tpu.memref_squeeze %dma_wait3A_119 : memref<1x1x2x40xi32, #tpu.memory_space<hbm>> -> memref<2x40xi32, #tpu.memory_space<hbm>>
      %dma_wait3A_121 = arith.constant 0 : i32
      %dma_wait3A_122 = arith.constant 0 : i32
      %dma_wait3A_123 = tpu.memref_slice %arg7[%run_scoped3A_3, %dma_wait3A_121, %dma_wait3A_122] : memref<3x2x40xi32, #tpu.memory_space<vmem>> -> memref<1x2x40xi32, #tpu.memory_space<vmem>>
      %dma_wait3A_124 = tpu.memref_squeeze %dma_wait3A_123 : memref<1x2x40xi32, #tpu.memory_space<vmem>> -> memref<2x40xi32, #tpu.memory_space<vmem>>
      %dma_wait3A_125 = arith.constant 0 : i32
      %dma_wait3A_126 = arith.constant 0 : i32
      %dma_wait3A_127 = tpu.memref_slice %arg4[%add3A, %run_scoped3A, %dma_wait3A_125, %dma_wait3A_126] : memref<32x250x2x40xi32, #tpu.memory_space<hbm>> -> memref<1x1x2x40xi32, #tpu.memory_space<hbm>>
      %dma_wait3A_128 = tpu.memref_squeeze %dma_wait3A_127 : memref<1x1x2x40xi32, #tpu.memory_space<hbm>> -> memref<2x40xi32, #tpu.memory_space<hbm>>
      tpu.wait_dma2 semaphore(%run_scoped3A_96 : memref<!tpu.dma_semaphore, #tpu.memory_space<semaphore_mem>>) src(%dma_wait3A_128 : memref<2x40xi32, #tpu.memory_space<hbm>>) dst(%dma_wait3A_124 : memref<2x40xi32, #tpu.memory_space<vmem>>)
      tpu.yield
    }) : () -> ()
    %dma_start3A = arith.constant 0 : i32
    %dma_start3A_4 = arith.constant 0 : i32
    %dma_start3A_5 = arith.constant 0 : i32
    %dma_start3A_6 = arith.constant 0 : i32
    %dma_start3A_7 = arith.constant 0 : i32
    %dma_start3A_8 = arith.constant 0 : i32
    %dma_start3A_9 = tpu.memref_slice %arg8[%dma_start3A_5, %dma_start3A_7, %dma_start3A_8] : memref<3x40x128xf32, #tpu.memory_space<vmem>> -> memref<1x40x128xf32, #tpu.memory_space<vmem>>
    %dma_start3A_10 = tpu.memref_squeeze %dma_start3A_9 : memref<1x40x128xf32, #tpu.memory_space<vmem>> -> memref<40x128xf32, #tpu.memory_space<vmem>>
    %dma_start3A_11 = arith.constant 0 : i32
    %dma_start3A_12 = tpu.memref_slice %arg7[%dma_start3A, %dma_start3A_4, %dma_start3A_11] : memref<3x2x40xi32, #tpu.memory_space<vmem>> -> memref<1x1x40xi32, #tpu.memory_space<vmem>>
    %dma_start3A_13 = tpu.memref_squeeze %dma_start3A_12 : memref<1x1x40xi32, #tpu.memory_space<vmem>> -> memref<40xi32, #tpu.memory_space<vmem>>
    %dma_start3A_14 = arith.constant 0 : i32
    %dma_start3A_15 = arith.constant 0 : i32
    %dma_start3A_16 = tpu.memref_slice %arg2[%dma_start3A_14, %dma_start3A_15] : memref<10112x128xf32, #tpu.memory_space<hbm>> -> memref<10112x128xf32, #tpu.memory_space<hbm>>
    %dma_start3A_17 = tpu.memref_slice %arg11[%dma_start3A_6] : memref<3x!tpu.dma_semaphore, #tpu.memory_space<semaphore_mem>> -> memref<1x!tpu.dma_semaphore, #tpu.memory_space<semaphore_mem>>
    %dma_start3A_18 = tpu.memref_squeeze %dma_start3A_17 : memref<1x!tpu.dma_semaphore, #tpu.memory_space<semaphore_mem>> -> memref<!tpu.dma_semaphore, #tpu.memory_space<semaphore_mem>>
    tpu.enqueue_indirect_dma source(%dma_start3A_16 : memref<10112x128xf32, #tpu.memory_space<hbm>>) target(%dma_start3A_10 : memref<40x128xf32, #tpu.memory_space<vmem>>) offsets(%dma_start3A_13 : memref<40xi32, #tpu.memory_space<vmem>>) semaphore(%dma_start3A_18 : memref<!tpu.dma_semaphore, #tpu.memory_space<semaphore_mem>>)
    %mul3A_19 = arith.constant 10000 : i32
    %mul3A_20 = arith.muli %add3A, %mul3A_19 : i32
    %add3A_21 = arith.constant 0 : i32
    %add3A_22 = arith.addi %mul3A_20, %add3A_21 : i32
    %dma_start3A_23 = arith.constant 0 : i32
    %dma_start3A_24 = arith.constant 0 : i32
    %dma_start3A_25 = arith.constant 0 : i32
    %dma_start3A_26 = arith.constant 0 : i32
    %dma_start3A_27 = tpu.memref_slice %arg9[%dma_start3A_23, %dma_start3A_25, %dma_start3A_26] : memref<3x40x128xf32, #tpu.memory_space<vmem>> -> memref<1x40x128xf32, #tpu.memory_space<vmem>>
    %dma_start3A_28 = tpu.memref_squeeze %dma_start3A_27 : memref<1x40x128xf32, #tpu.memory_space<vmem>> -> memref<40x128xf32, #tpu.memory_space<vmem>>
    %dma_start3A_29 = arith.constant 0 : i32
    %dma_start3A_30 = tpu.memref_slice %arg3[%add3A_22, %dma_start3A_29] : memref<320000x128xf32, #tpu.memory_space<hbm>> -> memref<40x128xf32, #tpu.memory_space<hbm>>
    %dma_start3A_31 = tpu.memref_slice %arg12[%dma_start3A_24] : memref<3x!tpu.dma_semaphore, #tpu.memory_space<semaphore_mem>> -> memref<1x!tpu.dma_semaphore, #tpu.memory_space<semaphore_mem>>
    %dma_start3A_32 = tpu.memref_squeeze %dma_start3A_31 : memref<1x!tpu.dma_semaphore, #tpu.memory_space<semaphore_mem>> -> memref<!tpu.dma_semaphore, #tpu.memory_space<semaphore_mem>>
    %dma_start3A_33 = arith.constant 0 : i32
    %dma_start3A_34 = arith.constant 0 : i32
    %dma_start3A_35 = tpu.memref_slice %arg9[%dma_start3A_23, %dma_start3A_33, %dma_start3A_34] : memref<3x40x128xf32, #tpu.memory_space<vmem>> -> memref<1x40x128xf32, #tpu.memory_space<vmem>>
    %dma_start3A_36 = tpu.memref_squeeze %dma_start3A_35 : memref<1x40x128xf32, #tpu.memory_space<vmem>> -> memref<40x128xf32, #tpu.memory_space<vmem>>
    %dma_start3A_37 = arith.constant 0 : i32
    %dma_start3A_38 = tpu.memref_slice %arg3[%add3A_22, %dma_start3A_37] : memref<320000x128xf32, #tpu.memory_space<hbm>> -> memref<40x128xf32, #tpu.memory_space<hbm>>
    tpu.enqueue_dma source(%dma_start3A_38 : memref<40x128xf32, #tpu.memory_space<hbm>>) target(%dma_start3A_36 : memref<40x128xf32, #tpu.memory_space<vmem>>) target_semaphore(%dma_start3A_32 : memref<!tpu.dma_semaphore, #tpu.memory_space<semaphore_mem>>)
    %scan3A = arith.constant 0 : i32
    %scan3A_39 = arith.constant 0 : i32
    %scan3A_40 = arith.constant 250 : i32
    %scan3A_41 = arith.addi %scan3A_39, %scan3A_40 : i32
    %scan3A_42 = arith.constant 1 : i32
    scf.for %scan3A_96 = %scan3A_39 to %scan3A_41 step %scan3A_42  : i32 {
      %rem3A = arith.constant 3 : i32
      %rem3A_97 = arith.remsi %scan3A_96, %rem3A : i32
      %add3A_98 = arith.constant 1 : i32
      %add3A_99 = arith.addi %scan3A_96, %add3A_98 : i32
      %rem3A_100 = arith.constant 3 : i32
      %rem3A_101 = arith.remsi %add3A_99, %rem3A_100 : i32
      %add3A_102 = arith.constant 1 : i32
      %add3A_103 = arith.addi %scan3A_96, %add3A_102 : i32
      %lt3A = arith.constant 250 : i32
      %lt3A_104 = arith.cmpi slt, %add3A_103, %lt3A : i32
      %convert_element_type3A = arith.extui %lt3A_104 : i1 to i32
      %cond3A = arith.constant 0 : i32
      %cond3A_105 = arith.cmpi ne, %convert_element_type3A, %cond3A : i32
      scf.if %cond3A_105 {
        %add3A_157 = arith.constant 1 : i32
        %add3A_158 = arith.addi %scan3A_96, %add3A_157 : i32
        %ge3A = arith.constant 3 : i32
        %ge3A_159 = arith.cmpi sge, %add3A_158, %ge3A : i32
        %convert_element_type3A_160 = arith.extui %ge3A_159 : i1 to i32
        %cond3A_161 = arith.constant 0 : i32
        %cond3A_162 = arith.cmpi ne, %convert_element_type3A_160, %cond3A_161 : i32
        scf.if %cond3A_162 {
          %dma_wait3A_197 = arith.constant 1 : i32
          %dma_wait3A_198 = arith.constant 0 : i32
          %dma_wait3A_199 = arith.constant 0 : i32
          %dma_wait3A_200 = tpu.memref_slice %arg8[%rem3A_101, %dma_wait3A_198, %dma_wait3A_199] : memref<3x40x128xf32, #tpu.memory_space<vmem>> -> memref<1x40x128xf32, #tpu.memory_space<vmem>>
          %dma_wait3A_201 = tpu.memref_squeeze %dma_wait3A_200 : memref<1x40x128xf32, #tpu.memory_space<vmem>> -> memref<40x128xf32, #tpu.memory_space<vmem>>
          %dma_wait3A_202 = arith.constant 0 : i32
          %dma_wait3A_203 = tpu.memref_slice %arg7[%rem3A_101, %dma_wait3A_197, %dma_wait3A_202] : memref<3x2x40xi32, #tpu.memory_space<vmem>> -> memref<1x1x40xi32, #tpu.memory_space<vmem>>
          %dma_wait3A_204 = tpu.memref_squeeze %dma_wait3A_203 : memref<1x1x40xi32, #tpu.memory_space<vmem>> -> memref<40xi32, #tpu.memory_space<vmem>>
          %dma_wait3A_205 = arith.constant 0 : i32
          %dma_wait3A_206 = arith.constant 0 : i32
          %dma_wait3A_207 = tpu.memref_slice %arg10[%dma_wait3A_205, %dma_wait3A_206] : memref<10112x128xf32, #tpu.memory_space<vmem_shared>> -> memref<10112x128xf32, #tpu.memory_space<vmem_shared>>
          %dma_wait3A_208 = tpu.memref_slice %arg13[%rem3A_101] : memref<3x!tpu.dma_semaphore, #tpu.memory_space<semaphore_mem>> -> memref<1x!tpu.dma_semaphore, #tpu.memory_space<semaphore_mem>>
          %dma_wait3A_209 = tpu.memref_squeeze %dma_wait3A_208 : memref<1x!tpu.dma_semaphore, #tpu.memory_space<semaphore_mem>> -> memref<!tpu.dma_semaphore, #tpu.memory_space<semaphore_mem>>
          tpu.wait_indirect_dma semaphore(%dma_wait3A_209 : memref<!tpu.dma_semaphore, #tpu.memory_space<semaphore_mem>>) src(%dma_wait3A_201 : memref<40x128xf32, #tpu.memory_space<vmem>>) dst(%dma_wait3A_207 : memref<10112x128xf32, #tpu.memory_space<vmem_shared>>)
        } else {
        }
        %add3A_163 = arith.constant 1 : i32
        %add3A_164 = arith.addi %scan3A_96, %add3A_163 : i32
        "tpu.region"() ({
          %run_scoped3A_197 = tpu.sem_alloc : memref<!tpu.dma_semaphore, #tpu.memory_space<semaphore_mem>>
          %dma_start3A_198 = arith.constant 0 : i32
          %dma_start3A_199 = arith.constant 0 : i32
          %dma_start3A_200 = tpu.memref_slice %arg7[%rem3A_101, %dma_start3A_198, %dma_start3A_199] : memref<3x2x40xi32, #tpu.memory_space<vmem>> -> memref<1x2x40xi32, #tpu.memory_space<vmem>>
          %dma_start3A_201 = tpu.memref_squeeze %dma_start3A_200 : memref<1x2x40xi32, #tpu.memory_space<vmem>> -> memref<2x40xi32, #tpu.memory_space<vmem>>
          %dma_start3A_202 = arith.constant 0 : i32
          %dma_start3A_203 = arith.constant 0 : i32
          %dma_start3A_204 = tpu.memref_slice %arg4[%add3A, %add3A_164, %dma_start3A_202, %dma_start3A_203] : memref<32x250x2x40xi32, #tpu.memory_space<hbm>> -> memref<1x1x2x40xi32, #tpu.memory_space<hbm>>
          %dma_start3A_205 = tpu.memref_squeeze %dma_start3A_204 : memref<1x1x2x40xi32, #tpu.memory_space<hbm>> -> memref<2x40xi32, #tpu.memory_space<hbm>>
          %dma_start3A_206 = arith.constant 0 : i32
          %dma_start3A_207 = arith.constant 0 : i32
          %dma_start3A_208 = tpu.memref_slice %arg7[%rem3A_101, %dma_start3A_206, %dma_start3A_207] : memref<3x2x40xi32, #tpu.memory_space<vmem>> -> memref<1x2x40xi32, #tpu.memory_space<vmem>>
          %dma_start3A_209 = tpu.memref_squeeze %dma_start3A_208 : memref<1x2x40xi32, #tpu.memory_space<vmem>> -> memref<2x40xi32, #tpu.memory_space<vmem>>
          %dma_start3A_210 = arith.constant 0 : i32
          %dma_start3A_211 = arith.constant 0 : i32
          %dma_start3A_212 = tpu.memref_slice %arg4[%add3A, %add3A_164, %dma_start3A_210, %dma_start3A_211] : memref<32x250x2x40xi32, #tpu.memory_space<hbm>> -> memref<1x1x2x40xi32, #tpu.memory_space<hbm>>
          %dma_start3A_213 = tpu.memref_squeeze %dma_start3A_212 : memref<1x1x2x40xi32, #tpu.memory_space<hbm>> -> memref<2x40xi32, #tpu.memory_space<hbm>>
          tpu.enqueue_dma source(%dma_start3A_213 : memref<2x40xi32, #tpu.memory_space<hbm>>) target(%dma_start3A_209 : memref<2x40xi32, #tpu.memory_space<vmem>>) target_semaphore(%run_scoped3A_197 : memref<!tpu.dma_semaphore, #tpu.memory_space<semaphore_mem>>)
          %dma_wait3A_214 = arith.constant 0 : i32
          %dma_wait3A_215 = arith.constant 0 : i32
          %dma_wait3A_216 = tpu.memref_slice %arg7[%rem3A_101, %dma_wait3A_214, %dma_wait3A_215] : memref<3x2x40xi32, #tpu.memory_space<vmem>> -> memref<1x2x40xi32, #tpu.memory_space<vmem>>
          %dma_wait3A_217 = tpu.memref_squeeze %dma_wait3A_216 : memref<1x2x40xi32, #tpu.memory_space<vmem>> -> memref<2x40xi32, #tpu.memory_space<vmem>>
          %dma_wait3A_218 = arith.constant 0 : i32
          %dma_wait3A_219 = arith.constant 0 : i32
          %dma_wait3A_220 = tpu.memref_slice %arg4[%add3A, %add3A_164, %dma_wait3A_218, %dma_wait3A_219] : memref<32x250x2x40xi32, #tpu.memory_space<hbm>> -> memref<1x1x2x40xi32, #tpu.memory_space<hbm>>
          %dma_wait3A_221 = tpu.memref_squeeze %dma_wait3A_220 : memref<1x1x2x40xi32, #tpu.memory_space<hbm>> -> memref<2x40xi32, #tpu.memory_space<hbm>>
          %dma_wait3A_222 = arith.constant 0 : i32
          %dma_wait3A_223 = arith.constant 0 : i32
          %dma_wait3A_224 = tpu.memref_slice %arg7[%rem3A_101, %dma_wait3A_222, %dma_wait3A_223] : memref<3x2x40xi32, #tpu.memory_space<vmem>> -> memref<1x2x40xi32, #tpu.memory_space<vmem>>
          %dma_wait3A_225 = tpu.memref_squeeze %dma_wait3A_224 : memref<1x2x40xi32, #tpu.memory_space<vmem>> -> memref<2x40xi32, #tpu.memory_space<vmem>>
          %dma_wait3A_226 = arith.constant 0 : i32
          %dma_wait3A_227 = arith.constant 0 : i32
          %dma_wait3A_228 = tpu.memref_slice %arg4[%add3A, %add3A_164, %dma_wait3A_226, %dma_wait3A_227] : memref<32x250x2x40xi32, #tpu.memory_space<hbm>> -> memref<1x1x2x40xi32, #tpu.memory_space<hbm>>
          %dma_wait3A_229 = tpu.memref_squeeze %dma_wait3A_228 : memref<1x1x2x40xi32, #tpu.memory_space<hbm>> -> memref<2x40xi32, #tpu.memory_space<hbm>>
          tpu.wait_dma2 semaphore(%run_scoped3A_197 : memref<!tpu.dma_semaphore, #tpu.memory_space<semaphore_mem>>) src(%dma_wait3A_229 : memref<2x40xi32, #tpu.memory_space<hbm>>) dst(%dma_wait3A_225 : memref<2x40xi32, #tpu.memory_space<vmem>>)
          tpu.yield
        }) : () -> ()
        %dma_start3A_165 = arith.constant 0 : i32
        %dma_start3A_166 = arith.constant 0 : i32
        %dma_start3A_167 = arith.constant 0 : i32
        %dma_start3A_168 = tpu.memref_slice %arg8[%rem3A_101, %dma_start3A_166, %dma_start3A_167] : memref<3x40x128xf32, #tpu.memory_space<vmem>> -> memref<1x40x128xf32, #tpu.memory_space<vmem>>
        %dma_start3A_169 = tpu.memref_squeeze %dma_start3A_168 : memref<1x40x128xf32, #tpu.memory_space<vmem>> -> memref<40x128xf32, #tpu.memory_space<vmem>>
        %dma_start3A_170 = arith.constant 0 : i32
        %dma_start3A_171 = tpu.memref_slice %arg7[%rem3A_101, %dma_start3A_165, %dma_start3A_170] : memref<3x2x40xi32, #tpu.memory_space<vmem>> -> memref<1x1x40xi32, #tpu.memory_space<vmem>>
        %dma_start3A_172 = tpu.memref_squeeze %dma_start3A_171 : memref<1x1x40xi32, #tpu.memory_space<vmem>> -> memref<40xi32, #tpu.memory_space<vmem>>
        %dma_start3A_173 = arith.constant 0 : i32
        %dma_start3A_174 = arith.constant 0 : i32
        %dma_start3A_175 = tpu.memref_slice %arg2[%dma_start3A_173, %dma_start3A_174] : memref<10112x128xf32, #tpu.memory_space<hbm>> -> memref<10112x128xf32, #tpu.memory_space<hbm>>
        %dma_start3A_176 = tpu.memref_slice %arg11[%rem3A_101] : memref<3x!tpu.dma_semaphore, #tpu.memory_space<semaphore_mem>> -> memref<1x!tpu.dma_semaphore, #tpu.memory_space<semaphore_mem>>
        %dma_start3A_177 = tpu.memref_squeeze %dma_start3A_176 : memref<1x!tpu.dma_semaphore, #tpu.memory_space<semaphore_mem>> -> memref<!tpu.dma_semaphore, #tpu.memory_space<semaphore_mem>>
        tpu.enqueue_indirect_dma source(%dma_start3A_175 : memref<10112x128xf32, #tpu.memory_space<hbm>>) target(%dma_start3A_169 : memref<40x128xf32, #tpu.memory_space<vmem>>) offsets(%dma_start3A_172 : memref<40xi32, #tpu.memory_space<vmem>>) semaphore(%dma_start3A_177 : memref<!tpu.dma_semaphore, #tpu.memory_space<semaphore_mem>>)
        %mul3A_178 = arith.constant 10000 : i32
        %mul3A_179 = arith.muli %add3A, %mul3A_178 : i32
        %mul3A_180 = arith.constant 40 : i32
        %mul3A_181 = arith.muli %add3A_164, %mul3A_180 : i32
        %add3A_182 = arith.addi %mul3A_179, %mul3A_181 : i32
        %dma_start3A_183 = arith.constant 0 : i32
        %dma_start3A_184 = arith.constant 0 : i32
        %dma_start3A_185 = tpu.memref_slice %arg9[%rem3A_101, %dma_start3A_183, %dma_start3A_184] : memref<3x40x128xf32, #tpu.memory_space<vmem>> -> memref<1x40x128xf32, #tpu.memory_space<vmem>>
        %dma_start3A_186 = tpu.memref_squeeze %dma_start3A_185 : memref<1x40x128xf32, #tpu.memory_space<vmem>> -> memref<40x128xf32, #tpu.memory_space<vmem>>
        %dma_start3A_187 = arith.constant 0 : i32
        %dma_start3A_188 = tpu.memref_slice %arg3[%add3A_182, %dma_start3A_187] : memref<320000x128xf32, #tpu.memory_space<hbm>> -> memref<40x128xf32, #tpu.memory_space<hbm>>
        %dma_start3A_189 = tpu.memref_slice %arg12[%rem3A_101] : memref<3x!tpu.dma_semaphore, #tpu.memory_space<semaphore_mem>> -> memref<1x!tpu.dma_semaphore, #tpu.memory_space<semaphore_mem>>
        %dma_start3A_190 = tpu.memref_squeeze %dma_start3A_189 : memref<1x!tpu.dma_semaphore, #tpu.memory_space<semaphore_mem>> -> memref<!tpu.dma_semaphore, #tpu.memory_space<semaphore_mem>>
        %dma_start3A_191 = arith.constant 0 : i32
        %dma_start3A_192 = arith.constant 0 : i32
        %dma_start3A_193 = tpu.memref_slice %arg9[%rem3A_101, %dma_start3A_191, %dma_start3A_192] : memref<3x40x128xf32, #tpu.memory_space<vmem>> -> memref<1x40x128xf32, #tpu.memory_space<vmem>>
        %dma_start3A_194 = tpu.memref_squeeze %dma_start3A_193 : memref<1x40x128xf32, #tpu.memory_space<vmem>> -> memref<40x128xf32, #tpu.memory_space<vmem>>
        %dma_start3A_195 = arith.constant 0 : i32
        %dma_start3A_196 = tpu.memref_slice %arg3[%add3A_182, %dma_start3A_195] : memref<320000x128xf32, #tpu.memory_space<hbm>> -> memref<40x128xf32, #tpu.memory_space<hbm>>
        tpu.enqueue_dma source(%dma_start3A_196 : memref<40x128xf32, #tpu.memory_space<hbm>>) target(%dma_start3A_194 : memref<40x128xf32, #tpu.memory_space<vmem>>) target_semaphore(%dma_start3A_190 : memref<!tpu.dma_semaphore, #tpu.memory_space<semaphore_mem>>)
      } else {
      }
      %dma_wait3A_106 = arith.constant 0 : i32
      %dma_wait3A_107 = arith.constant 0 : i32
      %dma_wait3A_108 = arith.constant 0 : i32
      %dma_wait3A_109 = tpu.memref_slice %arg8[%rem3A_97, %dma_wait3A_107, %dma_wait3A_108] : memref<3x40x128xf32, #tpu.memory_space<vmem>> -> memref<1x40x128xf32, #tpu.memory_space<vmem>>
      %dma_wait3A_110 = tpu.memref_squeeze %dma_wait3A_109 : memref<1x40x128xf32, #tpu.memory_space<vmem>> -> memref<40x128xf32, #tpu.memory_space<vmem>>
      %dma_wait3A_111 = arith.constant 0 : i32
      %dma_wait3A_112 = tpu.memref_slice %arg7[%rem3A_97, %dma_wait3A_106, %dma_wait3A_111] : memref<3x2x40xi32, #tpu.memory_space<vmem>> -> memref<1x1x40xi32, #tpu.memory_space<vmem>>
      %dma_wait3A_113 = tpu.memref_squeeze %dma_wait3A_112 : memref<1x1x40xi32, #tpu.memory_space<vmem>> -> memref<40xi32, #tpu.memory_space<vmem>>
      %dma_wait3A_114 = arith.constant 0 : i32
      %dma_wait3A_115 = arith.constant 0 : i32
      %dma_wait3A_116 = tpu.memref_slice %arg2[%dma_wait3A_114, %dma_wait3A_115] : memref<10112x128xf32, #tpu.memory_space<hbm>> -> memref<10112x128xf32, #tpu.memory_space<hbm>>
      %dma_wait3A_117 = tpu.memref_slice %arg11[%rem3A_97] : memref<3x!tpu.dma_semaphore, #tpu.memory_space<semaphore_mem>> -> memref<1x!tpu.dma_semaphore, #tpu.memory_space<semaphore_mem>>
      %dma_wait3A_118 = tpu.memref_squeeze %dma_wait3A_117 : memref<1x!tpu.dma_semaphore, #tpu.memory_space<semaphore_mem>> -> memref<!tpu.dma_semaphore, #tpu.memory_space<semaphore_mem>>
      tpu.wait_indirect_dma semaphore(%dma_wait3A_118 : memref<!tpu.dma_semaphore, #tpu.memory_space<semaphore_mem>>) src(%dma_wait3A_116 : memref<10112x128xf32, #tpu.memory_space<hbm>>) dst(%dma_wait3A_110 : memref<40x128xf32, #tpu.memory_space<vmem>>)
      %mul3A_119 = arith.constant 10000 : i32
      %mul3A_120 = arith.muli %add3A, %mul3A_119 : i32
      %mul3A_121 = arith.constant 40 : i32
      %mul3A_122 = arith.muli %scan3A_96, %mul3A_121 : i32
      %add3A_123 = arith.addi %mul3A_120, %mul3A_122 : i32
      %dma_wait3A_124 = arith.constant 0 : i32
      %dma_wait3A_125 = arith.constant 0 : i32
      %dma_wait3A_126 = tpu.memref_slice %arg9[%rem3A_97, %dma_wait3A_124, %dma_wait3A_125] : memref<3x40x128xf32, #tpu.memory_space<vmem>> -> memref<1x40x128xf32, #tpu.memory_space<vmem>>
      %dma_wait3A_127 = tpu.memref_squeeze %dma_wait3A_126 : memref<1x40x128xf32, #tpu.memory_space<vmem>> -> memref<40x128xf32, #tpu.memory_space<vmem>>
      %dma_wait3A_128 = arith.constant 0 : i32
      %dma_wait3A_129 = tpu.memref_slice %arg3[%add3A_123, %dma_wait3A_128] : memref<320000x128xf32, #tpu.memory_space<hbm>> -> memref<40x128xf32, #tpu.memory_space<hbm>>
      %dma_wait3A_130 = tpu.memref_slice %arg12[%rem3A_97] : memref<3x!tpu.dma_semaphore, #tpu.memory_space<semaphore_mem>> -> memref<1x!tpu.dma_semaphore, #tpu.memory_space<semaphore_mem>>
      %dma_wait3A_131 = tpu.memref_squeeze %dma_wait3A_130 : memref<1x!tpu.dma_semaphore, #tpu.memory_space<semaphore_mem>> -> memref<!tpu.dma_semaphore, #tpu.memory_space<semaphore_mem>>
      %dma_wait3A_132 = arith.constant 0 : i32
      %dma_wait3A_133 = arith.constant 0 : i32
      %dma_wait3A_134 = tpu.memref_slice %arg9[%rem3A_97, %dma_wait3A_132, %dma_wait3A_133] : memref<3x40x128xf32, #tpu.memory_space<vmem>> -> memref<1x40x128xf32, #tpu.memory_space<vmem>>
      %dma_wait3A_135 = tpu.memref_squeeze %dma_wait3A_134 : memref<1x40x128xf32, #tpu.memory_space<vmem>> -> memref<40x128xf32, #tpu.memory_space<vmem>>
      %dma_wait3A_136 = arith.constant 0 : i32
      %dma_wait3A_137 = tpu.memref_slice %arg3[%add3A_123, %dma_wait3A_136] : memref<320000x128xf32, #tpu.memory_space<hbm>> -> memref<40x128xf32, #tpu.memory_space<hbm>>
      tpu.wait_dma2 semaphore(%dma_wait3A_131 : memref<!tpu.dma_semaphore, #tpu.memory_space<semaphore_mem>>) src(%dma_wait3A_137 : memref<40x128xf32, #tpu.memory_space<hbm>>) dst(%dma_wait3A_135 : memref<40x128xf32, #tpu.memory_space<vmem>>)
      %scan3A_138 = arith.constant 0 : i32
      %scan3A_139 = arith.constant 0 : i32
      %scan3A_140 = arith.constant 40 : i32
      %scan3A_141 = arith.addi %scan3A_139, %scan3A_140 : i32
      %scan3A_142 = arith.constant 1 : i32
      scf.for %scan3A_157 = %scan3A_139 to %scan3A_141 step %scan3A_142  : i32 {
        %get3A = arith.index_cast %rem3A_97 : i32 to index
        %get3A_158 = arith.index_cast %scan3A_157 : i32 to index
        %get3A_159 = arith.constant 0 : index
        %get3A_160 = tpu.vector_load %arg8[%get3A, %get3A_158, %get3A_159] {strides = array<i32>} : memref<3x40x128xf32, #tpu.memory_space<vmem>>, vector<1x1x16xf32>,
        %get3A_161 = vector.shape_cast %get3A_160 : vector<1x1x16xf32> to vector<16xf32>
        %get3A_162 = arith.index_cast %rem3A_97 : i32 to index
        %get3A_163 = arith.index_cast %scan3A_157 : i32 to index
        %get3A_164 = arith.constant 0 : index
        %get3A_165 = tpu.vector_load %arg9[%get3A_162, %get3A_163, %get3A_164] {strides = array<i32>} : memref<3x40x128xf32, #tpu.memory_space<vmem>>, vector<1x1x16xf32>,
        %get3A_166 = vector.shape_cast %get3A_165 : vector<1x1x16xf32> to vector<16xf32>
        %mul3A_167 = arith.mulf %get3A_161, %get3A_166 : vector<16xf32>
        %swap3A = arith.index_cast %rem3A_97 : i32 to index
        %swap3A_168 = arith.index_cast %scan3A_157 : i32 to index
        %swap3A_169 = arith.constant 0 : index
        %swap3A_170 = tpu.vector_load %arg8[%swap3A, %swap3A_168, %swap3A_169] {strides = array<i32>} : memref<3x40x128xf32, #tpu.memory_space<vmem>>, vector<1x1x16xf32>,
        %swap3A_171 = vector.shape_cast %swap3A_170 : vector<1x1x16xf32> to vector<16xf32>
        %swap3A_172 = vector.shape_cast %mul3A_167 : vector<16xf32> to vector<1x1x16xf32>
        tpu.vector_store %arg8[%swap3A, %swap3A_168, %swap3A_169], %swap3A_172 {strides = array<i32>} : memref<3x40x128xf32, #tpu.memory_space<vmem>>, vector<1x1x16xf32>,
        %get3A_173 = arith.index_cast %rem3A_97 : i32 to index
        %get3A_174 = arith.index_cast %scan3A_157 : i32 to index
        %get3A_175 = arith.constant 16 : index
        %get3A_176 = tpu.vector_load %arg8[%get3A_173, %get3A_174, %get3A_175] {strides = array<i32>} : memref<3x40x128xf32, #tpu.memory_space<vmem>>, vector<1x1x16xf32>,
        %get3A_177 = vector.shape_cast %get3A_176 : vector<1x1x16xf32> to vector<16xf32>
        %get3A_178 = arith.index_cast %rem3A_97 : i32 to index
        %get3A_179 = arith.index_cast %scan3A_157 : i32 to index
        %get3A_180 = arith.constant 16 : index
        %get3A_181 = tpu.vector_load %arg9[%get3A_178, %get3A_179, %get3A_180] {strides = array<i32>} : memref<3x40x128xf32, #tpu.memory_space<vmem>>, vector<1x1x16xf32>,
        %get3A_182 = vector.shape_cast %get3A_181 : vector<1x1x16xf32> to vector<16xf32>
        %mul3A_183 = arith.mulf %get3A_177, %get3A_182 : vector<16xf32>
        %swap3A_184 = arith.index_cast %rem3A_97 : i32 to index
        %swap3A_185 = arith.index_cast %scan3A_157 : i32 to index
        %swap3A_186 = arith.constant 16 : index
        %swap3A_187 = tpu.vector_load %arg8[%swap3A_184, %swap3A_185, %swap3A_186] {strides = array<i32>} : memref<3x40x128xf32, #tpu.memory_space<vmem>>, vector<1x1x16xf32>,
        %swap3A_188 = vector.shape_cast %swap3A_187 : vector<1x1x16xf32> to vector<16xf32>
        %swap3A_189 = vector.shape_cast %mul3A_183 : vector<16xf32> to vector<1x1x16xf32>
        tpu.vector_store %arg8[%swap3A_184, %swap3A_185, %swap3A_186], %swap3A_189 {strides = array<i32>} : memref<3x40x128xf32, #tpu.memory_space<vmem>>, vector<1x1x16xf32>,
        %get3A_190 = arith.index_cast %rem3A_97 : i32 to index
        %get3A_191 = arith.index_cast %scan3A_157 : i32 to index
        %get3A_192 = arith.constant 32 : index
        %get3A_193 = tpu.vector_load %arg8[%get3A_190, %get3A_191, %get3A_192] {strides = array<i32>} : memref<3x40x128xf32, #tpu.memory_space<vmem>>, vector<1x1x16xf32>,
        %get3A_194 = vector.shape_cast %get3A_193 : vector<1x1x16xf32> to vector<16xf32>
        %get3A_195 = arith.index_cast %rem3A_97 : i32 to index
        %get3A_196 = arith.index_cast %scan3A_157 : i32 to index
        %get3A_197 = arith.constant 32 : index
        %get3A_198 = tpu.vector_load %arg9[%get3A_195, %get3A_196, %get3A_197] {strides = array<i32>} : memref<3x40x128xf32, #tpu.memory_space<vmem>>, vector<1x1x16xf32>,
        %get3A_199 = vector.shape_cast %get3A_198 : vector<1x1x16xf32> to vector<16xf32>
        %mul3A_200 = arith.mulf %get3A_194, %get3A_199 : vector<16xf32>
        %swap3A_201 = arith.index_cast %rem3A_97 : i32 to index
        %swap3A_202 = arith.index_cast %scan3A_157 : i32 to index
        %swap3A_203 = arith.constant 32 : index
        %swap3A_204 = tpu.vector_load %arg8[%swap3A_201, %swap3A_202, %swap3A_203] {strides = array<i32>} : memref<3x40x128xf32, #tpu.memory_space<vmem>>, vector<1x1x16xf32>,
        %swap3A_205 = vector.shape_cast %swap3A_204 : vector<1x1x16xf32> to vector<16xf32>
        %swap3A_206 = vector.shape_cast %mul3A_200 : vector<16xf32> to vector<1x1x16xf32>
        tpu.vector_store %arg8[%swap3A_201, %swap3A_202, %swap3A_203], %swap3A_206 {strides = array<i32>} : memref<3x40x128xf32, #tpu.memory_space<vmem>>, vector<1x1x16xf32>,
        %get3A_207 = arith.index_cast %rem3A_97 : i32 to index
        %get3A_208 = arith.index_cast %scan3A_157 : i32 to index
        %get3A_209 = arith.constant 48 : index
        %get3A_210 = tpu.vector_load %arg8[%get3A_207, %get3A_208, %get3A_209] {strides = array<i32>} : memref<3x40x128xf32, #tpu.memory_space<vmem>>, vector<1x1x16xf32>,
        %get3A_211 = vector.shape_cast %get3A_210 : vector<1x1x16xf32> to vector<16xf32>
        %get3A_212 = arith.index_cast %rem3A_97 : i32 to index
        %get3A_213 = arith.index_cast %scan3A_157 : i32 to index
        %get3A_214 = arith.constant 48 : index
        %get3A_215 = tpu.vector_load %arg9[%get3A_212, %get3A_213, %get3A_214] {strides = array<i32>} : memref<3x40x128xf32, #tpu.memory_space<vmem>>, vector<1x1x16xf32>,
        %get3A_216 = vector.shape_cast %get3A_215 : vector<1x1x16xf32> to vector<16xf32>
        %mul3A_217 = arith.mulf %get3A_211, %get3A_216 : vector<16xf32>
        %swap3A_218 = arith.index_cast %rem3A_97 : i32 to index
        %swap3A_219 = arith.index_cast %scan3A_157 : i32 to index
        %swap3A_220 = arith.constant 48 : index
        %swap3A_221 = tpu.vector_load %arg8[%swap3A_218, %swap3A_219, %swap3A_220] {strides = array<i32>} : memref<3x40x128xf32, #tpu.memory_space<vmem>>, vector<1x1x16xf32>,
        %swap3A_222 = vector.shape_cast %swap3A_221 : vector<1x1x16xf32> to vector<16xf32>
        %swap3A_223 = vector.shape_cast %mul3A_217 : vector<16xf32> to vector<1x1x16xf32>
        tpu.vector_store %arg8[%swap3A_218, %swap3A_219, %swap3A_220], %swap3A_223 {strides = array<i32>} : memref<3x40x128xf32, #tpu.memory_space<vmem>>, vector<1x1x16xf32>,
        %get3A_224 = arith.index_cast %rem3A_97 : i32 to index
        %get3A_225 = arith.index_cast %scan3A_157 : i32 to index
        %get3A_226 = arith.constant 64 : index
        %get3A_227 = tpu.vector_load %arg8[%get3A_224, %get3A_225, %get3A_226] {strides = array<i32>} : memref<3x40x128xf32, #tpu.memory_space<vmem>>, vector<1x1x16xf32>,
        %get3A_228 = vector.shape_cast %get3A_227 : vector<1x1x16xf32> to vector<16xf32>
        %get3A_229 = arith.index_cast %rem3A_97 : i32 to index
        %get3A_230 = arith.index_cast %scan3A_157 : i32 to index
        %get3A_231 = arith.constant 64 : index
        %get3A_232 = tpu.vector_load %arg9[%get3A_229, %get3A_230, %get3A_231] {strides = array<i32>} : memref<3x40x128xf32, #tpu.memory_space<vmem>>, vector<1x1x16xf32>,
        %get3A_233 = vector.shape_cast %get3A_232 : vector<1x1x16xf32> to vector<16xf32>
        %mul3A_234 = arith.mulf %get3A_228, %get3A_233 : vector<16xf32>
        %swap3A_235 = arith.index_cast %rem3A_97 : i32 to index
        %swap3A_236 = arith.index_cast %scan3A_157 : i32 to index
        %swap3A_237 = arith.constant 64 : index
        %swap3A_238 = tpu.vector_load %arg8[%swap3A_235, %swap3A_236, %swap3A_237] {strides = array<i32>} : memref<3x40x128xf32, #tpu.memory_space<vmem>>, vector<1x1x16xf32>,
        %swap3A_239 = vector.shape_cast %swap3A_238 : vector<1x1x16xf32> to vector<16xf32>
        %swap3A_240 = vector.shape_cast %mul3A_234 : vector<16xf32> to vector<1x1x16xf32>
        tpu.vector_store %arg8[%swap3A_235, %swap3A_236, %swap3A_237], %swap3A_240 {strides = array<i32>} : memref<3x40x128xf32, #tpu.memory_space<vmem>>, vector<1x1x16xf32>,
        %get3A_241 = arith.index_cast %rem3A_97 : i32 to index
        %get3A_242 = arith.index_cast %scan3A_157 : i32 to index
        %get3A_243 = arith.constant 80 : index
        %get3A_244 = tpu.vector_load %arg8[%get3A_241, %get3A_242, %get3A_243] {strides = array<i32>} : memref<3x40x128xf32, #tpu.memory_space<vmem>>, vector<1x1x16xf32>,
        %get3A_245 = vector.shape_cast %get3A_244 : vector<1x1x16xf32> to vector<16xf32>
        %get3A_246 = arith.index_cast %rem3A_97 : i32 to index
        %get3A_247 = arith.index_cast %scan3A_157 : i32 to index
        %get3A_248 = arith.constant 80 : index
        %get3A_249 = tpu.vector_load %arg9[%get3A_246, %get3A_247, %get3A_248] {strides = array<i32>} : memref<3x40x128xf32, #tpu.memory_space<vmem>>, vector<1x1x16xf32>,
        %get3A_250 = vector.shape_cast %get3A_249 : vector<1x1x16xf32> to vector<16xf32>
        %mul3A_251 = arith.mulf %get3A_245, %get3A_250 : vector<16xf32>
        %swap3A_252 = arith.index_cast %rem3A_97 : i32 to index
        %swap3A_253 = arith.index_cast %scan3A_157 : i32 to index
        %swap3A_254 = arith.constant 80 : index
        %swap3A_255 = tpu.vector_load %arg8[%swap3A_252, %swap3A_253, %swap3A_254] {strides = array<i32>} : memref<3x40x128xf32, #tpu.memory_space<vmem>>, vector<1x1x16xf32>,
        %swap3A_256 = vector.shape_cast %swap3A_255 : vector<1x1x16xf32> to vector<16xf32>
        %swap3A_257 = vector.shape_cast %mul3A_251 : vector<16xf32> to vector<1x1x16xf32>
        tpu.vector_store %arg8[%swap3A_252, %swap3A_253, %swap3A_254], %swap3A_257 {strides = array<i32>} : memref<3x40x128xf32, #tpu.memory_space<vmem>>, vector<1x1x16xf32>,
        %get3A_258 = arith.index_cast %rem3A_97 : i32 to index
        %get3A_259 = arith.index_cast %scan3A_157 : i32 to index
        %get3A_260 = arith.constant 96 : index
        %get3A_261 = tpu.vector_load %arg8[%get3A_258, %get3A_259, %get3A_260] {strides = array<i32>} : memref<3x40x128xf32, #tpu.memory_space<vmem>>, vector<1x1x16xf32>,
        %get3A_262 = vector.shape_cast %get3A_261 : vector<1x1x16xf32> to vector<16xf32>
        %get3A_263 = arith.index_cast %rem3A_97 : i32 to index
        %get3A_264 = arith.index_cast %scan3A_157 : i32 to index
        %get3A_265 = arith.constant 96 : index
        %get3A_266 = tpu.vector_load %arg9[%get3A_263, %get3A_264, %get3A_265] {strides = array<i32>} : memref<3x40x128xf32, #tpu.memory_space<vmem>>, vector<1x1x16xf32>,
        %get3A_267 = vector.shape_cast %get3A_266 : vector<1x1x16xf32> to vector<16xf32>
        %mul3A_268 = arith.mulf %get3A_262, %get3A_267 : vector<16xf32>
        %swap3A_269 = arith.index_cast %rem3A_97 : i32 to index
        %swap3A_270 = arith.index_cast %scan3A_157 : i32 to index
        %swap3A_271 = arith.constant 96 : index
        %swap3A_272 = tpu.vector_load %arg8[%swap3A_269, %swap3A_270, %swap3A_271] {strides = array<i32>} : memref<3x40x128xf32, #tpu.memory_space<vmem>>, vector<1x1x16xf32>,
        %swap3A_273 = vector.shape_cast %swap3A_272 : vector<1x1x16xf32> to vector<16xf32>
        %swap3A_274 = vector.shape_cast %mul3A_268 : vector<16xf32> to vector<1x1x16xf32>
        tpu.vector_store %arg8[%swap3A_269, %swap3A_270, %swap3A_271], %swap3A_274 {strides = array<i32>} : memref<3x40x128xf32, #tpu.memory_space<vmem>>, vector<1x1x16xf32>,
        %get3A_275 = arith.index_cast %rem3A_97 : i32 to index
        %get3A_276 = arith.index_cast %scan3A_157 : i32 to index
        %get3A_277 = arith.constant 112 : index
        %get3A_278 = tpu.vector_load %arg8[%get3A_275, %get3A_276, %get3A_277] {strides = array<i32>} : memref<3x40x128xf32, #tpu.memory_space<vmem>>, vector<1x1x16xf32>,
        %get3A_279 = vector.shape_cast %get3A_278 : vector<1x1x16xf32> to vector<16xf32>
        %get3A_280 = arith.index_cast %rem3A_97 : i32 to index
        %get3A_281 = arith.index_cast %scan3A_157 : i32 to index
        %get3A_282 = arith.constant 112 : index
        %get3A_283 = tpu.vector_load %arg9[%get3A_280, %get3A_281, %get3A_282] {strides = array<i32>} : memref<3x40x128xf32, #tpu.memory_space<vmem>>, vector<1x1x16xf32>,
        %get3A_284 = vector.shape_cast %get3A_283 : vector<1x1x16xf32> to vector<16xf32>
        %mul3A_285 = arith.mulf %get3A_279, %get3A_284 : vector<16xf32>
        %swap3A_286 = arith.index_cast %rem3A_97 : i32 to index
        %swap3A_287 = arith.index_cast %scan3A_157 : i32 to index
        %swap3A_288 = arith.constant 112 : index
        %swap3A_289 = tpu.vector_load %arg8[%swap3A_286, %swap3A_287, %swap3A_288] {strides = array<i32>} : memref<3x40x128xf32, #tpu.memory_space<vmem>>, vector<1x1x16xf32>,
        %swap3A_290 = vector.shape_cast %swap3A_289 : vector<1x1x16xf32> to vector<16xf32>
        %swap3A_291 = vector.shape_cast %mul3A_285 : vector<16xf32> to vector<1x1x16xf32>
        tpu.vector_store %arg8[%swap3A_286, %swap3A_287, %swap3A_288], %swap3A_291 {strides = array<i32>} : memref<3x40x128xf32, #tpu.memory_space<vmem>>, vector<1x1x16xf32>,
      }
      %scan3A_143 = arith.constant 40 : i32
      %dma_start3A_144 = arith.constant 1 : i32
      %dma_start3A_145 = arith.constant 0 : i32
      %dma_start3A_146 = arith.constant 0 : i32
      %dma_start3A_147 = tpu.memref_slice %arg8[%rem3A_97, %dma_start3A_145, %dma_start3A_146] : memref<3x40x128xf32, #tpu.memory_space<vmem>> -> memref<1x40x128xf32, #tpu.memory_space<vmem>>
      %dma_start3A_148 = tpu.memref_squeeze %dma_start3A_147 : memref<1x40x128xf32, #tpu.memory_space<vmem>> -> memref<40x128xf32, #tpu.memory_space<vmem>>
      %dma_start3A_149 = arith.constant 0 : i32
      %dma_start3A_150 = tpu.memref_slice %arg7[%rem3A_97, %dma_start3A_144, %dma_start3A_149] : memref<3x2x40xi32, #tpu.memory_space<vmem>> -> memref<1x1x40xi32, #tpu.memory_space<vmem>>
      %dma_start3A_151 = tpu.memref_squeeze %dma_start3A_150 : memref<1x1x40xi32, #tpu.memory_space<vmem>> -> memref<40xi32, #tpu.memory_space<vmem>>
      %dma_start3A_152 = arith.constant 0 : i32
      %dma_start3A_153 = arith.constant 0 : i32
      %dma_start3A_154 = tpu.memref_slice %arg10[%dma_start3A_152, %dma_start3A_153] : memref<10112x128xf32, #tpu.memory_space<vmem_shared>> -> memref<10112x128xf32, #tpu.memory_space<vmem_shared>>
      %dma_start3A_155 = tpu.memref_slice %arg13[%rem3A_97] : memref<3x!tpu.dma_semaphore, #tpu.memory_space<semaphore_mem>> -> memref<1x!tpu.dma_semaphore, #tpu.memory_space<semaphore_mem>>
      %dma_start3A_156 = tpu.memref_squeeze %dma_start3A_155 : memref<1x!tpu.dma_semaphore, #tpu.memory_space<semaphore_mem>> -> memref<!tpu.dma_semaphore, #tpu.memory_space<semaphore_mem>>
      tpu.enqueue_indirect_dma source(%dma_start3A_148 : memref<40x128xf32, #tpu.memory_space<vmem>>) target(%dma_start3A_154 : memref<10112x128xf32, #tpu.memory_space<vmem_shared>>) offsets(%dma_start3A_151 : memref<40xi32, #tpu.memory_space<vmem>>) semaphore(%dma_start3A_156 : memref<!tpu.dma_semaphore, #tpu.memory_space<semaphore_mem>>) {add = true}
    }
    %scan3A_43 = arith.constant 250 : i32
    %dma_wait3A = arith.constant 0 : i32
    %dma_wait3A_44 = arith.constant 0 : i32
    %dma_wait3A_45 = arith.constant 1 : i32
    %dma_wait3A_46 = arith.constant 0 : i32
    %dma_wait3A_47 = arith.constant 0 : i32
    %dma_wait3A_48 = arith.constant 0 : i32
    %dma_wait3A_49 = tpu.memref_slice %arg8[%dma_wait3A, %dma_wait3A_47, %dma_wait3A_48] : memref<3x40x128xf32, #tpu.memory_space<vmem>> -> memref<1x40x128xf32, #tpu.memory_space<vmem>>
    %dma_wait3A_50 = tpu.memref_squeeze %dma_wait3A_49 : memref<1x40x128xf32, #tpu.memory_space<vmem>> -> memref<40x128xf32, #tpu.memory_space<vmem>>
    %dma_wait3A_51 = arith.constant 0 : i32
    %dma_wait3A_52 = tpu.memref_slice %arg7[%dma_wait3A_44, %dma_wait3A_45, %dma_wait3A_51] : memref<3x2x40xi32, #tpu.memory_space<vmem>> -> memref<1x1x40xi32, #tpu.memory_space<vmem>>
    %dma_wait3A_53 = tpu.memref_squeeze %dma_wait3A_52 : memref<1x1x40xi32, #tpu.memory_space<vmem>> -> memref<40xi32, #tpu.memory_space<vmem>>
    %dma_wait3A_54 = arith.constant 0 : i32
    %dma_wait3A_55 = arith.constant 0 : i32
    %dma_wait3A_56 = tpu.memref_slice %arg10[%dma_wait3A_54, %dma_wait3A_55] : memref<10112x128xf32, #tpu.memory_space<vmem_shared>> -> memref<10112x128xf32, #tpu.memory_space<vmem_shared>>
    %dma_wait3A_57 = tpu.memref_slice %arg13[%dma_wait3A_46] : memref<3x!tpu.dma_semaphore, #tpu.memory_space<semaphore_mem>> -> memref<1x!tpu.dma_semaphore, #tpu.memory_space<semaphore_mem>>
    %dma_wait3A_58 = tpu.memref_squeeze %dma_wait3A_57 : memref<1x!tpu.dma_semaphore, #tpu.memory_space<semaphore_mem>> -> memref<!tpu.dma_semaphore, #tpu.memory_space<semaphore_mem>>
    tpu.wait_indirect_dma semaphore(%dma_wait3A_58 : memref<!tpu.dma_semaphore, #tpu.memory_space<semaphore_mem>>) src(%dma_wait3A_50 : memref<40x128xf32, #tpu.memory_space<vmem>>) dst(%dma_wait3A_56 : memref<10112x128xf32, #tpu.memory_space<vmem_shared>>)
    %dma_wait3A_59 = arith.constant 1 : i32
    %dma_wait3A_60 = arith.constant 1 : i32
    %dma_wait3A_61 = arith.constant 1 : i32
    %dma_wait3A_62 = arith.constant 1 : i32
    %dma_wait3A_63 = arith.constant 0 : i32
    %dma_wait3A_64 = arith.constant 0 : i32
    %dma_wait3A_65 = tpu.memref_slice %arg8[%dma_wait3A_59, %dma_wait3A_63, %dma_wait3A_64] : memref<3x40x128xf32, #tpu.memory_space<vmem>> -> memref<1x40x128xf32, #tpu.memory_space<vmem>>
    %dma_wait3A_66 = tpu.memref_squeeze %dma_wait3A_65 : memref<1x40x128xf32, #tpu.memory_space<vmem>> -> memref<40x128xf32, #tpu.memory_space<vmem>>
    %dma_wait3A_67 = arith.constant 0 : i32
    %dma_wait3A_68 = tpu.memref_slice %arg7[%dma_wait3A_60, %dma_wait3A_61, %dma_wait3A_67] : memref<3x2x40xi32, #tpu.memory_space<vmem>> -> memref<1x1x40xi32, #tpu.memory_space<vmem>>
    %dma_wait3A_69 = tpu.memref_squeeze %dma_wait3A_68 : memref<1x1x40xi32, #tpu.memory_space<vmem>> -> memref<40xi32, #tpu.memory_space<vmem>>
    %dma_wait3A_70 = arith.constant 0 : i32
    %dma_wait3A_71 = arith.constant 0 : i32
    %dma_wait3A_72 = tpu.memref_slice %arg10[%dma_wait3A_70, %dma_wait3A_71] : memref<10112x128xf32, #tpu.memory_space<vmem_shared>> -> memref<10112x128xf32, #tpu.memory_space<vmem_shared>>
    %dma_wait3A_73 = tpu.memref_slice %arg13[%dma_wait3A_62] : memref<3x!tpu.dma_semaphore, #tpu.memory_space<semaphore_mem>> -> memref<1x!tpu.dma_semaphore, #tpu.memory_space<semaphore_mem>>
    %dma_wait3A_74 = tpu.memref_squeeze %dma_wait3A_73 : memref<1x!tpu.dma_semaphore, #tpu.memory_space<semaphore_mem>> -> memref<!tpu.dma_semaphore, #tpu.memory_space<semaphore_mem>>
    tpu.wait_indirect_dma semaphore(%dma_wait3A_74 : memref<!tpu.dma_semaphore, #tpu.memory_space<semaphore_mem>>) src(%dma_wait3A_66 : memref<40x128xf32, #tpu.memory_space<vmem>>) dst(%dma_wait3A_72 : memref<10112x128xf32, #tpu.memory_space<vmem_shared>>)
    %dma_wait3A_75 = arith.constant 2 : i32
    %dma_wait3A_76 = arith.constant 2 : i32
    %dma_wait3A_77 = arith.constant 1 : i32
    %dma_wait3A_78 = arith.constant 2 : i32
    %dma_wait3A_79 = arith.constant 0 : i32
    %dma_wait3A_80 = arith.constant 0 : i32
    %dma_wait3A_81 = tpu.memref_slice %arg8[%dma_wait3A_75, %dma_wait3A_79, %dma_wait3A_80] : memref<3x40x128xf32, #tpu.memory_space<vmem>> -> memref<1x40x128xf32, #tpu.memory_space<vmem>>
    %dma_wait3A_82 = tpu.memref_squeeze %dma_wait3A_81 : memref<1x40x128xf32, #tpu.memory_space<vmem>> -> memref<40x128xf32, #tpu.memory_space<vmem>>
    %dma_wait3A_83 = arith.constant 0 : i32
    %dma_wait3A_84 = tpu.memref_slice %arg7[%dma_wait3A_76, %dma_wait3A_77, %dma_wait3A_83] : memref<3x2x40xi32, #tpu.memory_space<vmem>> -> memref<1x1x40xi32, #tpu.memory_space<vmem>>
    %dma_wait3A_85 = tpu.memref_squeeze %dma_wait3A_84 : memref<1x1x40xi32, #tpu.memory_space<vmem>> -> memref<40xi32, #tpu.memory_space<vmem>>
    %dma_wait3A_86 = arith.constant 0 : i32
    %dma_wait3A_87 = arith.constant 0 : i32
    %dma_wait3A_88 = tpu.memref_slice %arg10[%dma_wait3A_86, %dma_wait3A_87] : memref<10112x128xf32, #tpu.memory_space<vmem_shared>> -> memref<10112x128xf32, #tpu.memory_space<vmem_shared>>
    %dma_wait3A_89 = tpu.memref_slice %arg13[%dma_wait3A_78] : memref<3x!tpu.dma_semaphore, #tpu.memory_space<semaphore_mem>> -> memref<1x!tpu.dma_semaphore, #tpu.memory_space<semaphore_mem>>
    %dma_wait3A_90 = tpu.memref_squeeze %dma_wait3A_89 : memref<1x!tpu.dma_semaphore, #tpu.memory_space<semaphore_mem>> -> memref<!tpu.dma_semaphore, #tpu.memory_space<semaphore_mem>>
    tpu.wait_indirect_dma semaphore(%dma_wait3A_90 : memref<!tpu.dma_semaphore, #tpu.memory_space<semaphore_mem>>) src(%dma_wait3A_82 : memref<40x128xf32, #tpu.memory_space<vmem>>) dst(%dma_wait3A_88 : memref<10112x128xf32, #tpu.memory_space<vmem_shared>>)
    %barrier3A_91 = arith.constant 0 : index
    tpu.barrier barrier_id(%barrier3A_91)
    %mul3A_92 = arith.constant 632 : i32
    %mul3A_93 = arith.muli %arg1, %mul3A_92 : i32
    %mul3A_94 = arith.constant 632 : i32
    %mul3A_95 = arith.muli %arg1, %mul3A_94 : i32
    "tpu.region"() ({
      %run_scoped3A_96 = tpu.sem_alloc : memref<!tpu.dma_semaphore, #tpu.memory_space<semaphore_mem>>
      %dma_start3A_97 = arith.constant 0 : i32
      %dma_start3A_98 = tpu.memref_slice %arg6[%arg0, %mul3A_95, %dma_start3A_97] : memref<2x10112x128xf32, #tpu.memory_space<hbm>> -> memref<1x632x128xf32, #tpu.memory_space<hbm>>
      %dma_start3A_99 = tpu.memref_squeeze %dma_start3A_98 : memref<1x632x128xf32, #tpu.memory_space<hbm>> -> memref<632x128xf32, #tpu.memory_space<hbm>>
      %dma_start3A_100 = arith.constant 0 : i32
      %dma_start3A_101 = tpu.memref_slice %arg10[%mul3A_93, %dma_start3A_100] : memref<10112x128xf32, #tpu.memory_space<vmem_shared>> -> memref<632x128xf32, #tpu.memory_space<vmem_shared>>
      tpu.enqueue_dma source(%dma_start3A_101 : memref<632x128xf32, #tpu.memory_space<vmem_shared>>) target(%dma_start3A_99 : memref<632x128xf32, #tpu.memory_space<hbm>>) target_semaphore(%run_scoped3A_96 : memref<!tpu.dma_semaphore, #tpu.memory_space<semaphore_mem>>)
      %dma_wait3A_102 = arith.constant 0 : i32
      %dma_wait3A_103 = tpu.memref_slice %arg6[%arg0, %mul3A_95, %dma_wait3A_102] : memref<2x10112x128xf32, #tpu.memory_space<hbm>> -> memref<1x632x128xf32, #tpu.memory_space<hbm>>
      %dma_wait3A_104 = tpu.memref_squeeze %dma_wait3A_103 : memref<1x632x128xf32, #tpu.memory_space<hbm>> -> memref<632x128xf32, #tpu.memory_space<hbm>>
      %dma_wait3A_105 = arith.constant 0 : i32
      %dma_wait3A_106 = tpu.memref_slice %arg10[%mul3A_93, %dma_wait3A_105] : memref<10112x128xf32, #tpu.memory_space<vmem_shared>> -> memref<632x128xf32, #tpu.memory_space<vmem_shared>>
      tpu.wait_dma2 semaphore(%run_scoped3A_96 : memref<!tpu.dma_semaphore, #tpu.memory_space<semaphore_mem>>) src(%dma_wait3A_106 : memref<632x128xf32, #tpu.memory_space<vmem_shared>>) dst(%dma_wait3A_104 : memref<632x128xf32, #tpu.memory_space<hbm>>)
      tpu.yield
    }) : () -> ()
    return
  }
}

#map = affine_map<(d0, d1) -> (0, 0)>
#map1 = affine_map<(d0, d1) -> (0, 0, 0, 0)>
#map2 = affine_map<(d0, d1) -> (0, 0, 0)>
module attributes {stable_mosaic.version = 14 : i64} {
  func.func @body(%arg0: i32, %arg1: i32, %arg2: memref<10112x128xf32, #tpu.memory_space<hbm>>, %arg3: memref<320000x128xf32, #tpu.memory_space<hbm>>, %arg4: memref<32x250x2x40xi32, #tpu.memory_space<hbm>>, %arg5: memref<632x128xf32, #tpu.memory_space<hbm>>, %arg6: memref<2x10112x128xf32, #tpu.memory_space<hbm>>, %arg7: memref<3x2x40xi32, #tpu.memory_space<vmem>>, %arg8: memref<3x40x128xf32, #tpu.memory_space<vmem>>, %arg9: memref<3x40x128xf32, #tpu.memory_space<vmem>>, %arg10: memref<10112x128xf32, #tpu.memory_space<vmem_shared>>, %arg11: memref<3x!tpu.dma_semaphore, #tpu.memory_space<semaphore_mem>>, %arg12: memref<3x!tpu.dma_semaphore, #tpu.memory_space<semaphore_mem>>, %arg13: memref<3x!tpu.dma_semaphore, #tpu.memory_space<semaphore_mem>>) attributes {dimension_semantics = [#tpu.dimension_semantics<core_parallel>, #tpu.dimension_semantics<subcore_parallel>], iteration_bounds = array<i64: 2, 16>, scalar_prefetch = 0 : i64, scratch_operands = 7 : i64, tpu.core_type = #tpu.core_type<sc_vector_subcore>, window_params = [{transform_indices = #map}, {transform_indices = #map}, {transform_indices = #map1}, {transform_indices = #map}, {transform_indices = #map2}]} {
    %mul3A = arith.constant 16 : i32
    %mul3A_0 = arith.muli %arg0, %mul3A : i32
    %add3A = arith.addi %mul3A_0, %arg1 : i32
    %mul3A_1 = arith.constant 632 : i32
    %mul3A_2 = arith.muli %arg1, %mul3A_1 : i32
    "tpu.region"() ({
      %run_scoped3A_96 = tpu.sem_alloc : memref<!tpu.dma_semaphore, #tpu.memory_space<semaphore_mem>>
      %dma_start3A_97 = arith.constant 0 : i32
      %dma_start3A_98 = tpu.memref_slice %arg10[%mul3A_2, %dma_start3A_97] : memref<10112x128xf32, #tpu.memory_space<vmem_shared>> -> memref<632x128xf32, #tpu.memory_space<vmem_shared>>
      tpu.enqueue_dma source(%arg5 : memref<632x128xf32, #tpu.memory_space<hbm>>) target(%dma_start3A_98 : memref<632x128xf32, #tpu.memory_space<vmem_shared>>) target_semaphore(%run_scoped3A_96 : memref<!tpu.dma_semaphore, #tpu.memory_space<semaphore_mem>>)
      %dma_wait3A_99 = arith.constant 0 : i32
      %dma_wait3A_100 = tpu.memref_slice %arg10[%mul3A_2, %dma_wait3A_99] : memref<10112x128xf32, #tpu.memory_space<vmem_shared>> -> memref<632x128xf32, #tpu.memory_space<vmem_shared>>
      tpu.wait_dma2 semaphore(%run_scoped3A_96 : memref<!tpu.dma_semaphore, #tpu.memory_space<semaphore_mem>>) src(%arg5 : memref<632x128xf32, #tpu.memory_space<hbm>>) dst(%dma_wait3A_100 : memref<632x128xf32, #tpu.memory_space<vmem_shared>>)
      tpu.yield
    }) : () -> ()
    %barrier3A = arith.constant 0 : index
    tpu.barrier barrier_id(%barrier3A)
    %run_scoped3A = arith.constant 0 : i32
    %run_scoped3A_3 = arith.constant 0 : i32
    "tpu.region"() ({
      %run_scoped3A_96 = tpu.sem_alloc : memref<!tpu.dma_semaphore, #tpu.memory_space<semaphore_mem>>
      %dma_start3A_97 = arith.constant 0 : i32
      %dma_start3A_98 = arith.constant 0 : i32
      %dma_start3A_99 = tpu.memref_slice %arg7[%run_scoped3A_3, %dma_start3A_97, %dma_start3A_98] : memref<3x2x40xi32, #tpu.memory_space<vmem>> -> memref<1x2x40xi32, #tpu.memory_space<vmem>>
      %dma_start3A_100 = tpu.memref_squeeze %dma_start3A_99 : memref<1x2x40xi32, #tpu.memory_space<vmem>> -> memref<2x40xi32, #tpu.memory_space<vmem>>
      %dma_start3A_101 = arith.constant 0 : i32
      %dma_start3A_102 = arith.constant 0 : i32
      %dma_start3A_103 = tpu.memref_slice %arg4[%add3A, %run_scoped3A, %dma_start3A_101, %dma_start3A_102] : memref<32x250x2x40xi32, #tpu.memory_space<hbm>> -> memref<1x1x2x40xi32, #tpu.memory_space<hbm>>
      %dma_start3A_104 = tpu.memref_squeeze %dma_start3A_103 : memref<1x1x2x40xi32, #tpu.memory_space<hbm>> -> memref<2x40xi32, #tpu.memory_space<hbm>>
      %dma_start3A_105 = arith.constant 0 : i32
      %dma_start3A_106 = arith.constant 0 : i32
      %dma_start3A_107 = tpu.memref_slice %arg7[%run_scoped3A_3, %dma_start3A_105, %dma_start3A_106] : memref<3x2x40xi32, #tpu.memory_space<vmem>> -> memref<1x2x40xi32, #tpu.memory_space<vmem>>
      %dma_start3A_108 = tpu.memref_squeeze %dma_start3A_107 : memref<1x2x40xi32, #tpu.memory_space<vmem>> -> memref<2x40xi32, #tpu.memory_space<vmem>>
      %dma_start3A_109 = arith.constant 0 : i32
      %dma_start3A_110 = arith.constant 0 : i32
      %dma_start3A_111 = tpu.memref_slice %arg4[%add3A, %run_scoped3A, %dma_start3A_109, %dma_start3A_110] : memref<32x250x2x40xi32, #tpu.memory_space<hbm>> -> memref<1x1x2x40xi32, #tpu.memory_space<hbm>>
      %dma_start3A_112 = tpu.memref_squeeze %dma_start3A_111 : memref<1x1x2x40xi32, #tpu.memory_space<hbm>> -> memref<2x40xi32, #tpu.memory_space<hbm>>
      tpu.enqueue_dma source(%dma_start3A_112 : memref<2x40xi32, #tpu.memory_space<hbm>>) target(%dma_start3A_108 : memref<2x40xi32, #tpu.memory_space<vmem>>) target_semaphore(%run_scoped3A_96 : memref<!tpu.dma_semaphore, #tpu.memory_space<semaphore_mem>>)
      %dma_wait3A_113 = arith.constant 0 : i32
      %dma_wait3A_114 = arith.constant 0 : i32
      %dma_wait3A_115 = tpu.memref_slice %arg7[%run_scoped3A_3, %dma_wait3A_113, %dma_wait3A_114] : memref<3x2x40xi32, #tpu.memory_space<vmem>> -> memref<1x2x40xi32, #tpu.memory_space<vmem>>
      %dma_wait3A_116 = tpu.memref_squeeze %dma_wait3A_115 : memref<1x2x40xi32, #tpu.memory_space<vmem>> -> memref<2x40xi32, #tpu.memory_space<vmem>>
      %dma_wait3A_117 = arith.constant 0 : i32
      %dma_wait3A_118 = arith.constant 0 : i32
      %dma_wait3A_119 = tpu.memref_slice %arg4[%add3A, %run_scoped3A, %dma_wait3A_117, %dma_wait3A_118] : memref<32x250x2x40xi32, #tpu.memory_space<hbm>> -> memref<1x1x2x40xi32, #tpu.memory_space<hbm>>
      %dma_wait3A_120 = tpu.memref_squeeze %dma_wait3A_119 : memref<1x1x2x40xi32, #tpu.memory_space<hbm>> -> memref<2x40xi32, #tpu.memory_space<hbm>>
      %dma_wait3A_121 = arith.constant 0 : i32
      %dma_wait3A_122 = arith.constant 0 : i32
      %dma_wait3A_123 = tpu.memref_slice %arg7[%run_scoped3A_3, %dma_wait3A_121, %dma_wait3A_122] : memref<3x2x40xi32, #tpu.memory_space<vmem>> -> memref<1x2x40xi32, #tpu.memory_space<vmem>>
      %dma_wait3A_124 = tpu.memref_squeeze %dma_wait3A_123 : memref<1x2x40xi32, #tpu.memory_space<vmem>> -> memref<2x40xi32, #tpu.memory_space<vmem>>
      %dma_wait3A_125 = arith.constant 0 : i32
      %dma_wait3A_126 = arith.constant 0 : i32
      %dma_wait3A_127 = tpu.memref_slice %arg4[%add3A, %run_scoped3A, %dma_wait3A_125, %dma_wait3A_126] : memref<32x250x2x40xi32, #tpu.memory_space<hbm>> -> memref<1x1x2x40xi32, #tpu.memory_space<hbm>>
      %dma_wait3A_128 = tpu.memref_squeeze %dma_wait3A_127 : memref<1x1x2x40xi32, #tpu.memory_space<hbm>> -> memref<2x40xi32, #tpu.memory_space<hbm>>
      tpu.wait_dma2 semaphore(%run_scoped3A_96 : memref<!tpu.dma_semaphore, #tpu.memory_space<semaphore_mem>>) src(%dma_wait3A_128 : memref<2x40xi32, #tpu.memory_space<hbm>>) dst(%dma_wait3A_124 : memref<2x40xi32, #tpu.memory_space<vmem>>)
      tpu.yield
    }) : () -> ()
    %dma_start3A = arith.constant 0 : i32
    %dma_start3A_4 = arith.constant 0 : i32
    %dma_start3A_5 = arith.constant 0 : i32
    %dma_start3A_6 = arith.constant 0 : i32
    %dma_start3A_7 = arith.constant 0 : i32
    %dma_start3A_8 = arith.constant 0 : i32
    %dma_start3A_9 = tpu.memref_slice %arg8[%dma_start3A_5, %dma_start3A_7, %dma_start3A_8] : memref<3x40x128xf32, #tpu.memory_space<vmem>> -> memref<1x40x128xf32, #tpu.memory_space<vmem>>
    %dma_start3A_10 = tpu.memref_squeeze %dma_start3A_9 : memref<1x40x128xf32, #tpu.memory_space<vmem>> -> memref<40x128xf32, #tpu.memory_space<vmem>>
    %dma_start3A_11 = arith.constant 0 : i32
    %dma_start3A_12 = tpu.memref_slice %arg7[%dma_start3A, %dma_start3A_4, %dma_start3A_11] : memref<3x2x40xi32, #tpu.memory_space<vmem>> -> memref<1x1x40xi32, #tpu.memory_space<vmem>>
    %dma_start3A_13 = tpu.memref_squeeze %dma_start3A_12 : memref<1x1x40xi32, #tpu.memory_space<vmem>> -> memref<40xi32, #tpu.memory_space<vmem>>
    %dma_start3A_14 = arith.constant 0 : i32
    %dma_start3A_15 = arith.constant 0 : i32
    %dma_start3A_16 = tpu.memref_slice %arg2[%dma_start3A_14, %dma_start3A_15] : memref<10112x128xf32, #tpu.memory_space<hbm>> -> memref<10112x128xf32, #tpu.memory_space<hbm>>
    %dma_start3A_17 = tpu.memref_slice %arg11[%dma_start3A_6] : memref<3x!tpu.dma_semaphore, #tpu.memory_space<semaphore_mem>> -> memref<1x!tpu.dma_semaphore, #tpu.memory_space<semaphore_mem>>
    %dma_start3A_18 = tpu.memref_squeeze %dma_start3A_17 : memref<1x!tpu.dma_semaphore, #tpu.memory_space<semaphore_mem>> -> memref<!tpu.dma_semaphore, #tpu.memory_space<semaphore_mem>>
    tpu.enqueue_indirect_dma source(%dma_start3A_16 : memref<10112x128xf32, #tpu.memory_space<hbm>>) target(%dma_start3A_10 : memref<40x128xf32, #tpu.memory_space<vmem>>) offsets(%dma_start3A_13 : memref<40xi32, #tpu.memory_space<vmem>>) semaphore(%dma_start3A_18 : memref<!tpu.dma_semaphore, #tpu.memory_space<semaphore_mem>>)
    %mul3A_19 = arith.constant 10000 : i32
    %mul3A_20 = arith.muli %add3A, %mul3A_19 : i32
    %add3A_21 = arith.constant 0 : i32
    %add3A_22 = arith.addi %mul3A_20, %add3A_21 : i32
    %dma_start3A_23 = arith.constant 0 : i32
    %dma_start3A_24 = arith.constant 0 : i32
    %dma_start3A_25 = arith.constant 0 : i32
    %dma_start3A_26 = arith.constant 0 : i32
    %dma_start3A_27 = tpu.memref_slice %arg9[%dma_start3A_23, %dma_start3A_25, %dma_start3A_26] : memref<3x40x128xf32, #tpu.memory_space<vmem>> -> memref<1x40x128xf32, #tpu.memory_space<vmem>>
    %dma_start3A_28 = tpu.memref_squeeze %dma_start3A_27 : memref<1x40x128xf32, #tpu.memory_space<vmem>> -> memref<40x128xf32, #tpu.memory_space<vmem>>
    %dma_start3A_29 = arith.constant 0 : i32
    %dma_start3A_30 = tpu.memref_slice %arg3[%add3A_22, %dma_start3A_29] : memref<320000x128xf32, #tpu.memory_space<hbm>> -> memref<40x128xf32, #tpu.memory_space<hbm>>
    %dma_start3A_31 = tpu.memref_slice %arg12[%dma_start3A_24] : memref<3x!tpu.dma_semaphore, #tpu.memory_space<semaphore_mem>> -> memref<1x!tpu.dma_semaphore, #tpu.memory_space<semaphore_mem>>
    %dma_start3A_32 = tpu.memref_squeeze %dma_start3A_31 : memref<1x!tpu.dma_semaphore, #tpu.memory_space<semaphore_mem>> -> memref<!tpu.dma_semaphore, #tpu.memory_space<semaphore_mem>>
    %dma_start3A_33 = arith.constant 0 : i32
    %dma_start3A_34 = arith.constant 0 : i32
    %dma_start3A_35 = tpu.memref_slice %arg9[%dma_start3A_23, %dma_start3A_33, %dma_start3A_34] : memref<3x40x128xf32, #tpu.memory_space<vmem>> -> memref<1x40x128xf32, #tpu.memory_space<vmem>>
    %dma_start3A_36 = tpu.memref_squeeze %dma_start3A_35 : memref<1x40x128xf32, #tpu.memory_space<vmem>> -> memref<40x128xf32, #tpu.memory_space<vmem>>
    %dma_start3A_37 = arith.constant 0 : i32
    %dma_start3A_38 = tpu.memref_slice %arg3[%add3A_22, %dma_start3A_37] : memref<320000x128xf32, #tpu.memory_space<hbm>> -> memref<40x128xf32, #tpu.memory_space<hbm>>
    tpu.enqueue_dma source(%dma_start3A_38 : memref<40x128xf32, #tpu.memory_space<hbm>>) target(%dma_start3A_36 : memref<40x128xf32, #tpu.memory_space<vmem>>) target_semaphore(%dma_start3A_32 : memref<!tpu.dma_semaphore, #tpu.memory_space<semaphore_mem>>)
    %scan3A = arith.constant 0 : i32
    %scan3A_39 = arith.constant 0 : i32
    %scan3A_40 = arith.constant 250 : i32
    %scan3A_41 = arith.addi %scan3A_39, %scan3A_40 : i32
    %scan3A_42 = arith.constant 1 : i32
    scf.for %scan3A_96 = %scan3A_39 to %scan3A_41 step %scan3A_42  : i32 {
      %rem3A = arith.constant 3 : i32
      %rem3A_97 = arith.remsi %scan3A_96, %rem3A : i32
      %add3A_98 = arith.constant 1 : i32
      %add3A_99 = arith.addi %scan3A_96, %add3A_98 : i32
      %rem3A_100 = arith.constant 3 : i32
      %rem3A_101 = arith.remsi %add3A_99, %rem3A_100 : i32
      %add3A_102 = arith.constant 1 : i32
      %add3A_103 = arith.addi %scan3A_96, %add3A_102 : i32
      %lt3A = arith.constant 250 : i32
      %lt3A_104 = arith.cmpi slt, %add3A_103, %lt3A : i32
      %convert_element_type3A = arith.extui %lt3A_104 : i1 to i32
      %cond3A = arith.constant 0 : i32
      %cond3A_105 = arith.cmpi ne, %convert_element_type3A, %cond3A : i32
      scf.if %cond3A_105 {
        %add3A_157 = arith.constant 1 : i32
        %add3A_158 = arith.addi %scan3A_96, %add3A_157 : i32
        %ge3A = arith.constant 3 : i32
        %ge3A_159 = arith.cmpi sge, %add3A_158, %ge3A : i32
        %convert_element_type3A_160 = arith.extui %ge3A_159 : i1 to i32
        %cond3A_161 = arith.constant 0 : i32
        %cond3A_162 = arith.cmpi ne, %convert_element_type3A_160, %cond3A_161 : i32
        scf.if %cond3A_162 {
          %dma_wait3A_197 = arith.constant 1 : i32
          %dma_wait3A_198 = arith.constant 0 : i32
          %dma_wait3A_199 = arith.constant 0 : i32
          %dma_wait3A_200 = tpu.memref_slice %arg8[%rem3A_101, %dma_wait3A_198, %dma_wait3A_199] : memref<3x40x128xf32, #tpu.memory_space<vmem>> -> memref<1x40x128xf32, #tpu.memory_space<vmem>>
          %dma_wait3A_201 = tpu.memref_squeeze %dma_wait3A_200 : memref<1x40x128xf32, #tpu.memory_space<vmem>> -> memref<40x128xf32, #tpu.memory_space<vmem>>
          %dma_wait3A_202 = arith.constant 0 : i32
          %dma_wait3A_203 = tpu.memref_slice %arg7[%rem3A_101, %dma_wait3A_197, %dma_wait3A_202] : memref<3x2x40xi32, #tpu.memory_space<vmem>> -> memref<1x1x40xi32, #tpu.memory_space<vmem>>
          %dma_wait3A_204 = tpu.memref_squeeze %dma_wait3A_203 : memref<1x1x40xi32, #tpu.memory_space<vmem>> -> memref<40xi32, #tpu.memory_space<vmem>>
          %dma_wait3A_205 = arith.constant 0 : i32
          %dma_wait3A_206 = arith.constant 0 : i32
          %dma_wait3A_207 = tpu.memref_slice %arg10[%dma_wait3A_205, %dma_wait3A_206] : memref<10112x128xf32, #tpu.memory_space<vmem_shared>> -> memref<10112x128xf32, #tpu.memory_space<vmem_shared>>
          %dma_wait3A_208 = tpu.memref_slice %arg13[%rem3A_101] : memref<3x!tpu.dma_semaphore, #tpu.memory_space<semaphore_mem>> -> memref<1x!tpu.dma_semaphore, #tpu.memory_space<semaphore_mem>>
          %dma_wait3A_209 = tpu.memref_squeeze %dma_wait3A_208 : memref<1x!tpu.dma_semaphore, #tpu.memory_space<semaphore_mem>> -> memref<!tpu.dma_semaphore, #tpu.memory_space<semaphore_mem>>
          tpu.wait_indirect_dma semaphore(%dma_wait3A_209 : memref<!tpu.dma_semaphore, #tpu.memory_space<semaphore_mem>>) src(%dma_wait3A_201 : memref<40x128xf32, #tpu.memory_space<vmem>>) dst(%dma_wait3A_207 : memref<10112x128xf32, #tpu.memory_space<vmem_shared>>)
        } else {
        }
        %add3A_163 = arith.constant 1 : i32
        %add3A_164 = arith.addi %scan3A_96, %add3A_163 : i32
        "tpu.region"() ({
          %run_scoped3A_197 = tpu.sem_alloc : memref<!tpu.dma_semaphore, #tpu.memory_space<semaphore_mem>>
          %dma_start3A_198 = arith.constant 0 : i32
          %dma_start3A_199 = arith.constant 0 : i32
          %dma_start3A_200 = tpu.memref_slice %arg7[%rem3A_101, %dma_start3A_198, %dma_start3A_199] : memref<3x2x40xi32, #tpu.memory_space<vmem>> -> memref<1x2x40xi32, #tpu.memory_space<vmem>>
          %dma_start3A_201 = tpu.memref_squeeze %dma_start3A_200 : memref<1x2x40xi32, #tpu.memory_space<vmem>> -> memref<2x40xi32, #tpu.memory_space<vmem>>
          %dma_start3A_202 = arith.constant 0 : i32
          %dma_start3A_203 = arith.constant 0 : i32
          %dma_start3A_204 = tpu.memref_slice %arg4[%add3A, %add3A_164, %dma_start3A_202, %dma_start3A_203] : memref<32x250x2x40xi32, #tpu.memory_space<hbm>> -> memref<1x1x2x40xi32, #tpu.memory_space<hbm>>
          %dma_start3A_205 = tpu.memref_squeeze %dma_start3A_204 : memref<1x1x2x40xi32, #tpu.memory_space<hbm>> -> memref<2x40xi32, #tpu.memory_space<hbm>>
          %dma_start3A_206 = arith.constant 0 : i32
          %dma_start3A_207 = arith.constant 0 : i32
          %dma_start3A_208 = tpu.memref_slice %arg7[%rem3A_101, %dma_start3A_206, %dma_start3A_207] : memref<3x2x40xi32, #tpu.memory_space<vmem>> -> memref<1x2x40xi32, #tpu.memory_space<vmem>>
          %dma_start3A_209 = tpu.memref_squeeze %dma_start3A_208 : memref<1x2x40xi32, #tpu.memory_space<vmem>> -> memref<2x40xi32, #tpu.memory_space<vmem>>
          %dma_start3A_210 = arith.constant 0 : i32
          %dma_start3A_211 = arith.constant 0 : i32
          %dma_start3A_212 = tpu.memref_slice %arg4[%add3A, %add3A_164, %dma_start3A_210, %dma_start3A_211] : memref<32x250x2x40xi32, #tpu.memory_space<hbm>> -> memref<1x1x2x40xi32, #tpu.memory_space<hbm>>
          %dma_start3A_213 = tpu.memref_squeeze %dma_start3A_212 : memref<1x1x2x40xi32, #tpu.memory_space<hbm>> -> memref<2x40xi32, #tpu.memory_space<hbm>>
          tpu.enqueue_dma source(%dma_start3A_213 : memref<2x40xi32, #tpu.memory_space<hbm>>) target(%dma_start3A_209 : memref<2x40xi32, #tpu.memory_space<vmem>>) target_semaphore(%run_scoped3A_197 : memref<!tpu.dma_semaphore, #tpu.memory_space<semaphore_mem>>)
          %dma_wait3A_214 = arith.constant 0 : i32
          %dma_wait3A_215 = arith.constant 0 : i32
          %dma_wait3A_216 = tpu.memref_slice %arg7[%rem3A_101, %dma_wait3A_214, %dma_wait3A_215] : memref<3x2x40xi32, #tpu.memory_space<vmem>> -> memref<1x2x40xi32, #tpu.memory_space<vmem>>
          %dma_wait3A_217 = tpu.memref_squeeze %dma_wait3A_216 : memref<1x2x40xi32, #tpu.memory_space<vmem>> -> memref<2x40xi32, #tpu.memory_space<vmem>>
          %dma_wait3A_218 = arith.constant 0 : i32
          %dma_wait3A_219 = arith.constant 0 : i32
          %dma_wait3A_220 = tpu.memref_slice %arg4[%add3A, %add3A_164, %dma_wait3A_218, %dma_wait3A_219] : memref<32x250x2x40xi32, #tpu.memory_space<hbm>> -> memref<1x1x2x40xi32, #tpu.memory_space<hbm>>
          %dma_wait3A_221 = tpu.memref_squeeze %dma_wait3A_220 : memref<1x1x2x40xi32, #tpu.memory_space<hbm>> -> memref<2x40xi32, #tpu.memory_space<hbm>>
          %dma_wait3A_222 = arith.constant 0 : i32
          %dma_wait3A_223 = arith.constant 0 : i32
          %dma_wait3A_224 = tpu.memref_slice %arg7[%rem3A_101, %dma_wait3A_222, %dma_wait3A_223] : memref<3x2x40xi32, #tpu.memory_space<vmem>> -> memref<1x2x40xi32, #tpu.memory_space<vmem>>
          %dma_wait3A_225 = tpu.memref_squeeze %dma_wait3A_224 : memref<1x2x40xi32, #tpu.memory_space<vmem>> -> memref<2x40xi32, #tpu.memory_space<vmem>>
          %dma_wait3A_226 = arith.constant 0 : i32
          %dma_wait3A_227 = arith.constant 0 : i32
          %dma_wait3A_228 = tpu.memref_slice %arg4[%add3A, %add3A_164, %dma_wait3A_226, %dma_wait3A_227] : memref<32x250x2x40xi32, #tpu.memory_space<hbm>> -> memref<1x1x2x40xi32, #tpu.memory_space<hbm>>
          %dma_wait3A_229 = tpu.memref_squeeze %dma_wait3A_228 : memref<1x1x2x40xi32, #tpu.memory_space<hbm>> -> memref<2x40xi32, #tpu.memory_space<hbm>>
          tpu.wait_dma2 semaphore(%run_scoped3A_197 : memref<!tpu.dma_semaphore, #tpu.memory_space<semaphore_mem>>) src(%dma_wait3A_229 : memref<2x40xi32, #tpu.memory_space<hbm>>) dst(%dma_wait3A_225 : memref<2x40xi32, #tpu.memory_space<vmem>>)
          tpu.yield
        }) : () -> ()
        %dma_start3A_165 = arith.constant 0 : i32
        %dma_start3A_166 = arith.constant 0 : i32
        %dma_start3A_167 = arith.constant 0 : i32
        %dma_start3A_168 = tpu.memref_slice %arg8[%rem3A_101, %dma_start3A_166, %dma_start3A_167] : memref<3x40x128xf32, #tpu.memory_space<vmem>> -> memref<1x40x128xf32, #tpu.memory_space<vmem>>
        %dma_start3A_169 = tpu.memref_squeeze %dma_start3A_168 : memref<1x40x128xf32, #tpu.memory_space<vmem>> -> memref<40x128xf32, #tpu.memory_space<vmem>>
        %dma_start3A_170 = arith.constant 0 : i32
        %dma_start3A_171 = tpu.memref_slice %arg7[%rem3A_101, %dma_start3A_165, %dma_start3A_170] : memref<3x2x40xi32, #tpu.memory_space<vmem>> -> memref<1x1x40xi32, #tpu.memory_space<vmem>>
        %dma_start3A_172 = tpu.memref_squeeze %dma_start3A_171 : memref<1x1x40xi32, #tpu.memory_space<vmem>> -> memref<40xi32, #tpu.memory_space<vmem>>
        %dma_start3A_173 = arith.constant 0 : i32
        %dma_start3A_174 = arith.constant 0 : i32
        %dma_start3A_175 = tpu.memref_slice %arg2[%dma_start3A_173, %dma_start3A_174] : memref<10112x128xf32, #tpu.memory_space<hbm>> -> memref<10112x128xf32, #tpu.memory_space<hbm>>
        %dma_start3A_176 = tpu.memref_slice %arg11[%rem3A_101] : memref<3x!tpu.dma_semaphore, #tpu.memory_space<semaphore_mem>> -> memref<1x!tpu.dma_semaphore, #tpu.memory_space<semaphore_mem>>
        %dma_start3A_177 = tpu.memref_squeeze %dma_start3A_176 : memref<1x!tpu.dma_semaphore, #tpu.memory_space<semaphore_mem>> -> memref<!tpu.dma_semaphore, #tpu.memory_space<semaphore_mem>>
        tpu.enqueue_indirect_dma source(%dma_start3A_175 : memref<10112x128xf32, #tpu.memory_space<hbm>>) target(%dma_start3A_169 : memref<40x128xf32, #tpu.memory_space<vmem>>) offsets(%dma_start3A_172 : memref<40xi32, #tpu.memory_space<vmem>>) semaphore(%dma_start3A_177 : memref<!tpu.dma_semaphore, #tpu.memory_space<semaphore_mem>>)
        %mul3A_178 = arith.constant 10000 : i32
        %mul3A_179 = arith.muli %add3A, %mul3A_178 : i32
        %mul3A_180 = arith.constant 40 : i32
        %mul3A_181 = arith.muli %add3A_164, %mul3A_180 : i32
        %add3A_182 = arith.addi %mul3A_179, %mul3A_181 : i32
        %dma_start3A_183 = arith.constant 0 : i32
        %dma_start3A_184 = arith.constant 0 : i32
        %dma_start3A_185 = tpu.memref_slice %arg9[%rem3A_101, %dma_start3A_183, %dma_start3A_184] : memref<3x40x128xf32, #tpu.memory_space<vmem>> -> memref<1x40x128xf32, #tpu.memory_space<vmem>>
        %dma_start3A_186 = tpu.memref_squeeze %dma_start3A_185 : memref<1x40x128xf32, #tpu.memory_space<vmem>> -> memref<40x128xf32, #tpu.memory_space<vmem>>
        %dma_start3A_187 = arith.constant 0 : i32
        %dma_start3A_188 = tpu.memref_slice %arg3[%add3A_182, %dma_start3A_187] : memref<320000x128xf32, #tpu.memory_space<hbm>> -> memref<40x128xf32, #tpu.memory_space<hbm>>
        %dma_start3A_189 = tpu.memref_slice %arg12[%rem3A_101] : memref<3x!tpu.dma_semaphore, #tpu.memory_space<semaphore_mem>> -> memref<1x!tpu.dma_semaphore, #tpu.memory_space<semaphore_mem>>
        %dma_start3A_190 = tpu.memref_squeeze %dma_start3A_189 : memref<1x!tpu.dma_semaphore, #tpu.memory_space<semaphore_mem>> -> memref<!tpu.dma_semaphore, #tpu.memory_space<semaphore_mem>>
        %dma_start3A_191 = arith.constant 0 : i32
        %dma_start3A_192 = arith.constant 0 : i32
        %dma_start3A_193 = tpu.memref_slice %arg9[%rem3A_101, %dma_start3A_191, %dma_start3A_192] : memref<3x40x128xf32, #tpu.memory_space<vmem>> -> memref<1x40x128xf32, #tpu.memory_space<vmem>>
        %dma_start3A_194 = tpu.memref_squeeze %dma_start3A_193 : memref<1x40x128xf32, #tpu.memory_space<vmem>> -> memref<40x128xf32, #tpu.memory_space<vmem>>
        %dma_start3A_195 = arith.constant 0 : i32
        %dma_start3A_196 = tpu.memref_slice %arg3[%add3A_182, %dma_start3A_195] : memref<320000x128xf32, #tpu.memory_space<hbm>> -> memref<40x128xf32, #tpu.memory_space<hbm>>
        tpu.enqueue_dma source(%dma_start3A_196 : memref<40x128xf32, #tpu.memory_space<hbm>>) target(%dma_start3A_194 : memref<40x128xf32, #tpu.memory_space<vmem>>) target_semaphore(%dma_start3A_190 : memref<!tpu.dma_semaphore, #tpu.memory_space<semaphore_mem>>)
      } else {
      }
      %dma_wait3A_106 = arith.constant 0 : i32
      %dma_wait3A_107 = arith.constant 0 : i32
      %dma_wait3A_108 = arith.constant 0 : i32
      %dma_wait3A_109 = tpu.memref_slice %arg8[%rem3A_97, %dma_wait3A_107, %dma_wait3A_108] : memref<3x40x128xf32, #tpu.memory_space<vmem>> -> memref<1x40x128xf32, #tpu.memory_space<vmem>>
      %dma_wait3A_110 = tpu.memref_squeeze %dma_wait3A_109 : memref<1x40x128xf32, #tpu.memory_space<vmem>> -> memref<40x128xf32, #tpu.memory_space<vmem>>
      %dma_wait3A_111 = arith.constant 0 : i32
      %dma_wait3A_112 = tpu.memref_slice %arg7[%rem3A_97, %dma_wait3A_106, %dma_wait3A_111] : memref<3x2x40xi32, #tpu.memory_space<vmem>> -> memref<1x1x40xi32, #tpu.memory_space<vmem>>
      %dma_wait3A_113 = tpu.memref_squeeze %dma_wait3A_112 : memref<1x1x40xi32, #tpu.memory_space<vmem>> -> memref<40xi32, #tpu.memory_space<vmem>>
      %dma_wait3A_114 = arith.constant 0 : i32
      %dma_wait3A_115 = arith.constant 0 : i32
      %dma_wait3A_116 = tpu.memref_slice %arg2[%dma_wait3A_114, %dma_wait3A_115] : memref<10112x128xf32, #tpu.memory_space<hbm>> -> memref<10112x128xf32, #tpu.memory_space<hbm>>
      %dma_wait3A_117 = tpu.memref_slice %arg11[%rem3A_97] : memref<3x!tpu.dma_semaphore, #tpu.memory_space<semaphore_mem>> -> memref<1x!tpu.dma_semaphore, #tpu.memory_space<semaphore_mem>>
      %dma_wait3A_118 = tpu.memref_squeeze %dma_wait3A_117 : memref<1x!tpu.dma_semaphore, #tpu.memory_space<semaphore_mem>> -> memref<!tpu.dma_semaphore, #tpu.memory_space<semaphore_mem>>
      tpu.wait_indirect_dma semaphore(%dma_wait3A_118 : memref<!tpu.dma_semaphore, #tpu.memory_space<semaphore_mem>>) src(%dma_wait3A_116 : memref<10112x128xf32, #tpu.memory_space<hbm>>) dst(%dma_wait3A_110 : memref<40x128xf32, #tpu.memory_space<vmem>>)
      %mul3A_119 = arith.constant 10000 : i32
      %mul3A_120 = arith.muli %add3A, %mul3A_119 : i32
      %mul3A_121 = arith.constant 40 : i32
      %mul3A_122 = arith.muli %scan3A_96, %mul3A_121 : i32
      %add3A_123 = arith.addi %mul3A_120, %mul3A_122 : i32
      %dma_wait3A_124 = arith.constant 0 : i32
      %dma_wait3A_125 = arith.constant 0 : i32
      %dma_wait3A_126 = tpu.memref_slice %arg9[%rem3A_97, %dma_wait3A_124, %dma_wait3A_125] : memref<3x40x128xf32, #tpu.memory_space<vmem>> -> memref<1x40x128xf32, #tpu.memory_space<vmem>>
      %dma_wait3A_127 = tpu.memref_squeeze %dma_wait3A_126 : memref<1x40x128xf32, #tpu.memory_space<vmem>> -> memref<40x128xf32, #tpu.memory_space<vmem>>
      %dma_wait3A_128 = arith.constant 0 : i32
      %dma_wait3A_129 = tpu.memref_slice %arg3[%add3A_123, %dma_wait3A_128] : memref<320000x128xf32, #tpu.memory_space<hbm>> -> memref<40x128xf32, #tpu.memory_space<hbm>>
      %dma_wait3A_130 = tpu.memref_slice %arg12[%rem3A_97] : memref<3x!tpu.dma_semaphore, #tpu.memory_space<semaphore_mem>> -> memref<1x!tpu.dma_semaphore, #tpu.memory_space<semaphore_mem>>
      %dma_wait3A_131 = tpu.memref_squeeze %dma_wait3A_130 : memref<1x!tpu.dma_semaphore, #tpu.memory_space<semaphore_mem>> -> memref<!tpu.dma_semaphore, #tpu.memory_space<semaphore_mem>>
      %dma_wait3A_132 = arith.constant 0 : i32
      %dma_wait3A_133 = arith.constant 0 : i32
      %dma_wait3A_134 = tpu.memref_slice %arg9[%rem3A_97, %dma_wait3A_132, %dma_wait3A_133] : memref<3x40x128xf32, #tpu.memory_space<vmem>> -> memref<1x40x128xf32, #tpu.memory_space<vmem>>
      %dma_wait3A_135 = tpu.memref_squeeze %dma_wait3A_134 : memref<1x40x128xf32, #tpu.memory_space<vmem>> -> memref<40x128xf32, #tpu.memory_space<vmem>>
      %dma_wait3A_136 = arith.constant 0 : i32
      %dma_wait3A_137 = tpu.memref_slice %arg3[%add3A_123, %dma_wait3A_136] : memref<320000x128xf32, #tpu.memory_space<hbm>> -> memref<40x128xf32, #tpu.memory_space<hbm>>
      tpu.wait_dma2 semaphore(%dma_wait3A_131 : memref<!tpu.dma_semaphore, #tpu.memory_space<semaphore_mem>>) src(%dma_wait3A_137 : memref<40x128xf32, #tpu.memory_space<hbm>>) dst(%dma_wait3A_135 : memref<40x128xf32, #tpu.memory_space<vmem>>)
      %scan3A_138 = arith.constant 0 : i32
      %scan3A_139 = arith.constant 0 : i32
      %scan3A_140 = arith.constant 40 : i32
      %scan3A_141 = arith.addi %scan3A_139, %scan3A_140 : i32
      %scan3A_142 = arith.constant 1 : i32
      scf.for %scan3A_157 = %scan3A_139 to %scan3A_141 step %scan3A_142  : i32 {
        %get3A = arith.index_cast %rem3A_97 : i32 to index
        %get3A_158 = arith.index_cast %scan3A_157 : i32 to index
        %get3A_159 = arith.constant 0 : index
        %get3A_160 = tpu.vector_load %arg8[%get3A, %get3A_158, %get3A_159] {strides = array<i32>} : memref<3x40x128xf32, #tpu.memory_space<vmem>>, vector<1x1x16xf32>,
        %get3A_161 = vector.shape_cast %get3A_160 : vector<1x1x16xf32> to vector<16xf32>
        %get3A_162 = arith.index_cast %rem3A_97 : i32 to index
        %get3A_163 = arith.index_cast %scan3A_157 : i32 to index
        %get3A_164 = arith.constant 0 : index
        %get3A_165 = tpu.vector_load %arg9[%get3A_162, %get3A_163, %get3A_164] {strides = array<i32>} : memref<3x40x128xf32, #tpu.memory_space<vmem>>, vector<1x1x16xf32>,
        %get3A_166 = vector.shape_cast %get3A_165 : vector<1x1x16xf32> to vector<16xf32>
        %mul3A_167 = arith.mulf %get3A_161, %get3A_166 : vector<16xf32>
        %swap3A = arith.index_cast %rem3A_97 : i32 to index
        %swap3A_168 = arith.index_cast %scan3A_157 : i32 to index
        %swap3A_169 = arith.constant 0 : index
        %swap3A_170 = tpu.vector_load %arg8[%swap3A, %swap3A_168, %swap3A_169] {strides = array<i32>} : memref<3x40x128xf32, #tpu.memory_space<vmem>>, vector<1x1x16xf32>,
        %swap3A_171 = vector.shape_cast %swap3A_170 : vector<1x1x16xf32> to vector<16xf32>
        %swap3A_172 = vector.shape_cast %mul3A_167 : vector<16xf32> to vector<1x1x16xf32>
        tpu.vector_store %arg8[%swap3A, %swap3A_168, %swap3A_169], %swap3A_172 {strides = array<i32>} : memref<3x40x128xf32, #tpu.memory_space<vmem>>, vector<1x1x16xf32>,
        %get3A_173 = arith.index_cast %rem3A_97 : i32 to index
        %get3A_174 = arith.index_cast %scan3A_157 : i32 to index
        %get3A_175 = arith.constant 16 : index
        %get3A_176 = tpu.vector_load %arg8[%get3A_173, %get3A_174, %get3A_175] {strides = array<i32>} : memref<3x40x128xf32, #tpu.memory_space<vmem>>, vector<1x1x16xf32>,
        %get3A_177 = vector.shape_cast %get3A_176 : vector<1x1x16xf32> to vector<16xf32>
        %get3A_178 = arith.index_cast %rem3A_97 : i32 to index
        %get3A_179 = arith.index_cast %scan3A_157 : i32 to index
        %get3A_180 = arith.constant 16 : index
        %get3A_181 = tpu.vector_load %arg9[%get3A_178, %get3A_179, %get3A_180] {strides = array<i32>} : memref<3x40x128xf32, #tpu.memory_space<vmem>>, vector<1x1x16xf32>,
        %get3A_182 = vector.shape_cast %get3A_181 : vector<1x1x16xf32> to vector<16xf32>
        %mul3A_183 = arith.mulf %get3A_177, %get3A_182 : vector<16xf32>
        %swap3A_184 = arith.index_cast %rem3A_97 : i32 to index
        %swap3A_185 = arith.index_cast %scan3A_157 : i32 to index
        %swap3A_186 = arith.constant 16 : index
        %swap3A_187 = tpu.vector_load %arg8[%swap3A_184, %swap3A_185, %swap3A_186] {strides = array<i32>} : memref<3x40x128xf32, #tpu.memory_space<vmem>>, vector<1x1x16xf32>,
        %swap3A_188 = vector.shape_cast %swap3A_187 : vector<1x1x16xf32> to vector<16xf32>
        %swap3A_189 = vector.shape_cast %mul3A_183 : vector<16xf32> to vector<1x1x16xf32>
        tpu.vector_store %arg8[%swap3A_184, %swap3A_185, %swap3A_186], %swap3A_189 {strides = array<i32>} : memref<3x40x128xf32, #tpu.memory_space<vmem>>, vector<1x1x16xf32>,
        %get3A_190 = arith.index_cast %rem3A_97 : i32 to index
        %get3A_191 = arith.index_cast %scan3A_157 : i32 to index
        %get3A_192 = arith.constant 32 : index
        %get3A_193 = tpu.vector_load %arg8[%get3A_190, %get3A_191, %get3A_192] {strides = array<i32>} : memref<3x40x128xf32, #tpu.memory_space<vmem>>, vector<1x1x16xf32>,
        %get3A_194 = vector.shape_cast %get3A_193 : vector<1x1x16xf32> to vector<16xf32>
        %get3A_195 = arith.index_cast %rem3A_97 : i32 to index
        %get3A_196 = arith.index_cast %scan3A_157 : i32 to index
        %get3A_197 = arith.constant 32 : index
        %get3A_198 = tpu.vector_load %arg9[%get3A_195, %get3A_196, %get3A_197] {strides = array<i32>} : memref<3x40x128xf32, #tpu.memory_space<vmem>>, vector<1x1x16xf32>,
        %get3A_199 = vector.shape_cast %get3A_198 : vector<1x1x16xf32> to vector<16xf32>
        %mul3A_200 = arith.mulf %get3A_194, %get3A_199 : vector<16xf32>
        %swap3A_201 = arith.index_cast %rem3A_97 : i32 to index
        %swap3A_202 = arith.index_cast %scan3A_157 : i32 to index
        %swap3A_203 = arith.constant 32 : index
        %swap3A_204 = tpu.vector_load %arg8[%swap3A_201, %swap3A_202, %swap3A_203] {strides = array<i32>} : memref<3x40x128xf32, #tpu.memory_space<vmem>>, vector<1x1x16xf32>,
        %swap3A_205 = vector.shape_cast %swap3A_204 : vector<1x1x16xf32> to vector<16xf32>
        %swap3A_206 = vector.shape_cast %mul3A_200 : vector<16xf32> to vector<1x1x16xf32>
        tpu.vector_store %arg8[%swap3A_201, %swap3A_202, %swap3A_203], %swap3A_206 {strides = array<i32>} : memref<3x40x128xf32, #tpu.memory_space<vmem>>, vector<1x1x16xf32>,
        %get3A_207 = arith.index_cast %rem3A_97 : i32 to index
        %get3A_208 = arith.index_cast %scan3A_157 : i32 to index
        %get3A_209 = arith.constant 48 : index
        %get3A_210 = tpu.vector_load %arg8[%get3A_207, %get3A_208, %get3A_209] {strides = array<i32>} : memref<3x40x128xf32, #tpu.memory_space<vmem>>, vector<1x1x16xf32>,
        %get3A_211 = vector.shape_cast %get3A_210 : vector<1x1x16xf32> to vector<16xf32>
        %get3A_212 = arith.index_cast %rem3A_97 : i32 to index
        %get3A_213 = arith.index_cast %scan3A_157 : i32 to index
        %get3A_214 = arith.constant 48 : index
        %get3A_215 = tpu.vector_load %arg9[%get3A_212, %get3A_213, %get3A_214] {strides = array<i32>} : memref<3x40x128xf32, #tpu.memory_space<vmem>>, vector<1x1x16xf32>,
        %get3A_216 = vector.shape_cast %get3A_215 : vector<1x1x16xf32> to vector<16xf32>
        %mul3A_217 = arith.mulf %get3A_211, %get3A_216 : vector<16xf32>
        %swap3A_218 = arith.index_cast %rem3A_97 : i32 to index
        %swap3A_219 = arith.index_cast %scan3A_157 : i32 to index
        %swap3A_220 = arith.constant 48 : index
        %swap3A_221 = tpu.vector_load %arg8[%swap3A_218, %swap3A_219, %swap3A_220] {strides = array<i32>} : memref<3x40x128xf32, #tpu.memory_space<vmem>>, vector<1x1x16xf32>,
        %swap3A_222 = vector.shape_cast %swap3A_221 : vector<1x1x16xf32> to vector<16xf32>
        %swap3A_223 = vector.shape_cast %mul3A_217 : vector<16xf32> to vector<1x1x16xf32>
        tpu.vector_store %arg8[%swap3A_218, %swap3A_219, %swap3A_220], %swap3A_223 {strides = array<i32>} : memref<3x40x128xf32, #tpu.memory_space<vmem>>, vector<1x1x16xf32>,
        %get3A_224 = arith.index_cast %rem3A_97 : i32 to index
        %get3A_225 = arith.index_cast %scan3A_157 : i32 to index
        %get3A_226 = arith.constant 64 : index
        %get3A_227 = tpu.vector_load %arg8[%get3A_224, %get3A_225, %get3A_226] {strides = array<i32>} : memref<3x40x128xf32, #tpu.memory_space<vmem>>, vector<1x1x16xf32>,
        %get3A_228 = vector.shape_cast %get3A_227 : vector<1x1x16xf32> to vector<16xf32>
        %get3A_229 = arith.index_cast %rem3A_97 : i32 to index
        %get3A_230 = arith.index_cast %scan3A_157 : i32 to index
        %get3A_231 = arith.constant 64 : index
        %get3A_232 = tpu.vector_load %arg9[%get3A_229, %get3A_230, %get3A_231] {strides = array<i32>} : memref<3x40x128xf32, #tpu.memory_space<vmem>>, vector<1x1x16xf32>,
        %get3A_233 = vector.shape_cast %get3A_232 : vector<1x1x16xf32> to vector<16xf32>
        %mul3A_234 = arith.mulf %get3A_228, %get3A_233 : vector<16xf32>
        %swap3A_235 = arith.index_cast %rem3A_97 : i32 to index
        %swap3A_236 = arith.index_cast %scan3A_157 : i32 to index
        %swap3A_237 = arith.constant 64 : index
        %swap3A_238 = tpu.vector_load %arg8[%swap3A_235, %swap3A_236, %swap3A_237] {strides = array<i32>} : memref<3x40x128xf32, #tpu.memory_space<vmem>>, vector<1x1x16xf32>,
        %swap3A_239 = vector.shape_cast %swap3A_238 : vector<1x1x16xf32> to vector<16xf32>
        %swap3A_240 = vector.shape_cast %mul3A_234 : vector<16xf32> to vector<1x1x16xf32>
        tpu.vector_store %arg8[%swap3A_235, %swap3A_236, %swap3A_237], %swap3A_240 {strides = array<i32>} : memref<3x40x128xf32, #tpu.memory_space<vmem>>, vector<1x1x16xf32>,
        %get3A_241 = arith.index_cast %rem3A_97 : i32 to index
        %get3A_242 = arith.index_cast %scan3A_157 : i32 to index
        %get3A_243 = arith.constant 80 : index
        %get3A_244 = tpu.vector_load %arg8[%get3A_241, %get3A_242, %get3A_243] {strides = array<i32>} : memref<3x40x128xf32, #tpu.memory_space<vmem>>, vector<1x1x16xf32>,
        %get3A_245 = vector.shape_cast %get3A_244 : vector<1x1x16xf32> to vector<16xf32>
        %get3A_246 = arith.index_cast %rem3A_97 : i32 to index
        %get3A_247 = arith.index_cast %scan3A_157 : i32 to index
        %get3A_248 = arith.constant 80 : index
        %get3A_249 = tpu.vector_load %arg9[%get3A_246, %get3A_247, %get3A_248] {strides = array<i32>} : memref<3x40x128xf32, #tpu.memory_space<vmem>>, vector<1x1x16xf32>,
        %get3A_250 = vector.shape_cast %get3A_249 : vector<1x1x16xf32> to vector<16xf32>
        %mul3A_251 = arith.mulf %get3A_245, %get3A_250 : vector<16xf32>
        %swap3A_252 = arith.index_cast %rem3A_97 : i32 to index
        %swap3A_253 = arith.index_cast %scan3A_157 : i32 to index
        %swap3A_254 = arith.constant 80 : index
        %swap3A_255 = tpu.vector_load %arg8[%swap3A_252, %swap3A_253, %swap3A_254] {strides = array<i32>} : memref<3x40x128xf32, #tpu.memory_space<vmem>>, vector<1x1x16xf32>,
        %swap3A_256 = vector.shape_cast %swap3A_255 : vector<1x1x16xf32> to vector<16xf32>
        %swap3A_257 = vector.shape_cast %mul3A_251 : vector<16xf32> to vector<1x1x16xf32>
        tpu.vector_store %arg8[%swap3A_252, %swap3A_253, %swap3A_254], %swap3A_257 {strides = array<i32>} : memref<3x40x128xf32, #tpu.memory_space<vmem>>, vector<1x1x16xf32>,
        %get3A_258 = arith.index_cast %rem3A_97 : i32 to index
        %get3A_259 = arith.index_cast %scan3A_157 : i32 to index
        %get3A_260 = arith.constant 96 : index
        %get3A_261 = tpu.vector_load %arg8[%get3A_258, %get3A_259, %get3A_260] {strides = array<i32>} : memref<3x40x128xf32, #tpu.memory_space<vmem>>, vector<1x1x16xf32>,
        %get3A_262 = vector.shape_cast %get3A_261 : vector<1x1x16xf32> to vector<16xf32>
        %get3A_263 = arith.index_cast %rem3A_97 : i32 to index
        %get3A_264 = arith.index_cast %scan3A_157 : i32 to index
        %get3A_265 = arith.constant 96 : index
        %get3A_266 = tpu.vector_load %arg9[%get3A_263, %get3A_264, %get3A_265] {strides = array<i32>} : memref<3x40x128xf32, #tpu.memory_space<vmem>>, vector<1x1x16xf32>,
        %get3A_267 = vector.shape_cast %get3A_266 : vector<1x1x16xf32> to vector<16xf32>
        %mul3A_268 = arith.mulf %get3A_262, %get3A_267 : vector<16xf32>
        %swap3A_269 = arith.index_cast %rem3A_97 : i32 to index
        %swap3A_270 = arith.index_cast %scan3A_157 : i32 to index
        %swap3A_271 = arith.constant 96 : index
        %swap3A_272 = tpu.vector_load %arg8[%swap3A_269, %swap3A_270, %swap3A_271] {strides = array<i32>} : memref<3x40x128xf32, #tpu.memory_space<vmem>>, vector<1x1x16xf32>,
        %swap3A_273 = vector.shape_cast %swap3A_272 : vector<1x1x16xf32> to vector<16xf32>
        %swap3A_274 = vector.shape_cast %mul3A_268 : vector<16xf32> to vector<1x1x16xf32>
        tpu.vector_store %arg8[%swap3A_269, %swap3A_270, %swap3A_271], %swap3A_274 {strides = array<i32>} : memref<3x40x128xf32, #tpu.memory_space<vmem>>, vector<1x1x16xf32>,
        %get3A_275 = arith.index_cast %rem3A_97 : i32 to index
        %get3A_276 = arith.index_cast %scan3A_157 : i32 to index
        %get3A_277 = arith.constant 112 : index
        %get3A_278 = tpu.vector_load %arg8[%get3A_275, %get3A_276, %get3A_277] {strides = array<i32>} : memref<3x40x128xf32, #tpu.memory_space<vmem>>, vector<1x1x16xf32>,
        %get3A_279 = vector.shape_cast %get3A_278 : vector<1x1x16xf32> to vector<16xf32>
        %get3A_280 = arith.index_cast %rem3A_97 : i32 to index
        %get3A_281 = arith.index_cast %scan3A_157 : i32 to index
        %get3A_282 = arith.constant 112 : index
        %get3A_283 = tpu.vector_load %arg9[%get3A_280, %get3A_281, %get3A_282] {strides = array<i32>} : memref<3x40x128xf32, #tpu.memory_space<vmem>>, vector<1x1x16xf32>,
        %get3A_284 = vector.shape_cast %get3A_283 : vector<1x1x16xf32> to vector<16xf32>
        %mul3A_285 = arith.mulf %get3A_279, %get3A_284 : vector<16xf32>
        %swap3A_286 = arith.index_cast %rem3A_97 : i32 to index
        %swap3A_287 = arith.index_cast %scan3A_157 : i32 to index
        %swap3A_288 = arith.constant 112 : index
        %swap3A_289 = tpu.vector_load %arg8[%swap3A_286, %swap3A_287, %swap3A_288] {strides = array<i32>} : memref<3x40x128xf32, #tpu.memory_space<vmem>>, vector<1x1x16xf32>,
        %swap3A_290 = vector.shape_cast %swap3A_289 : vector<1x1x16xf32> to vector<16xf32>
        %swap3A_291 = vector.shape_cast %mul3A_285 : vector<16xf32> to vector<1x1x16xf32>
        tpu.vector_store %arg8[%swap3A_286, %swap3A_287, %swap3A_288], %swap3A_291 {strides = array<i32>} : memref<3x40x128xf32, #tpu.memory_space<vmem>>, vector<1x1x16xf32>,
      }
      %scan3A_143 = arith.constant 40 : i32
      %dma_start3A_144 = arith.constant 1 : i32
      %dma_start3A_145 = arith.constant 0 : i32
      %dma_start3A_146 = arith.constant 0 : i32
      %dma_start3A_147 = tpu.memref_slice %arg8[%rem3A_97, %dma_start3A_145, %dma_start3A_146] : memref<3x40x128xf32, #tpu.memory_space<vmem>> -> memref<1x40x128xf32, #tpu.memory_space<vmem>>
      %dma_start3A_148 = tpu.memref_squeeze %dma_start3A_147 : memref<1x40x128xf32, #tpu.memory_space<vmem>> -> memref<40x128xf32, #tpu.memory_space<vmem>>
      %dma_start3A_149 = arith.constant 0 : i32
      %dma_start3A_150 = tpu.memref_slice %arg7[%rem3A_97, %dma_start3A_144, %dma_start3A_149] : memref<3x2x40xi32, #tpu.memory_space<vmem>> -> memref<1x1x40xi32, #tpu.memory_space<vmem>>
      %dma_start3A_151 = tpu.memref_squeeze %dma_start3A_150 : memref<1x1x40xi32, #tpu.memory_space<vmem>> -> memref<40xi32, #tpu.memory_space<vmem>>
      %dma_start3A_152 = arith.constant 0 : i32
      %dma_start3A_153 = arith.constant 0 : i32
      %dma_start3A_154 = tpu.memref_slice %arg10[%dma_start3A_152, %dma_start3A_153] : memref<10112x128xf32, #tpu.memory_space<vmem_shared>> -> memref<10112x128xf32, #tpu.memory_space<vmem_shared>>
      %dma_start3A_155 = tpu.memref_slice %arg13[%rem3A_97] : memref<3x!tpu.dma_semaphore, #tpu.memory_space<semaphore_mem>> -> memref<1x!tpu.dma_semaphore, #tpu.memory_space<semaphore_mem>>
      %dma_start3A_156 = tpu.memref_squeeze %dma_start3A_155 : memref<1x!tpu.dma_semaphore, #tpu.memory_space<semaphore_mem>> -> memref<!tpu.dma_semaphore, #tpu.memory_space<semaphore_mem>>
      tpu.enqueue_indirect_dma source(%dma_start3A_148 : memref<40x128xf32, #tpu.memory_space<vmem>>) target(%dma_start3A_154 : memref<10112x128xf32, #tpu.memory_space<vmem_shared>>) offsets(%dma_start3A_151 : memref<40xi32, #tpu.memory_space<vmem>>) semaphore(%dma_start3A_156 : memref<!tpu.dma_semaphore, #tpu.memory_space<semaphore_mem>>) {add = true}
    }
    %scan3A_43 = arith.constant 250 : i32
    %dma_wait3A = arith.constant 0 : i32
    %dma_wait3A_44 = arith.constant 0 : i32
    %dma_wait3A_45 = arith.constant 1 : i32
    %dma_wait3A_46 = arith.constant 0 : i32
    %dma_wait3A_47 = arith.constant 0 : i32
    %dma_wait3A_48 = arith.constant 0 : i32
    %dma_wait3A_49 = tpu.memref_slice %arg8[%dma_wait3A, %dma_wait3A_47, %dma_wait3A_48] : memref<3x40x128xf32, #tpu.memory_space<vmem>> -> memref<1x40x128xf32, #tpu.memory_space<vmem>>
    %dma_wait3A_50 = tpu.memref_squeeze %dma_wait3A_49 : memref<1x40x128xf32, #tpu.memory_space<vmem>> -> memref<40x128xf32, #tpu.memory_space<vmem>>
    %dma_wait3A_51 = arith.constant 0 : i32
    %dma_wait3A_52 = tpu.memref_slice %arg7[%dma_wait3A_44, %dma_wait3A_45, %dma_wait3A_51] : memref<3x2x40xi32, #tpu.memory_space<vmem>> -> memref<1x1x40xi32, #tpu.memory_space<vmem>>
    %dma_wait3A_53 = tpu.memref_squeeze %dma_wait3A_52 : memref<1x1x40xi32, #tpu.memory_space<vmem>> -> memref<40xi32, #tpu.memory_space<vmem>>
    %dma_wait3A_54 = arith.constant 0 : i32
    %dma_wait3A_55 = arith.constant 0 : i32
    %dma_wait3A_56 = tpu.memref_slice %arg10[%dma_wait3A_54, %dma_wait3A_55] : memref<10112x128xf32, #tpu.memory_space<vmem_shared>> -> memref<10112x128xf32, #tpu.memory_space<vmem_shared>>
    %dma_wait3A_57 = tpu.memref_slice %arg13[%dma_wait3A_46] : memref<3x!tpu.dma_semaphore, #tpu.memory_space<semaphore_mem>> -> memref<1x!tpu.dma_semaphore, #tpu.memory_space<semaphore_mem>>
    %dma_wait3A_58 = tpu.memref_squeeze %dma_wait3A_57 : memref<1x!tpu.dma_semaphore, #tpu.memory_space<semaphore_mem>> -> memref<!tpu.dma_semaphore, #tpu.memory_space<semaphore_mem>>
    tpu.wait_indirect_dma semaphore(%dma_wait3A_58 : memref<!tpu.dma_semaphore, #tpu.memory_space<semaphore_mem>>) src(%dma_wait3A_50 : memref<40x128xf32, #tpu.memory_space<vmem>>) dst(%dma_wait3A_56 : memref<10112x128xf32, #tpu.memory_space<vmem_shared>>)
    %dma_wait3A_59 = arith.constant 1 : i32
    %dma_wait3A_60 = arith.constant 1 : i32
    %dma_wait3A_61 = arith.constant 1 : i32
    %dma_wait3A_62 = arith.constant 1 : i32
    %dma_wait3A_63 = arith.constant 0 : i32
    %dma_wait3A_64 = arith.constant 0 : i32
    %dma_wait3A_65 = tpu.memref_slice %arg8[%dma_wait3A_59, %dma_wait3A_63, %dma_wait3A_64] : memref<3x40x128xf32, #tpu.memory_space<vmem>> -> memref<1x40x128xf32, #tpu.memory_space<vmem>>
    %dma_wait3A_66 = tpu.memref_squeeze %dma_wait3A_65 : memref<1x40x128xf32, #tpu.memory_space<vmem>> -> memref<40x128xf32, #tpu.memory_space<vmem>>
    %dma_wait3A_67 = arith.constant 0 : i32
    %dma_wait3A_68 = tpu.memref_slice %arg7[%dma_wait3A_60, %dma_wait3A_61, %dma_wait3A_67] : memref<3x2x40xi32, #tpu.memory_space<vmem>> -> memref<1x1x40xi32, #tpu.memory_space<vmem>>
    %dma_wait3A_69 = tpu.memref_squeeze %dma_wait3A_68 : memref<1x1x40xi32, #tpu.memory_space<vmem>> -> memref<40xi32, #tpu.memory_space<vmem>>
    %dma_wait3A_70 = arith.constant 0 : i32
    %dma_wait3A_71 = arith.constant 0 : i32
    %dma_wait3A_72 = tpu.memref_slice %arg10[%dma_wait3A_70, %dma_wait3A_71] : memref<10112x128xf32, #tpu.memory_space<vmem_shared>> -> memref<10112x128xf32, #tpu.memory_space<vmem_shared>>
    %dma_wait3A_73 = tpu.memref_slice %arg13[%dma_wait3A_62] : memref<3x!tpu.dma_semaphore, #tpu.memory_space<semaphore_mem>> -> memref<1x!tpu.dma_semaphore, #tpu.memory_space<semaphore_mem>>
    %dma_wait3A_74 = tpu.memref_squeeze %dma_wait3A_73 : memref<1x!tpu.dma_semaphore, #tpu.memory_space<semaphore_mem>> -> memref<!tpu.dma_semaphore, #tpu.memory_space<semaphore_mem>>
    tpu.wait_indirect_dma semaphore(%dma_wait3A_74 : memref<!tpu.dma_semaphore, #tpu.memory_space<semaphore_mem>>) src(%dma_wait3A_66 : memref<40x128xf32, #tpu.memory_space<vmem>>) dst(%dma_wait3A_72 : memref<10112x128xf32, #tpu.memory_space<vmem_shared>>)
    %dma_wait3A_75 = arith.constant 2 : i32
    %dma_wait3A_76 = arith.constant 2 : i32
    %dma_wait3A_77 = arith.constant 1 : i32
    %dma_wait3A_78 = arith.constant 2 : i32
    %dma_wait3A_79 = arith.constant 0 : i32
    %dma_wait3A_80 = arith.constant 0 : i32
    %dma_wait3A_81 = tpu.memref_slice %arg8[%dma_wait3A_75, %dma_wait3A_79, %dma_wait3A_80] : memref<3x40x128xf32, #tpu.memory_space<vmem>> -> memref<1x40x128xf32, #tpu.memory_space<vmem>>
    %dma_wait3A_82 = tpu.memref_squeeze %dma_wait3A_81 : memref<1x40x128xf32, #tpu.memory_space<vmem>> -> memref<40x128xf32, #tpu.memory_space<vmem>>
    %dma_wait3A_83 = arith.constant 0 : i32
    %dma_wait3A_84 = tpu.memref_slice %arg7[%dma_wait3A_76, %dma_wait3A_77, %dma_wait3A_83] : memref<3x2x40xi32, #tpu.memory_space<vmem>> -> memref<1x1x40xi32, #tpu.memory_space<vmem>>
    %dma_wait3A_85 = tpu.memref_squeeze %dma_wait3A_84 : memref<1x1x40xi32, #tpu.memory_space<vmem>> -> memref<40xi32, #tpu.memory_space<vmem>>
    %dma_wait3A_86 = arith.constant 0 : i32
    %dma_wait3A_87 = arith.constant 0 : i32
    %dma_wait3A_88 = tpu.memref_slice %arg10[%dma_wait3A_86, %dma_wait3A_87] : memref<10112x128xf32, #tpu.memory_space<vmem_shared>> -> memref<10112x128xf32, #tpu.memory_space<vmem_shared>>
    %dma_wait3A_89 = tpu.memref_slice %arg13[%dma_wait3A_78] : memref<3x!tpu.dma_semaphore, #tpu.memory_space<semaphore_mem>> -> memref<1x!tpu.dma_semaphore, #tpu.memory_space<semaphore_mem>>
    %dma_wait3A_90 = tpu.memref_squeeze %dma_wait3A_89 : memref<1x!tpu.dma_semaphore, #tpu.memory_space<semaphore_mem>> -> memref<!tpu.dma_semaphore, #tpu.memory_space<semaphore_mem>>
    tpu.wait_indirect_dma semaphore(%dma_wait3A_90 : memref<!tpu.dma_semaphore, #tpu.memory_space<semaphore_mem>>) src(%dma_wait3A_82 : memref<40x128xf32, #tpu.memory_space<vmem>>) dst(%dma_wait3A_88 : memref<10112x128xf32, #tpu.memory_space<vmem_shared>>)
    %barrier3A_91 = arith.constant 0 : index
    tpu.barrier barrier_id(%barrier3A_91)
    %mul3A_92 = arith.constant 632 : i32
    %mul3A_93 = arith.muli %arg1, %mul3A_92 : i32
    %mul3A_94 = arith.constant 632 : i32
    %mul3A_95 = arith.muli %arg1, %mul3A_94 : i32
    "tpu.region"() ({
      %run_scoped3A_96 = tpu.sem_alloc : memref<!tpu.dma_semaphore, #tpu.memory_space<semaphore_mem>>
      %dma_start3A_97 = arith.constant 0 : i32
      %dma_start3A_98 = tpu.memref_slice %arg6[%arg0, %mul3A_95, %dma_start3A_97] : memref<2x10112x128xf32, #tpu.memory_space<hbm>> -> memref<1x632x128xf32, #tpu.memory_space<hbm>>
      %dma_start3A_99 = tpu.memref_squeeze %dma_start3A_98 : memref<1x632x128xf32, #tpu.memory_space<hbm>> -> memref<632x128xf32, #tpu.memory_space<hbm>>
      %dma_start3A_100 = arith.constant 0 : i32
      %dma_start3A_101 = tpu.memref_slice %arg10[%mul3A_93, %dma_start3A_100] : memref<10112x128xf32, #tpu.memory_space<vmem_shared>> -> memref<632x128xf32, #tpu.memory_space<vmem_shared>>
      tpu.enqueue_dma source(%dma_start3A_101 : memref<632x128xf32, #tpu.memory_space<vmem_shared>>) target(%dma_start3A_99 : memref<632x128xf32, #tpu.memory_space<hbm>>) target_semaphore(%run_scoped3A_96 : memref<!tpu.dma_semaphore, #tpu.memory_space<semaphore_mem>>)
      %dma_wait3A_102 = arith.constant 0 : i32
      %dma_wait3A_103 = tpu.memref_slice %arg6[%arg0, %mul3A_95, %dma_wait3A_102] : memref<2x10112x128xf32, #tpu.memory_space<hbm>> -> memref<1x632x128xf32, #tpu.memory_space<hbm>>
      %dma_wait3A_104 = tpu.memref_squeeze %dma_wait3A_103 : memref<1x632x128xf32, #tpu.memory_space<hbm>> -> memref<632x128xf32, #tpu.memory_space<hbm>>
      %dma_wait3A_105 = arith.constant 0 : i32
      %dma_wait3A_106 = tpu.memref_slice %arg10[%mul3A_93, %dma_wait3A_105] : memref<10112x128xf32, #tpu.memory_space<vmem_shared>> -> memref<632x128xf32, #tpu.memory_space<vmem_shared>>
      tpu.wait_dma2 semaphore(%run_scoped3A_96 : memref<!tpu.dma_semaphore, #tpu.memory_space<semaphore_mem>>) src(%dma_wait3A_106 : memref<632x128xf32, #tpu.memory_space<vmem_shared>>) dst(%dma_wait3A_104 : memref<632x128xf32, #tpu.memory_space<hbm>>)
      tpu.yield
    }) : () -> ()
    return
  }
}

module attributes {stable_mosaic.version = 14 : i64} {
  func.func @_filters_body(%arg0: i32, %arg1: memref<3200x1xf32, #tpu.memory_space<vmem>>, %arg2: memref<128x128xf32, #tpu.memory_space<vmem>>, %arg3: memref<128x128xf32, #tpu.memory_space<vmem>>, %arg4: memref<3x128x128xf32, #tpu.memory_space<vmem>>, %arg5: memref<3x128x128xf32, #tpu.memory_space<vmem>>, %arg6: memref<3200x128xf32, #tpu.memory_space<vmem>>, %arg7: memref<3x3200x128xf32, #tpu.memory_space<vmem>>) attributes {dimension_semantics = [#tpu.dimension_semantics<arbitrary>], iteration_bounds = array<i64: 100>, scalar_prefetch = 0 : i64, scratch_operands = 0 : i64, tpu.core_type = #tpu.core_type<tc>, window_params = [{transform_indices = @transform_0, window_bounds = array<i64: 3200, 1>}, {pipeline_mode = #tpu.pipeline_mode<synchronous>, transform_indices = @transform_1, window_bounds = array<i64: 128, 128>}, {pipeline_mode = #tpu.pipeline_mode<synchronous>, transform_indices = @transform_2, window_bounds = array<i64: 128, 128>}, {pipeline_mode = #tpu.pipeline_mode<synchronous>, transform_indices = @transform_3, window_bounds = array<i64: 3, 128, 128>}, {pipeline_mode = #tpu.pipeline_mode<synchronous>, transform_indices = @transform_4, window_bounds = array<i64: 3, 128, 128>}, {transform_indices = @transform_5, window_bounds = array<i64: 3200, 128>}, {transform_indices = @transform_6, window_bounds = array<i64: 3, 3200, 128>}]} {
    %get3A = arith.constant 0 : index
    %get3A_0 = arith.constant 0 : index
    %get3A_1 = vector.load %arg1[%get3A, %get3A_0] : memref<3200x1xf32, #tpu.memory_space<vmem>>, vector<3200x1xf32>
    %div3A = arith.constant 1.000000e+00 : f32
    %div3A_2 = arith.constant 1.270000e+02 : f32
    %div3A_3 = arith.divf %div3A, %div3A_2 : f32
    %iota3A = tpu.iota {dimensions = array<i32: 1>} : vector<3200x128xi32>
    %convert_element_type3A = arith.sitofp %iota3A : vector<3200x128xi32> to vector<3200x128xf32>
    %mul3A = vector.broadcast %div3A_3 : f32 to vector<3200x128xf32>
    %mul3A_4 = arith.mulf %convert_element_type3A, %mul3A : vector<3200x128xf32>
    %mul3A_5 = arith.mulf %div3A_3, %div3A_3 : f32
    %div3A_6 = arith.constant 1.000000e+00 : f32
    %div3A_7 = arith.divf %div3A_6, %mul3A_5 : f32
    %sub3A = vector.broadcast %get3A_1 : vector<3200x1xf32> to vector<3200x128xf32>
    %sub3A_8 = arith.subf %sub3A, %mul3A_4 : vector<3200x128xf32>
    %neg3A = arith.constant 0.000000e+00 : f32
    %neg3A_9 = arith.subf %neg3A, %div3A_7 : f32
    %mul3A_10 = vector.broadcast %neg3A_9 : f32 to vector<3200x128xf32>
    %mul3A_11 = arith.mulf %mul3A_10, %sub3A_8 : vector<3200x128xf32>
    %mul3A_12 = arith.mulf %mul3A_11, %sub3A_8 : vector<3200x128xf32>
    %exp3A = math.exp %mul3A_12 : vector<3200x128xf32>
    %lt3A = arith.constant 1.000000e+00 : f32
    %lt3A_13 = vector.broadcast %lt3A : f32 to vector<3200x1xf32>
    %lt3A_14 = arith.cmpf olt, %get3A_1, %lt3A_13 : vector<3200x1xf32>
    %mul3A_15 = arith.constant 3.14159274 : f32
    %mul3A_16 = vector.broadcast %mul3A_15 : f32 to vector<3200x1xf32>
    %mul3A_17 = arith.mulf %mul3A_16, %get3A_1 : vector<3200x1xf32>
    %cos3A = math.cos %mul3A_17 : vector<3200x1xf32>
    %add3A = arith.constant 1.000000e+00 : f32
    %add3A_18 = vector.broadcast %add3A : f32 to vector<3200x1xf32>
    %add3A_19 = arith.addf %cos3A, %add3A_18 : vector<3200x1xf32>
    %mul3A_20 = arith.constant 5.000000e-01 : f32
    %mul3A_21 = vector.broadcast %mul3A_20 : f32 to vector<3200x1xf32>
    %mul3A_22 = arith.mulf %mul3A_21, %add3A_19 : vector<3200x1xf32>
    %jit3A = arith.constant 0.000000e+00 : f32
    %broadcast_in_dim3A = vector.broadcast %jit3A : f32 to vector<3200x1xf32>
    %select_n3A = arith.select %lt3A_14, %mul3A_22, %broadcast_in_dim3A : vector<3200x1xi1>, vector<3200x1xf32>
    %mul3A_23 = vector.broadcast %select_n3A : vector<3200x1xf32> to vector<3200x128xf32>
    %mul3A_24 = arith.mulf %exp3A, %mul3A_23 : vector<3200x128xf32>
    %get3A_25 = arith.constant 0 : index
    %get3A_26 = arith.constant 0 : index
    %get3A_27 = vector.load %arg2[%get3A_25, %get3A_26] : memref<128x128xf32, #tpu.memory_space<vmem>>, vector<128x128xf32>
    %dot_general3A = arith.constant dense<0.000000e+00> : vector<3200x128xf32>
    %dot_general3A_28 = tpu.matmul %mul3A_24, %get3A_27, %dot_general3A {dimension_numbers = #tpu.dot_dimension_numbers<[1], [0], [0], [1], [0, 0, 1, 1], [], []>, transpose_lhs_hint = false} : vector<3200x128xf32>, vector<128x128xf32>, vector<3200x128xf32> -> vector<3200x128xf32>
    %max3A = arith.constant 0.000000e+00 : f32
    %max3A_29 = vector.broadcast %max3A : f32 to vector<3200x128xf32>
    %max3A_30 = arith.maximumf %dot_general3A_28, %max3A_29 : vector<3200x128xf32>
    %get3A_31 = arith.constant 0 : index
    %get3A_32 = arith.constant 0 : index
    %get3A_33 = vector.load %arg3[%get3A_31, %get3A_32] : memref<128x128xf32, #tpu.memory_space<vmem>>, vector<128x128xf32>
    %dot_general3A_34 = arith.constant dense<0.000000e+00> : vector<3200x128xf32>
    %dot_general3A_35 = tpu.matmul %max3A_30, %get3A_33, %dot_general3A_34 {dimension_numbers = #tpu.dot_dimension_numbers<[1], [0], [0], [1], [0, 0, 1, 1], [], []>, transpose_lhs_hint = false} : vector<3200x128xf32>, vector<128x128xf32>, vector<3200x128xf32> -> vector<3200x128xf32>
    %swap3A = arith.constant 0 : index
    %swap3A_36 = arith.constant 0 : index
    %swap3A_37 = vector.load %arg6[%swap3A, %swap3A_36] : memref<3200x128xf32, #tpu.memory_space<vmem>>, vector<3200x128xf32>
    tpu.vector_store %arg6[%swap3A, %swap3A_36], %dot_general3A_35 {strides = array<i32>} : memref<3200x128xf32, #tpu.memory_space<vmem>>, vector<3200x128xf32>,
    %get3A_38 = arith.constant 0 : index
    %get3A_39 = arith.constant 0 : index
    %get3A_40 = arith.constant 0 : index
    %get3A_41 = vector.load %arg4[%get3A_38, %get3A_39, %get3A_40] : memref<3x128x128xf32, #tpu.memory_space<vmem>>, vector<1x128x128xf32>
    %get3A_42 = vector.shape_cast %get3A_41 : vector<1x128x128xf32> to vector<128x128xf32>
    %dot_general3A_43 = arith.constant dense<0.000000e+00> : vector<3200x128xf32>
    %dot_general3A_44 = tpu.matmul %mul3A_24, %get3A_42, %dot_general3A_43 {dimension_numbers = #tpu.dot_dimension_numbers<[1], [0], [0], [1], [0, 0, 1, 1], [], []>, transpose_lhs_hint = false} : vector<3200x128xf32>, vector<128x128xf32>, vector<3200x128xf32> -> vector<3200x128xf32>
    %max3A_45 = arith.constant 0.000000e+00 : f32
    %max3A_46 = vector.broadcast %max3A_45 : f32 to vector<3200x128xf32>
    %max3A_47 = arith.maximumf %dot_general3A_44, %max3A_46 : vector<3200x128xf32>
    %get3A_48 = arith.constant 0 : index
    %get3A_49 = arith.constant 0 : index
    %get3A_50 = arith.constant 0 : index
    %get3A_51 = vector.load %arg5[%get3A_48, %get3A_49, %get3A_50] : memref<3x128x128xf32, #tpu.memory_space<vmem>>, vector<1x128x128xf32>
    %get3A_52 = vector.shape_cast %get3A_51 : vector<1x128x128xf32> to vector<128x128xf32>
    %dot_general3A_53 = arith.constant dense<0.000000e+00> : vector<3200x128xf32>
    %dot_general3A_54 = tpu.matmul %max3A_47, %get3A_52, %dot_general3A_53 {dimension_numbers = #tpu.dot_dimension_numbers<[1], [0], [0], [1], [0, 0, 1, 1], [], []>, transpose_lhs_hint = false} : vector<3200x128xf32>, vector<128x128xf32>, vector<3200x128xf32> -> vector<3200x128xf32>
    %mul3A_55 = vector.broadcast %select_n3A : vector<3200x1xf32> to vector<3200x128xf32>
    %mul3A_56 = arith.mulf %dot_general3A_54, %mul3A_55 : vector<3200x128xf32>
    %swap3A_57 = arith.constant 0 : index
    %swap3A_58 = arith.constant 0 : index
    %swap3A_59 = arith.constant 0 : index
    %swap3A_60 = vector.load %arg7[%swap3A_57, %swap3A_58, %swap3A_59] : memref<3x3200x128xf32, #tpu.memory_space<vmem>>, vector<1x3200x128xf32>
    %swap3A_61 = vector.shape_cast %swap3A_60 : vector<1x3200x128xf32> to vector<3200x128xf32>
    %swap3A_62 = vector.shape_cast %mul3A_56 : vector<3200x128xf32> to vector<1x3200x128xf32>
    tpu.vector_store %arg7[%swap3A_57, %swap3A_58, %swap3A_59], %swap3A_62 {strides = array<i32>} : memref<3x3200x128xf32, #tpu.memory_space<vmem>>, vector<1x3200x128xf32>,
    %get3A_63 = arith.constant 1 : index
    %get3A_64 = arith.constant 0 : index
    %get3A_65 = arith.constant 0 : index
    %get3A_66 = vector.load %arg4[%get3A_63, %get3A_64, %get3A_65] : memref<3x128x128xf32, #tpu.memory_space<vmem>>, vector<1x128x128xf32>
    %get3A_67 = vector.shape_cast %get3A_66 : vector<1x128x128xf32> to vector<128x128xf32>
    %dot_general3A_68 = arith.constant dense<0.000000e+00> : vector<3200x128xf32>
    %dot_general3A_69 = tpu.matmul %mul3A_24, %get3A_67, %dot_general3A_68 {dimension_numbers = #tpu.dot_dimension_numbers<[1], [0], [0], [1], [0, 0, 1, 1], [], []>, transpose_lhs_hint = false} : vector<3200x128xf32>, vector<128x128xf32>, vector<3200x128xf32> -> vector<3200x128xf32>
    %max3A_70 = arith.constant 0.000000e+00 : f32
    %max3A_71 = vector.broadcast %max3A_70 : f32 to vector<3200x128xf32>
    %max3A_72 = arith.maximumf %dot_general3A_69, %max3A_71 : vector<3200x128xf32>
    %get3A_73 = arith.constant 1 : index
    %get3A_74 = arith.constant 0 : index
    %get3A_75 = arith.constant 0 : index
    %get3A_76 = vector.load %arg5[%get3A_73, %get3A_74, %get3A_75] : memref<3x128x128xf32, #tpu.memory_space<vmem>>, vector<1x128x128xf32>
    %get3A_77 = vector.shape_cast %get3A_76 : vector<1x128x128xf32> to vector<128x128xf32>
    %dot_general3A_78 = arith.constant dense<0.000000e+00> : vector<3200x128xf32>
    %dot_general3A_79 = tpu.matmul %max3A_72, %get3A_77, %dot_general3A_78 {dimension_numbers = #tpu.dot_dimension_numbers<[1], [0], [0], [1], [0, 0, 1, 1], [], []>, transpose_lhs_hint = false} : vector<3200x128xf32>, vector<128x128xf32>, vector<3200x128xf32> -> vector<3200x128xf32>
    %mul3A_80 = vector.broadcast %select_n3A : vector<3200x1xf32> to vector<3200x128xf32>
    %mul3A_81 = arith.mulf %dot_general3A_79, %mul3A_80 : vector<3200x128xf32>
    %swap3A_82 = arith.constant 1 : index
    %swap3A_83 = arith.constant 0 : index
    %swap3A_84 = arith.constant 0 : index
    %swap3A_85 = vector.load %arg7[%swap3A_82, %swap3A_83, %swap3A_84] : memref<3x3200x128xf32, #tpu.memory_space<vmem>>, vector<1x3200x128xf32>
    %swap3A_86 = vector.shape_cast %swap3A_85 : vector<1x3200x128xf32> to vector<3200x128xf32>
    %swap3A_87 = vector.shape_cast %mul3A_81 : vector<3200x128xf32> to vector<1x3200x128xf32>
    tpu.vector_store %arg7[%swap3A_82, %swap3A_83, %swap3A_84], %swap3A_87 {strides = array<i32>} : memref<3x3200x128xf32, #tpu.memory_space<vmem>>, vector<1x3200x128xf32>,
    %get3A_88 = arith.constant 2 : index
    %get3A_89 = arith.constant 0 : index
    %get3A_90 = arith.constant 0 : index
    %get3A_91 = vector.load %arg4[%get3A_88, %get3A_89, %get3A_90] : memref<3x128x128xf32, #tpu.memory_space<vmem>>, vector<1x128x128xf32>
    %get3A_92 = vector.shape_cast %get3A_91 : vector<1x128x128xf32> to vector<128x128xf32>
    %dot_general3A_93 = arith.constant dense<0.000000e+00> : vector<3200x128xf32>
    %dot_general3A_94 = tpu.matmul %mul3A_24, %get3A_92, %dot_general3A_93 {dimension_numbers = #tpu.dot_dimension_numbers<[1], [0], [0], [1], [0, 0, 1, 1], [], []>, transpose_lhs_hint = false} : vector<3200x128xf32>, vector<128x128xf32>, vector<3200x128xf32> -> vector<3200x128xf32>
    %max3A_95 = arith.constant 0.000000e+00 : f32
    %max3A_96 = vector.broadcast %max3A_95 : f32 to vector<3200x128xf32>
    %max3A_97 = arith.maximumf %dot_general3A_94, %max3A_96 : vector<3200x128xf32>
    %get3A_98 = arith.constant 2 : index
    %get3A_99 = arith.constant 0 : index
    %get3A_100 = arith.constant 0 : index
    %get3A_101 = vector.load %arg5[%get3A_98, %get3A_99, %get3A_100] : memref<3x128x128xf32, #tpu.memory_space<vmem>>, vector<1x128x128xf32>
    %get3A_102 = vector.shape_cast %get3A_101 : vector<1x128x128xf32> to vector<128x128xf32>
    %dot_general3A_103 = arith.constant dense<0.000000e+00> : vector<3200x128xf32>
    %dot_general3A_104 = tpu.matmul %max3A_97, %get3A_102, %dot_general3A_103 {dimension_numbers = #tpu.dot_dimension_numbers<[1], [0], [0], [1], [0, 0, 1, 1], [], []>, transpose_lhs_hint = false} : vector<3200x128xf32>, vector<128x128xf32>, vector<3200x128xf32> -> vector<3200x128xf32>
    %mul3A_105 = vector.broadcast %select_n3A : vector<3200x1xf32> to vector<3200x128xf32>
    %mul3A_106 = arith.mulf %dot_general3A_104, %mul3A_105 : vector<3200x128xf32>
    %swap3A_107 = arith.constant 2 : index
    %swap3A_108 = arith.constant 0 : index
    %swap3A_109 = arith.constant 0 : index
    %swap3A_110 = vector.load %arg7[%swap3A_107, %swap3A_108, %swap3A_109] : memref<3x3200x128xf32, #tpu.memory_space<vmem>>, vector<1x3200x128xf32>
    %swap3A_111 = vector.shape_cast %swap3A_110 : vector<1x3200x128xf32> to vector<3200x128xf32>
    %swap3A_112 = vector.shape_cast %mul3A_106 : vector<3200x128xf32> to vector<1x3200x128xf32>
    tpu.vector_store %arg7[%swap3A_107, %swap3A_108, %swap3A_109], %swap3A_112 {strides = array<i32>} : memref<3x3200x128xf32, #tpu.memory_space<vmem>>, vector<1x3200x128xf32>,
    return
  }
  func.func @transform_0(%arg0: i32) -> (i32, i32) {
    %c0_i32 = arith.constant 0 : i32
    %c0_i32_0 = arith.constant 0 : i32
    return %arg0, %c0_i32 : i32, i32
  }
  func.func @transform_1(%arg0: i32) -> (i32, i32) {
    %c0_i32 = arith.constant 0 : i32
    %c0_i32_0 = arith.constant 0 : i32
    %c0_i32_1 = arith.constant 0 : i32
    return %c0_i32, %c0_i32_0 : i32, i32
  }
  func.func @transform_2(%arg0: i32) -> (i32, i32) {
    %c0_i32 = arith.constant 0 : i32
    %c0_i32_0 = arith.constant 0 : i32
    %c0_i32_1 = arith.constant 0 : i32
    return %c0_i32, %c0_i32_0 : i32, i32
  }
  func.func @transform_3(%arg0: i32) -> (i32, i32, i32) {
    %c0_i32 = arith.constant 0 : i32
    %c0_i32_0 = arith.constant 0 : i32
    %c0_i32_1 = arith.constant 0 : i32
    %c0_i32_2 = arith.constant 0 : i32
    return %c0_i32, %c0_i32_0, %c0_i32_1 : i32, i32, i32
  }
  func.func @transform_4(%arg0: i32) -> (i32, i32, i32) {
    %c0_i32 = arith.constant 0 : i32
    %c0_i32_0 = arith.constant 0 : i32
    %c0_i32_1 = arith.constant 0 : i32
    %c0_i32_2 = arith.constant 0 : i32
    return %c0_i32, %c0_i32_0, %c0_i32_1 : i32, i32, i32
  }
  func.func @transform_5(%arg0: i32) -> (i32, i32) {
    %c0_i32 = arith.constant 0 : i32
    %c0_i32_0 = arith.constant 0 : i32
    return %arg0, %c0_i32 : i32, i32
  }
  func.func @transform_6(%arg0: i32) -> (i32, i32, i32) {
    %c0_i32 = arith.constant 0 : i32
    %c0_i32_0 = arith.constant 0 : i32
    %c0_i32_1 = arith.constant 0 : i32
    return %c0_i32, %arg0, %c0_i32_0 : i32, i32, i32
  }
}

module attributes {stable_mosaic.version = 14 : i64} {
  func.func @_combine_body(%arg0: memref<2x10112x128xf32, #tpu.memory_space<vmem>>, %arg1: memref<10112x128xf32, #tpu.memory_space<vmem>>) attributes {dimension_semantics = [], scalar_prefetch = 0 : i64, scratch_operands = 0 : i64, tpu.core_type = #tpu.core_type<tc>} {
    %get3A = arith.constant 0 : index
    %get3A_0 = arith.constant 0 : index
    %get3A_1 = arith.constant 0 : index
    %get3A_2 = vector.load %arg0[%get3A, %get3A_0, %get3A_1] : memref<2x10112x128xf32, #tpu.memory_space<vmem>>, vector<1x10112x128xf32>
    %get3A_3 = vector.shape_cast %get3A_2 : vector<1x10112x128xf32> to vector<10112x128xf32>
    %get3A_4 = arith.constant 1 : index
    %get3A_5 = arith.constant 0 : index
    %get3A_6 = arith.constant 0 : index
    %get3A_7 = vector.load %arg0[%get3A_4, %get3A_5, %get3A_6] : memref<2x10112x128xf32, #tpu.memory_space<vmem>>, vector<1x10112x128xf32>
    %get3A_8 = vector.shape_cast %get3A_7 : vector<1x10112x128xf32> to vector<10112x128xf32>
    %add3A = arith.addf %get3A_3, %get3A_8 : vector<10112x128xf32>
    %swap3A = arith.constant 0 : index
    %swap3A_9 = arith.constant 0 : index
    %swap3A_10 = vector.load %arg1[%swap3A, %swap3A_9] : memref<10112x128xf32, #tpu.memory_space<vmem>>, vector<10112x128xf32>
    tpu.vector_store %arg1[%swap3A, %swap3A_9], %add3A {strides = array<i32>} : memref<10112x128xf32, #tpu.memory_space<vmem>>, vector<10112x128xf32>,
    return
  }
}

module attributes {stable_mosaic.version = 14 : i64} {
  func.func @_update_body(%arg0: memref<2x10112x128xf32, #tpu.memory_space<vmem>>, %arg1: memref<128x128xf32, #tpu.memory_space<vmem>>, %arg2: memref<10112x128xf32, #tpu.memory_space<vmem>>) attributes {dimension_semantics = [], scalar_prefetch = 0 : i64, scratch_operands = 0 : i64, tpu.core_type = #tpu.core_type<tc>} {
    %get3A = arith.constant 0 : index
    %get3A_0 = arith.constant 0 : index
    %get3A_1 = arith.constant 0 : index
    %get3A_2 = vector.load %arg0[%get3A, %get3A_0, %get3A_1] : memref<2x10112x128xf32, #tpu.memory_space<vmem>>, vector<1x10112x128xf32>
    %get3A_3 = vector.shape_cast %get3A_2 : vector<1x10112x128xf32> to vector<10112x128xf32>
    %get3A_4 = arith.constant 1 : index
    %get3A_5 = arith.constant 0 : index
    %get3A_6 = arith.constant 0 : index
    %get3A_7 = vector.load %arg0[%get3A_4, %get3A_5, %get3A_6] : memref<2x10112x128xf32, #tpu.memory_space<vmem>>, vector<1x10112x128xf32>
    %get3A_8 = vector.shape_cast %get3A_7 : vector<1x10112x128xf32> to vector<10112x128xf32>
    %add3A = arith.addf %get3A_3, %get3A_8 : vector<10112x128xf32>
    %get3A_9 = arith.constant 0 : index
    %get3A_10 = arith.constant 0 : index
    %get3A_11 = vector.load %arg1[%get3A_9, %get3A_10] : memref<128x128xf32, #tpu.memory_space<vmem>>, vector<128x128xf32>
    %dot_general3A = arith.constant dense<0.000000e+00> : vector<10112x128xf32>
    %dot_general3A_12 = tpu.matmul %add3A, %get3A_11, %dot_general3A {dimension_numbers = #tpu.dot_dimension_numbers<[1], [0], [0], [1], [0, 0, 1, 1], [], []>, transpose_lhs_hint = false} : vector<10112x128xf32>, vector<128x128xf32>, vector<10112x128xf32> -> vector<10112x128xf32>
    %max3A = arith.constant 0.000000e+00 : f32
    %max3A_13 = vector.broadcast %max3A : f32 to vector<10112x128xf32>
    %max3A_14 = arith.maximumf %dot_general3A_12, %max3A_13 : vector<10112x128xf32>
    %swap3A = arith.constant 0 : index
    %swap3A_15 = arith.constant 0 : index
    %swap3A_16 = vector.load %arg2[%swap3A, %swap3A_15] : memref<10112x128xf32, #tpu.memory_space<vmem>>, vector<10112x128xf32>
    tpu.vector_store %arg2[%swap3A, %swap3A_15], %max3A_14 {strides = array<i32>} : memref<10112x128xf32, #tpu.memory_space<vmem>>, vector<10112x128xf32>,
    return
  }
}

module attributes {stable_mosaic.version = 14 : i64} {
  func.func @_head_body(%arg0: memref<2x10112x128xf32, #tpu.memory_space<vmem>>, %arg1: memref<128x128xf32, #tpu.memory_space<vmem>>, %arg2: memref<10112x1xi32, #tpu.memory_space<vmem>>, %arg3: memref<128x10xf32, #tpu.memory_space<vmem>>, %arg4: memref<1x10xf32, #tpu.memory_space<vmem>>, %arg5: memref<64x10xf32, #tpu.memory_space<vmem>>) attributes {dimension_semantics = [], scalar_prefetch = 0 : i64, scratch_operands = 0 : i64, tpu.core_type = #tpu.core_type<tc>} {
    %get3A = arith.constant 0 : index
    %get3A_0 = arith.constant 0 : index
    %get3A_1 = arith.constant 0 : index
    %get3A_2 = vector.load %arg0[%get3A, %get3A_0, %get3A_1] : memref<2x10112x128xf32, #tpu.memory_space<vmem>>, vector<1x10112x128xf32>
    %get3A_3 = vector.shape_cast %get3A_2 : vector<1x10112x128xf32> to vector<10112x128xf32>
    %get3A_4 = arith.constant 1 : index
    %get3A_5 = arith.constant 0 : index
    %get3A_6 = arith.constant 0 : index
    %get3A_7 = vector.load %arg0[%get3A_4, %get3A_5, %get3A_6] : memref<2x10112x128xf32, #tpu.memory_space<vmem>>, vector<1x10112x128xf32>
    %get3A_8 = vector.shape_cast %get3A_7 : vector<1x10112x128xf32> to vector<10112x128xf32>
    %add3A = arith.addf %get3A_3, %get3A_8 : vector<10112x128xf32>
    %get3A_9 = arith.constant 0 : index
    %get3A_10 = arith.constant 0 : index
    %get3A_11 = vector.load %arg1[%get3A_9, %get3A_10] : memref<128x128xf32, #tpu.memory_space<vmem>>, vector<128x128xf32>
    %dot_general3A = arith.constant dense<0.000000e+00> : vector<10112x128xf32>
    %dot_general3A_12 = tpu.matmul %add3A, %get3A_11, %dot_general3A {dimension_numbers = #tpu.dot_dimension_numbers<[1], [0], [0], [1], [0, 0, 1, 1], [], []>, transpose_lhs_hint = false} : vector<10112x128xf32>, vector<128x128xf32>, vector<10112x128xf32> -> vector<10112x128xf32>
    %max3A = arith.constant 0.000000e+00 : f32
    %max3A_13 = vector.broadcast %max3A : f32 to vector<10112x128xf32>
    %max3A_14 = arith.maximumf %dot_general3A_12, %max3A_13 : vector<10112x128xf32>
    %get3A_15 = arith.constant 0 : index
    %get3A_16 = arith.constant 0 : index
    %get3A_17 = vector.load %arg2[%get3A_15, %get3A_16] : memref<10112x1xi32, #tpu.memory_space<vmem>>, vector<10112x1xi32>
    %iota3A = tpu.iota {dimensions = array<i32: 1>} : vector<10112x64xi32>
    %eq3A = vector.broadcast %get3A_17 : vector<10112x1xi32> to vector<10112x64xi32>
    %eq3A_18 = arith.cmpi eq, %eq3A, %iota3A : vector<10112x64xi32>
    %convert_element_type3A = arith.extui %eq3A_18 : vector<10112x64xi1> to vector<10112x64xi32>
    %convert_element_type3A_19 = arith.sitofp %convert_element_type3A : vector<10112x64xi32> to vector<10112x64xf32>
    %dot_general3A_20 = arith.constant dense<0.000000e+00> : vector<64x128xf32>
    %dot_general3A_21 = tpu.matmul %convert_element_type3A_19, %max3A_14, %dot_general3A_20 {dimension_numbers = #tpu.dot_dimension_numbers<[0], [0], [1], [1], [0, 1, 1, 1], [], []>, transpose_lhs_hint = false} : vector<10112x64xf32>, vector<10112x128xf32>, vector<64x128xf32> -> vector<64x128xf32>
    %reduce_sum3A = arith.constant dense<0.000000e+00> : vector<64xf32>
    %reduce_sum3A_22 = vector.multi_reduction <add>, %convert_element_type3A_19, %reduce_sum3A [0] : vector<10112x64xf32> to vector<64xf32>
    %broadcast_in_dim3A = vector.shape_cast %reduce_sum3A_22 : vector<64xf32> to vector<64x1xf32>
    %max3A_23 = arith.constant 1.000000e+00 : f32
    %max3A_24 = vector.broadcast %max3A_23 : f32 to vector<64x1xf32>
    %max3A_25 = arith.maximumf %broadcast_in_dim3A, %max3A_24 : vector<64x1xf32>
    %div3A = vector.broadcast %max3A_25 : vector<64x1xf32> to vector<64x128xf32>
    %div3A_26 = arith.divf %dot_general3A_21, %div3A : vector<64x128xf32>
    %get3A_27 = arith.constant 0 : index
    %get3A_28 = arith.constant 0 : index
    %get3A_29 = vector.load %arg3[%get3A_27, %get3A_28] : memref<128x10xf32, #tpu.memory_space<vmem>>, vector<128x10xf32>
    %dot_general3A_30 = arith.constant dense<0.000000e+00> : vector<64x10xf32>
    %dot_general3A_31 = tpu.matmul %div3A_26, %get3A_29, %dot_general3A_30 {dimension_numbers = #tpu.dot_dimension_numbers<[1], [0], [0], [1], [0, 0, 1, 1], [], []>, transpose_lhs_hint = false} : vector<64x128xf32>, vector<128x10xf32>, vector<64x10xf32> -> vector<64x10xf32>
    %get3A_32 = arith.constant 0 : index
    %get3A_33 = arith.constant 0 : index
    %get3A_34 = vector.load %arg4[%get3A_32, %get3A_33] : memref<1x10xf32, #tpu.memory_space<vmem>>, vector<1x10xf32>
    %add3A_35 = vector.broadcast %get3A_34 : vector<1x10xf32> to vector<64x10xf32>
    %add3A_36 = arith.addf %dot_general3A_31, %add3A_35 : vector<64x10xf32>
    %reduce_max3A = arith.constant dense<0xFF800000> : vector<64xf32>
    %reduce_max3A_37 = vector.multi_reduction <maximumf>, %add3A_36, %reduce_max3A [1] : vector<64x10xf32> to vector<64xf32>
    %broadcast_in_dim3A_38 = vector.shape_cast %reduce_max3A_37 : vector<64xf32> to vector<64x1xf32>
    %sub3A = vector.broadcast %broadcast_in_dim3A_38 : vector<64x1xf32> to vector<64x10xf32>
    %sub3A_39 = arith.subf %add3A_36, %sub3A : vector<64x10xf32>
    %exp3A = math.exp %sub3A_39 : vector<64x10xf32>
    %reduce_sum3A_40 = arith.constant dense<0.000000e+00> : vector<64xf32>
    %reduce_sum3A_41 = vector.multi_reduction <add>, %exp3A, %reduce_sum3A_40 [1] : vector<64x10xf32> to vector<64xf32>
    %broadcast_in_dim3A_42 = vector.shape_cast %reduce_sum3A_41 : vector<64xf32> to vector<64x1xf32>
    %log3A = math.log %broadcast_in_dim3A_42 : vector<64x1xf32>
    %sub3A_43 = vector.broadcast %log3A : vector<64x1xf32> to vector<64x10xf32>
    %sub3A_44 = arith.subf %sub3A_39, %sub3A_43 : vector<64x10xf32>
    %swap3A = arith.constant 0 : index
    %swap3A_45 = arith.constant 0 : index
    %swap3A_46 = vector.load %arg5[%swap3A, %swap3A_45] : memref<64x10xf32, #tpu.memory_space<vmem>>, vector<64x10xf32>
    tpu.vector_store %arg5[%swap3A, %swap3A_45], %sub3A_44 {strides = array<i32>} : memref<64x10xf32, #tpu.memory_space<vmem>>, vector<64x10xf32>,
    return
  }
}

</mosaic_0001>

<sc_bundles>
// kernel: kernel.11.cloned.1.call-start
scs
__scs_entry_jumppad:
0x0: {  	(pc) =	sbr.rel $0x88, $3  }
0x1: {  	(tag) =	ssettag $0x0;
	lr =	simm.s32 $0x1  }
0x2: {  	[smem:$0x3F97] =	sst lr;
	_ =	strace $0xD0000000  }
0x3: {  	_ = 	snop  }
0x4: {  	_ = 	snop  }
0x5: {  	_ = 	snop  }
0x6: {  	_ = 	snop  }
0x7: {  	_ = 	snop  }
__scs_overlays_trampoline_lowered:
0x8: {  	[smem:$0x3FA6] =	sst s0  }
0x9: {  	[smem:$0x3FA7] =	sst s1  }
0xa: {  	[smem:$0x3FA8] =	sst s2  }
0xb: {  	[smem:$0x3FA9] =	sst s3  }
0xc: {  	[smem:$0x3FAA] =	sst s4  }
0xd: {  	[smem:$0x3FAB] =	sst s5  }
0xe: {  	[smem:$0x3FAC] =	sst s6  }
0xf: {  	[smem:$0x3FAD] =	sst s7  }
0x10: {  	[smem:$0x3FAE] =	sst s8  }
0x11: {  	[smem:$0x3FAF] =	sst s9;
	s0 =	simm.s32 @!p0 $0x0  }
0x12: {  	s1 =	sld [smem:$0x3F95];
	s0 =	simm.s32 @p0 $0x1  }
0x13: {  	[smem:$0x3FB0] =	sst s0;
	s0 =	simm.s32 @!p1 $0x0  }
0x14: {  	s2 =	sld [smem:$0x3F94];
	s0 =	simm.s32 @p1 $0x1  }
0x15: {  	[smem:$0x3FB1] =	sst s0;
	s0 =	simm.s32 @!p2 $0x0  }
0x16: {  	s3 =	sld [smem:$0x3FDB];
	s0 =	simm.s32 @p2 $0x1  }
0x17: {  	s4 =	simm.s32 $0x1BF5;
	[smem:$0x3FB3] =	sst s0  }
0x18: {  	s0 =	sld [smem:$0x3F96];
	_ =	swait.ge [sflag:s4], $0x0  }
0x19: {  	s7 =	sld [smem:$0x3F97]  }
0x1a: {  	s8 =	sadd.s32 $0xFFFFE003, lr  }
0x1b: {  	s9 =	sadd.s32 $0xFFFFFEF7, lr;
	s5 =	simm.s32 $0xFFFFFFFF;
	p2 =	slt.u32 s8, $0xFFFFF086  }
0x1c: {  	p1 =	slt.u32 s9, $0xF7A;
	s5 =	simm.s32 @!p2 $0x0  }
0x1d: {  	s5 =	simm.s32 @p1 $0x1;
	p0 =	seq.s32 s7, s2  }
0x1e: {  	s7 =	smul.u32 @!p0 $0xF7A, s2;
	p2 =	seq.s32 @!p0 s5, $0x0  }
0x1f: {  	s9 =	smul.u32 $0xF7A, s1;
	s8 =	simm.s32 @!p0 $0x1BF5;
	p2 =	por !p2, p0  }
0x20: {  	[sflag:s8] =	ssyncset.s32 @!p0 $0xFFFFF086;
	s6 =	sadd.s32 @!p0 s3, s7;
	s7 =	simm.s32 @!p0 $0x108  }
0x21: {  	s3 =	sadd.s32 s3, s9;
	s6 =	sadd.s32 @!p0 $0x88, s6;
	s7 =	simm.s32 @p2 $0x1082  }
0x22: {  	[simem:s7], [sflag:s8] =	dma.local @!p0 [hbm:s6], $0xF7A  }
0x23: {  	s9 =	sor.u32 $0xD0000000, s2;
	s6 =	simm.s32 $0x108;
	_ =	swait.ge @!p0 [sflag:s8], $0x0  }
0x24: {  	s3 =	sadd.s32 $0x88, s3;
	s6 =	simm.s32 @!p1 $0x1082;
	[sflag:s4] =	ssyncset.s32 $0xFFFFF086  }
0x25: {  	[simem:s6], [sflag:s4] =	dma.local [hbm:s3], $0xF7A  }
0x26: {  	[smem:$0x3F97] =	sst s1;
	(tag) =	ssettag s2;
	_ =	strace s9  }
0x27: {  	s1 =	sld [smem:$0x3FA7]  }
0x28: {  	s2 =	sld [smem:$0x3FA8]  }
0x29: {  	s4 =	sld [smem:$0x3FAA]  }
0x2a: {  	p0 =	seq.s32 s5, $0x0;
	s5 =	sld [smem:$0x3FAB]  }
0x2b: {  	s6 =	sld [smem:$0x3FAC]  }
0x2c: {  	s7 =	sld [smem:$0x3FAD]  }
0x2d: {  	s3 =	simm.s32 $0x108;
	s8 =	sld [smem:$0x3FAE]  }
0x2e: {  	s3 =	simm.s32 @!p0 $0x1082;
	s9 =	sld [smem:$0x3FAF]  }
0x2f: {  	lr =	sadd.s32 s0, s3;
	s0 =	sld [smem:$0x3FA6]  }
0x30: {  	s3 =	sld [smem:$0x3FA9]  }
0x31: {  	[smem:$0x3FB2] =	sst s10  }
0x32: {  	s10 =	sld [smem:$0x3FB0];
	_ =	sdelay $0x3  }
0x33: {  	p0 =	seq.s32 s10, $0x1;
	s10 =	sld [smem:$0x3FB2];
	_ =	sdelay $0x3  }
0x34: {  	[smem:$0x3FB2] =	sst s10  }
0x35: {  	s10 =	sld [smem:$0x3FB1];
	_ =	sdelay $0x3  }
0x36: {  	p1 =	seq.s32 s10, $0x1;
	s10 =	sld [smem:$0x3FB2];
	_ =	sdelay $0x3  }
0x37: {  	[smem:$0x3FB2] =	sst s10  }
0x38: {  	s10 =	sld [smem:$0x3FB3]  }
0x39: {  	_ = 	snop;
	(pc) =	sbr.ind lr, $3  }
0x3a: {  	_ = 	snop  }
0x3b: {  	_ = 	snop  }
0x3c: {  	p2 =	seq.s32 s10, $0x1;
	s10 =	sld [smem:$0x3FB2]  }
0x3d: {  	_ =	shalt  }
0x3e: {  	_ =	shalt  }
0x3f: {  	_ =	shalt  }
0x40: {  	_ =	shalt  }
0x41: {  	_ =	shalt  }
0x42: {  	_ =	shalt  }
0x43: {  	_ =	shalt  }
0x44: {  	_ =	shalt  }
0x45: {  	_ =	shalt  }
0x46: {  	_ =	shalt  }
0x47: {  	_ =	shalt  }
0x48: {  	_ =	shalt  }
0x49: {  	_ =	shalt  }
0x4a: {  	_ =	shalt  }
0x4b: {  	_ =	shalt  }
0x4c: {  	_ =	shalt  }
0x4d: {  	_ =	shalt  }
0x4e: {  	_ =	shalt  }
0x4f: {  	_ =	shalt  }
0x50: {  	_ =	shalt  }
0x51: {  	_ =	shalt  }
0x52: {  	_ =	shalt  }
0x53: {  	_ =	shalt  }
0x54: {  	_ =	shalt  }
0x55: {  	_ =	shalt  }
0x56: {  	_ =	shalt  }
0x57: {  	_ =	shalt  }
0x58: {  	_ =	shalt  }
0x59: {  	_ =	shalt  }
0x5a: {  	_ =	shalt  }
0x5b: {  	_ =	shalt  }
0x5c: {  	_ =	shalt  }
0x5d: {  	_ =	shalt  }
0x5e: {  	_ =	shalt  }
0x5f: {  	_ =	shalt  }
0x60: {  	_ =	shalt  }
0x61: {  	_ =	shalt  }
0x62: {  	_ =	shalt  }
0x63: {  	_ =	shalt  }
0x64: {  	_ =	shalt  }
0x65: {  	_ =	shalt  }
0x66: {  	_ =	shalt  }
0x67: {  	_ =	shalt  }
0x68: {  	_ =	shalt  }
0x69: {  	_ =	shalt  }
0x6a: {  	_ =	shalt  }
0x6b: {  	_ =	shalt  }
0x6c: {  	_ =	shalt  }
0x6d: {  	_ =	shalt  }
0x6e: {  	_ =	shalt  }
0x6f: {  	_ =	shalt  }
0x70: {  	_ =	shalt  }
0x71: {  	_ =	shalt  }
0x72: {  	_ =	shalt  }
0x73: {  	_ =	shalt  }
0x74: {  	_ =	shalt  }
0x75: {  	_ =	shalt  }
0x76: {  	_ =	shalt  }
0x77: {  	_ =	shalt  }
0x78: {  	_ =	shalt  }
0x79: {  	_ =	shalt  }
0x7a: {  	_ =	shalt  }
0x7b: {  	_ =	shalt  }
0x7c: {  	_ =	shalt  }
0x7d: {  	_ =	shalt  }
0x7e: {  	_ =	shalt  }
0x7f: {  	_ =	shalt  }
0x80: {  	_ =	shalt  }
0x81: {  	_ =	shalt  }
0x82: {  	_ =	shalt  }
0x83: {  	_ =	shalt  }
0x84: {  	_ =	shalt  }
0x85: {  	_ =	shalt  }
0x86: {  	_ =	shalt  }
0x87: {  	_ =	shalt  }
.Lfunc_end0:
.L_simem_size_0:
called_computation_lowered:
.L_overlay_start_0:
0x88: {  	s2 =	sld [smem:$0x3FD9]  }
0x89: {  	s3 =	sld [smem:$0x3FFE];
	_ =	sdelay $0x1  }
0x8a: {  	s1 =	srdreg.scid  }
0x8b: {  	s0 =	sand.u32 $0x1, s1  }
0x8c: {  	s16 =	sshll.u32 s0, $0xA;
	s2 =	sadd.s32 s3, s2  }
0x8d: {  	s2 =	sadd.s32 s2, s16  }
0x8e: {  	[smem:$0x3FBE] =	sst s2  }
0x8f: {  	_ = 	snop  }
0x90: {  	(tm) =	ssettm $0x1  }
0x91: {  	s17 =	sld [smem:$0x3FFB];
	_ =	sdelay $0x3  }
0x92: {  	_ =	strace s17  }
0x93: {  	s2 =	sld [smem:$0x3FFC];
	_ =	sdelay $0x3  }
0x94: {  	_ =	strace s2  }
0x95: {  	s2 =	sld [smem:$0x3FFD];
	_ =	sdelay $0x3  }
0x96: {  	_ =	strace s2  }
0x97: {  	_ =	strace $0x8FFFFFFF  }
0x98: {  	s18 =	sld [smem:$0x3FDB];
	_ =	sdelay $0x1  }
0x99: {  	s19 =	simm.s32 $_scs_section_size  }
0x9a: {  	s4 =	simm.s32 $_size__tile_overlayer_lowered;
	s5 =	simm.s32 $_tile_overlayer_lowered  }
0x9b: {  	s22 =	simm.s32 $0x1BFF;
	s21 =	sshll.u32 s5, $0x1;
	s2 =	sadd.s32 s19, s18  }
0x9c: {  	s6 =	simm.s32 $0x0;
	s20 =	sshll.u32 s4, $0x1;
	s4 =	sadd.s32 s21, s2  }
0x9d: {  	[timem:s6], [sflag:s22] =	dma.local [hbm:s4], s20  }
0x9e: {  	_ =	swait.ge [sflag:s22], s20  }
0x9f: {  	s3 =	ssub.s32 $0x0, s20;
	[sflag:s22] =	ssyncset.done $0x0  }
0xa0: {  	[sflag:s22] =	ssyncadd.s32 s3;
	_ =	sdelay $0x1  }
0xa1: {  	s23 =	simm.s32 $0x1B8B  }
0xa2: {  	_ =	swait.ge [sflag:s23], $0x1  }
0xa3: {  	[sflag:s23] =	ssyncset.done $0x0  }
0xa4: {  	s25 =	simm.s32 $0x1B8E;
	s24 =	sld [smem:$0x3FFE];
	[sflag:s23] =	ssyncadd.s32 $0xFFFFFFFF  }
0xa5: {  	s26 =	simm.s32 $execute0_lowered;
	[smem:$0x3FD2] =	sst s25  }
0xa6: {  	s4 =	sshll.u32 s26, $0x1;
	_ =	strace $0x80000046;
	[dreg:$0x1] =	wrdreg $0xFFFFFFFF  }
0xa7: {  	s28 =	simm.s32 $_size_execute0_lowered;
	s2 =	sadd.s32 s2, s4;
	[dreg:$0x0] =	wrdreg $0x0  }
0xa8: {  	s4 =	sshll.u32 s28, $0x1;
	[dreg:$0x2] =	wrdreg s2  }
0xa9: {  	[dreg:$0x3] =	wrdreg s4  }
0xaa: {  	[dreg:$0x4] =	wrdreg $0xC0  }
0xab: {  	_ =	task [dreg:s6], $0x5FFFF  }
0xac: {  	[dreg:$0x1] =	wrdreg $0xFFFFFFFF  }
0xad: {  	[dreg:$0x0] =	wrdreg $0x60  }
0xae: {  	[dreg:$0x2] =	wrdreg s24  }
0xaf: {  	[dreg:$0x3] =	wrdreg $0x3F000  }
0xb0: {  	[dreg:$0x4] =	wrdreg $0x9  }
0xb1: {  	_ =	task.clear_ibuf [dreg:s6], $0x5FFFF;
	_ =	strace $0x90000046  }
0xb2: {  	s29 =	simm.s32 $0x9;
	_ =	strace $0x80000048  }
0xb3: {  	_ =	swait.ge [sflag:s29], $0x1  }
0xb4: {  	[sflag:s29] =	ssyncadd.s32 $0xFFFFFFFF  }
0xb5: {  	_ =	strace $0x90000048  }
0xb6: {  	_ =	sfence  }
0xb7: {  	s30 =	sld [smem:$0x0];
	_ =	sdelay $0x2  }
0xb8: {  	s31 =	sshll.u32 s1, $0xD;
	s1 =	sshrl.u32 s1, $0x2  }
0xb9: {  	s3 =	sand.u32 $0x4000, s31;
	s1 =	sadd.s32 s1, s30  }
0xba: {  	s0 =	sor.u32 s3, s0;
	s1 =	sshll.u32 s1, $0x11  }
0xbb: {  	s0 =	sor.u32 s1, s0  }
0xbc: {  	s0 =	sadd.s32 $0x8F2B, s0  }
0xbd: {  	[sflag:s0] =	ssyncadd.remote.s32 $0x1  }
0xbe: {  	_ =	sfence.sel $0xFFFF  }
0xbf: {  	[dreg:$0x0] =	wrdreg $0xFFFFFFFF;
	(pc) =	sbr.abs _section_cstart, $3  }
0xc0: {  	[dreg:$0x1] =	wrdreg $0xFFFFFFFF  }
0xc1: {  	_ =	task.clear_ibuf [dreg:s6], $0x2FFFF;
	_ =	strace $0x9FFFFFFF  }
0xc2: {  	(tm) =	ssettm $0x7FFFFFFF  }
0xc3: {  	_ =	shalt  }
tec
execute0_lowered:
.L_overlay_start_1:
0x0: {  	(tag) =	ssettag $0x1  }
0x1: {  	s5 =	rddreg [dreg:$0x0]  }
0x2: {  	s1 =	rddreg [dreg:$0x1]  }
0x3: {  	s2 =	srdreg.scid;
	s0 =	stileid.u32  }
0x4: {  	s3 =	simm.s32 $0x0;
	s17 =	simm.s32 $0x5;
	s6 =	smul.u32 $0x13C00, s0  }
0x5: {  	s18 =	simm.s32 $0x6;
	s19 =	simm.s32 $0x0;
	s12 =	smul.u32 $0x4F000, s0  }
0x6: {  	s7 =	sand.u32 $0x1, s2;
	s9 =	sadd.s32 $0x13C9A00, s5;
	s15 =	smul.u32 $0xFA00, s0  }
0x7: {  	[smem:$0x7FF] =	sst s3;
	s10 =	sadd.s32 $0x4E5200, s5;
	s16 =	smul.u32 $0x27100, s0  }
0x8: {  	s28 =	sshll.u32 s0, $0x6;
	s4 =	smul.u32 $0x13C000, s7;
	_ =	strace $0x80000047  }
0x9: {  	s8 =	sshll.u32 s7, $0x4;
	s11 =	ssub.s32 $0x2, s7;
	s26 =	smul.u32 $0xFA000, s7  }
0xa: {  	s29 =	smul.u32 $0x271000, s7;
	s8 =	sor.u32 s0, s8;
	s23 =	sshrl.u32 s11, $0x1  }
0xb: {  	s25 =	sshrl.u32 s12, $0x2;
	s6 =	sadd.s32 s6, s4;
	s4 =	sadd.s32 $0x3200, s5  }
0xc: {  	s24 =	smul.u32 $0xFA00, s8;
	s11 =	ssub.s32 s11, s23;
	s14 =	sadd.s32 s25, s1  }
0xd: {  	s8 =	smul.u32 $0x27100, s8;
	s12 =	sadd.s32 s15, s26;
	s30 =	sadd.s32 s29, s9  }
0xe: {  	s15 =	simm.s32 $0x28;
	s6 =	sshrl.u32 s6, $0x3;
	s12 =	sor.u32 $0x100, s12  }
0xf: {  	s31 =	sadd.s32 s16, s30;
	s16 =	simm.s32 $0x4;
	s13 =	sadd.s32 s6, s5  }
0x10: {  	s5 =	sor.u32 $0x1C07, s28;
	s6 =	sshrl.u32 s24, $0x3;
	s7 =	sadd.s32 s9, s8  }
0x11: {  	s12 =	sshrl.u32 s12, $0x3;
	s9 =	smax.u32 s11, $0x1;
	s11 =	sadd.s32 $0x280, s31  }
0x12: {  	s6 =	sadd.s32 s10, s6;
	s8 =	sadd.s32 $0x5A00, s13;
	s10 =	sadd.s32 s12, s10  }
0x13: {  	s12 =	sshrl.u32 s14, $0x3;
	s13 =	simm.s32 $0x7;
	s14 =	simm.s32 $0x300  }
.LBB2_1:
0x14: {  	[spmem:s12], [sflag:s5] =	dma.local [hbm:s4], $0x2780  }
0x15: {  	s20 =	simm.s32 $0x1  }
0x16: {  	_ =	swait.ge [sflag:s13], $0x2780;
	s21 =	sand.u32 $0xFF, s20  }
0x17: {  	[sflag:s13] =	ssyncset.done $0x0;
	s21 =	smul.u32 $0xAB, s21  }
0x18: {  	p0 =	por $0x0, $0x0;
	[sflag:s13] =	ssyncadd.s32 $0xFFFFD880  }
0x19: {  	s22 =	smul.u32 $0xAB, s3;
	[bflag:$0x0] =	sbarrier.arrive $0xFFFF;
	s21 =	sshrl.u32 s21, $0x9  }
0x1a: {  	[tilespmem:s3], [sflag:$0x7] =	stream.linear.gather [hbm4b:s6+s3], $0x100, $0x38;
	[tilespmem:$0x17B00] =	vst v63  }
0x1b: {  	p1 =	por @!p0 $0x1, $0x1;
	s23 =	simm.s32 @!p0 $0x0;
	s21 =	smul.u32 $0x3, s21  }
0x1c: {  	s24 =	simm.s32 @!p0 $0x7;
	p1 =	por p1, p0;
	_ =	swait.ge [sflag:s13], $0x100  }
0x1d: {  	s22 =	sshrl.u32 s22, $0x9;
	[sflag:s13] =	ssyncset.done $0x0;
	s21 =	ssub.s32 $0x1, s21  }
0x1e: {  	s22 =	sand.u32 $0x7F, s22;
	[sflag:s13] =	ssyncadd.s32 $0xFFFFFF00;
	s21 =	sand.u32 $0xFF, s21  }
0x1f: {  	[tilespmem:s14], [sflag:$0x1] =	stream.linear.gather [hbm4b:s7+s3], $0x1400, $0x38;
	[tilespmem:$0x17B00] =	vst v63  }
0x20: {  	s30 =	smul.u32 $0x3, s22;
	s22 =	smov.u32 s10;
	s26 =	sadd.s32 @!p1 $0x4, s21  }
0x21: {  	s29 =	sshll.u32 @!p0 s21, $0x8;
	s28 =	smul.u32 @!p0 $0x5000, s21;
	_ =	swait.ge @!p1 [sflag:s26], $0x1400  }
0x22: {  	s25 =	sadd.s32 @!p0 $0x1, s21;
	s21 =	smov.u32 s11;
	[sflag:s26] =	ssyncset.done @!p1 $0x0  }
0x23: {  	s28 =	sshrl.u32 @!p0 s28, $0x2;
	[sflag:s26] =	ssyncadd.s32 @!p1 $0xFFFFEC00;
	s26 =	simm.s32 $0x0  }
.LBB2_2:
0x24: {  	[tilespmem:s29], [sflag:$0x7] =	stream.linear.gather @!p0 [hbm4b:s22+s23], $0x100, $0x38;
	[tilespmem:$0x17B00] =	vst v63  }
0x25: {  	s29 =	smov.u32 s20  }
0x26: {  	s20 =	sadd.s32 $0x1, s20;
	s26 =	ssub.s32 s26, s30;
	_ =	swait.ge @!p0 [sflag:s24], $0x100  }
0x27: {  	s30 =	sand.u32 $0xFF, s20;
	s26 =	sand.u32 $0xFF, s26;
	[sflag:s24] =	ssyncset.done @!p0 $0x0  }
0x28: {  	s31 =	sadd.s32 $0x1, s26;
	s0 =	sshll.u32 s26, $0x8;
	s2 =	sadd.s32 $0x4, s26  }
0x29: {  	s26 =	smul.u32 $0x5000, s26;
	[sflag:s24] =	ssyncadd.s32 @!p0 $0xFFFFFF00;
	s24 =	sor.u32 @!p0 $0x300, s28  }
0x2a: {  	[tilespmem:s24], [sflag:s25] =	stream.linear.gather @!p0 [hbm4b:s21+s23], $0x1400, $0x38;
	[tilespmem:$0x17B00] =	vst v63  }
0x2b: {  	s23 =	smul.u32 $0xAB, s30;
	p0 =	seq.s32 s29, $0xF9;
	_ =	swait.ge [sflag:s31], $0x1400  }
0x2c: {  	s24 =	sshrl.u32 s26, $0x2;
	p1 =	slt.u32 @!p0 s29, $0x2;
	[sflag:s31] =	ssyncset.done $0x0  }
0x2d: {  	s24 =	sor.u32 $0x300, s24;
	s23 =	sshrl.u32 s23, $0x9;
	p1 =	por p1, p0  }
0x2e: {  	p2 =	sne.s32 s20, $0xFA;
	s25 =	smul.u32 $0xAB, s29;
	[sflag:s31] =	ssyncadd.s32 $0xFFFFEC00  }
0x2f: {  	s0 =	sor.u32 $0x80, s0;
	s26 =	smov.u32 s29;
	s23 =	smul.u32 $0x3, s23  }
0x30: {  	[spmem:s1] =	stream.indirect.scatter.add.f32 [tilespmem:s24], [sflag:s2], $0x80, s0, s15, $0xb8;
	[tilespmem:$0x17B00] =	vst v63  }
0x31: {  	s0 =	ssub.s32 s20, s23;
	s23 =	simm.s32 @!p0 $0x0;
	s24 =	simm.s32 @!p0 $0x7  }
.Ltmp0:
0x32: {  	s22 =	sadd.s32 $0x20, s22;
	s0 =	sand.u32 $0xFF, s0;
	(pc) =	sbr.rel @p2 .LBB2_2-.Ltmp0, $4  }
0x33: {  	s2 =	sshrl.u32 s25, $0x9;
	s28 =	sadd.s32 @!p1 $0x4, s0;
	s29 =	sshll.u32 @!p0 s0, $0x8  }
0x34: {  	s2 =	sand.u32 $0x7F, s2;
	s31 =	smul.u32 @!p0 $0x5000, s0;
	_ =	swait.ge @!p1 [sflag:s28], $0x1400  }
0x35: {  	s21 =	sadd.s32 $0x280, s21;
	s25 =	sadd.s32 @!p0 $0x1, s0;
	[sflag:s28] =	ssyncset.done @!p1 $0x0  }
0x36: {  	s30 =	smul.u32 $0x3, s2;
	[sflag:s28] =	ssyncadd.s32 @!p1 $0xFFFFEC00;
	s28 =	sshrl.u32 @!p0 s31, $0x2  }
0x37: {  	[tilespmem:s29], [sflag:$0x7] =	stream.linear.gather @!p0 [hbm4b:s22+s23], $0x100, $0x38;
	[tilespmem:$0x17B00] =	vst v63  }
0x38: {  	s0 =	ssub.s32 s26, s30;
	_ =	swait.ge @!p0 [sflag:s24], $0x100  }
0x39: {  	s20 =	sor.u32 @!p0 $0x300, s28;
	s0 =	sand.u32 $0xFF, s0;
	[sflag:s24] =	ssyncset.done @!p0 $0x0  }
0x3a: {  	s2 =	sadd.s32 $0x1, s0;
	[sflag:s24] =	ssyncadd.s32 @!p0 $0xFFFFFF00;
	s28 =	smul.u32 $0x5000, s0  }
0x3b: {  	[tilespmem:s20], [sflag:s25] =	stream.linear.gather @!p0 [hbm4b:s21+s23], $0x1400, $0x38;
	[tilespmem:$0x17B00] =	vst v63  }
0x3c: {  	s29 =	sshll.u32 s0, $0x8;
	_ =	swait.ge [sflag:s2], $0x1400  }
0x3d: {  	s0 =	sadd.s32 $0x4, s0;
	s30 =	sshrl.u32 s28, $0x2;
	[sflag:s2] =	ssyncset.done $0x0  }
0x3e: {  	s31 =	sor.u32 $0x80, s29;
	s21 =	sor.u32 $0x300, s30;
	[sflag:s2] =	ssyncadd.s32 $0xFFFFEC00  }
0x3f: {  	[spmem:s1] =	stream.indirect.scatter.add.f32 [tilespmem:s21], [sflag:s0], $0x80, s31, s15, $0xb8;
	[tilespmem:$0x17B00] =	vst v63  }
0x40: {  	_ =	swait.ge [sflag:s16], $0x1400  }
0x41: {  	[sflag:s16] =	ssyncset.done $0x0  }
0x42: {  	[sflag:s16] =	ssyncadd.s32 $0xFFFFEC00  }
0x43: {  	_ =	swait.ge [sflag:s17], $0x1400  }
0x44: {  	[sflag:s17] =	ssyncset.done $0x0  }
0x45: {  	[sflag:s17] =	ssyncadd.s32 $0xFFFFEC00  }
0x46: {  	_ =	swait.ge [sflag:s18], $0x1400  }
0x47: {  	s19 =	sadd.s32 $0x1, s19;
	[sflag:s18] =	ssyncset.done $0x0  }
0x48: {  	p0 =	sne.s32 s19, s9;
	[sflag:s18] =	ssyncadd.s32 $0xFFFFEC00  }
.Ltmp1:
0x49: {  	[bflag:$0x0] =	sbarrier.arrive $0xFFFF;
	(pc) =	sbr.rel @p0 .LBB2_1-.Ltmp1, $4  }
0x4a: {  	[hbm:s8], [sflag:s5] =	dma.local [spmem:s12], $0x2780  }
0x4b: {  	_ =	swait.ge [sflag:s13], $0x2780  }
0x4c: {  	[sflag:s13] =	ssyncset.done $0x0  }
0x4d: {  	[sflag:s13] =	ssyncadd.s32 $0xFFFFD880  }
0x4e: {  	_ =	sfence.sel $0x180000  }
0x4f: {  	[bflag:$0x0] =	sbarrier.arrive $0xFFFF  }
0x50: {  	_ =	strace $0x90000047  }
0x51: {  	s0 =	stileid.u32;
	[bflag:$0x2] =	sbarrier.arrive $0xFFFF  }
0x52: {  	p0 =	sne.s32 s0, $0x0;
	s0 =	rddreg [dreg:$0x2]  }
0x53: {  	s0 =	sadd.s32 @!p0 $0x100000, s0  }
0x54: {  	[sflag:s0] =	ssyncadd.tile.s32 @!p0 $0x1;
	_ =	shalt  }
.Lfunc_end2:
_tile_overlayer_lowered:
.L_overlay_start_2:
0x55: {  	(tag) =	ssettag $0x2  }
0x56: {  	s0 =	rddreg [dreg:$0x0];
	s2 =	stileid.u32  }
0x57: {  	s1 =	rddreg [dreg:$0x1];
	p0 =	sne.s32 s2, $0x0  }
0x58: {  	s3 =	rddreg [dreg:$0x2];
	[bflag:$0x3] =	sbarrier.arrive $0xFFFF;
	s2 =	simm.s32 @!p0 $0x1C07  }
0x59: {  	[timem:s3], [sflag:s2] =	dma.local @!p0 [hbm:s0], s1  }
0x5a: {  	s0 =	simm.s32 @!p0 $0x7  }
0x5b: {  	_ =	swait.ge @!p0 [sflag:s0], s1  }
0x5c: {  	s1 =	ssub.s32 @!p0 $0x0, s1;
	[sflag:s0] =	ssyncset.done @!p0 $0x0  }
0x5d: {  	[sflag:s0] =	ssyncadd.s32 @!p0 s1  }
0x5e: {  	[bflag:$0x3] =	sbarrier.arrive $0xFFFF  }
0x5f: {  	_ =	shalt  }

// kernel: kernel.14.cloned.1.call-start
scs
__scs_entry_jumppad:
0x0: {  	(pc) =	sbr.rel $0x88, $3  }
0x1: {  	(tag) =	ssettag $0x0;
	lr =	simm.s32 $0x1  }
0x2: {  	[smem:$0x3F97] =	sst lr;
	_ =	strace $0xD0000000  }
0x3: {  	_ = 	snop  }
0x4: {  	_ = 	snop  }
0x5: {  	_ = 	snop  }
0x6: {  	_ = 	snop  }
0x7: {  	_ = 	snop  }
__scs_overlays_trampoline_lowered:
0x8: {  	[smem:$0x3FA6] =	sst s0  }
0x9: {  	[smem:$0x3FA7] =	sst s1  }
0xa: {  	[smem:$0x3FA8] =	sst s2  }
0xb: {  	[smem:$0x3FA9] =	sst s3  }
0xc: {  	[smem:$0x3FAA] =	sst s4  }
0xd: {  	[smem:$0x3FAB] =	sst s5  }
0xe: {  	[smem:$0x3FAC] =	sst s6  }
0xf: {  	[smem:$0x3FAD] =	sst s7  }
0x10: {  	[smem:$0x3FAE] =	sst s8  }
0x11: {  	[smem:$0x3FAF] =	sst s9;
	s0 =	simm.s32 @!p0 $0x0  }
0x12: {  	s1 =	sld [smem:$0x3F95];
	s0 =	simm.s32 @p0 $0x1  }
0x13: {  	[smem:$0x3FB0] =	sst s0;
	s0 =	simm.s32 @!p1 $0x0  }
0x14: {  	s2 =	sld [smem:$0x3F94];
	s0 =	simm.s32 @p1 $0x1  }
0x15: {  	[smem:$0x3FB1] =	sst s0;
	s0 =	simm.s32 @!p2 $0x0  }
0x16: {  	s3 =	sld [smem:$0x3FDB];
	s0 =	simm.s32 @p2 $0x1  }
0x17: {  	s4 =	simm.s32 $0x1BF5;
	[smem:$0x3FB3] =	sst s0  }
0x18: {  	s0 =	sld [smem:$0x3F96];
	_ =	swait.ge [sflag:s4], $0x0  }
0x19: {  	s7 =	sld [smem:$0x3F97]  }
0x1a: {  	s8 =	sadd.s32 $0xFFFFE003, lr  }
0x1b: {  	s9 =	sadd.s32 $0xFFFFFEF7, lr;
	s5 =	simm.s32 $0xFFFFFFFF;
	p2 =	slt.u32 s8, $0xFFFFF086  }
0x1c: {  	p1 =	slt.u32 s9, $0xF7A;
	s5 =	simm.s32 @!p2 $0x0  }
0x1d: {  	s5 =	simm.s32 @p1 $0x1;
	p0 =	seq.s32 s7, s2  }
0x1e: {  	s7 =	smul.u32 @!p0 $0xF7A, s2;
	p2 =	seq.s32 @!p0 s5, $0x0  }
0x1f: {  	s9 =	smul.u32 $0xF7A, s1;
	s8 =	simm.s32 @!p0 $0x1BF5;
	p2 =	por !p2, p0  }
0x20: {  	[sflag:s8] =	ssyncset.s32 @!p0 $0xFFFFF086;
	s6 =	sadd.s32 @!p0 s3, s7;
	s7 =	simm.s32 @!p0 $0x108  }
0x21: {  	s3 =	sadd.s32 s3, s9;
	s6 =	sadd.s32 @!p0 $0x88, s6;
	s7 =	simm.s32 @p2 $0x1082  }
0x22: {  	[simem:s7], [sflag:s8] =	dma.local @!p0 [hbm:s6], $0xF7A  }
0x23: {  	s9 =	sor.u32 $0xD0000000, s2;
	s6 =	simm.s32 $0x108;
	_ =	swait.ge @!p0 [sflag:s8], $0x0  }
0x24: {  	s3 =	sadd.s32 $0x88, s3;
	s6 =	simm.s32 @!p1 $0x1082;
	[sflag:s4] =	ssyncset.s32 $0xFFFFF086  }
0x25: {  	[simem:s6], [sflag:s4] =	dma.local [hbm:s3], $0xF7A  }
0x26: {  	[smem:$0x3F97] =	sst s1;
	(tag) =	ssettag s2;
	_ =	strace s9  }
0x27: {  	s1 =	sld [smem:$0x3FA7]  }
0x28: {  	s2 =	sld [smem:$0x3FA8]  }
0x29: {  	s4 =	sld [smem:$0x3FAA]  }
0x2a: {  	p0 =	seq.s32 s5, $0x0;
	s5 =	sld [smem:$0x3FAB]  }
0x2b: {  	s6 =	sld [smem:$0x3FAC]  }
0x2c: {  	s7 =	sld [smem:$0x3FAD]  }
0x2d: {  	s3 =	simm.s32 $0x108;
	s8 =	sld [smem:$0x3FAE]  }
0x2e: {  	s3 =	simm.s32 @!p0 $0x1082;
	s9 =	sld [smem:$0x3FAF]  }
0x2f: {  	lr =	sadd.s32 s0, s3;
	s0 =	sld [smem:$0x3FA6]  }
0x30: {  	s3 =	sld [smem:$0x3FA9]  }
0x31: {  	[smem:$0x3FB2] =	sst s10  }
0x32: {  	s10 =	sld [smem:$0x3FB0];
	_ =	sdelay $0x3  }
0x33: {  	p0 =	seq.s32 s10, $0x1;
	s10 =	sld [smem:$0x3FB2];
	_ =	sdelay $0x3  }
0x34: {  	[smem:$0x3FB2] =	sst s10  }
0x35: {  	s10 =	sld [smem:$0x3FB1];
	_ =	sdelay $0x3  }
0x36: {  	p1 =	seq.s32 s10, $0x1;
	s10 =	sld [smem:$0x3FB2];
	_ =	sdelay $0x3  }
0x37: {  	[smem:$0x3FB2] =	sst s10  }
0x38: {  	s10 =	sld [smem:$0x3FB3]  }
0x39: {  	_ = 	snop;
	(pc) =	sbr.ind lr, $3  }
0x3a: {  	_ = 	snop  }
0x3b: {  	_ = 	snop  }
0x3c: {  	p2 =	seq.s32 s10, $0x1;
	s10 =	sld [smem:$0x3FB2]  }
0x3d: {  	_ =	shalt  }
0x3e: {  	_ =	shalt  }
0x3f: {  	_ =	shalt  }
0x40: {  	_ =	shalt  }
0x41: {  	_ =	shalt  }
0x42: {  	_ =	shalt  }
0x43: {  	_ =	shalt  }
0x44: {  	_ =	shalt  }
0x45: {  	_ =	shalt  }
0x46: {  	_ =	shalt  }
0x47: {  	_ =	shalt  }
0x48: {  	_ =	shalt  }
0x49: {  	_ =	shalt  }
0x4a: {  	_ =	shalt  }
0x4b: {  	_ =	shalt  }
0x4c: {  	_ =	shalt  }
0x4d: {  	_ =	shalt  }
0x4e: {  	_ =	shalt  }
0x4f: {  	_ =	shalt  }
0x50: {  	_ =	shalt  }
0x51: {  	_ =	shalt  }
0x52: {  	_ =	shalt  }
0x53: {  	_ =	shalt  }
0x54: {  	_ =	shalt  }
0x55: {  	_ =	shalt  }
0x56: {  	_ =	shalt  }
0x57: {  	_ =	shalt  }
0x58: {  	_ =	shalt  }
0x59: {  	_ =	shalt  }
0x5a: {  	_ =	shalt  }
0x5b: {  	_ =	shalt  }
0x5c: {  	_ =	shalt  }
0x5d: {  	_ =	shalt  }
0x5e: {  	_ =	shalt  }
0x5f: {  	_ =	shalt  }
0x60: {  	_ =	shalt  }
0x61: {  	_ =	shalt  }
0x62: {  	_ =	shalt  }
0x63: {  	_ =	shalt  }
0x64: {  	_ =	shalt  }
0x65: {  	_ =	shalt  }
0x66: {  	_ =	shalt  }
0x67: {  	_ =	shalt  }
0x68: {  	_ =	shalt  }
0x69: {  	_ =	shalt  }
0x6a: {  	_ =	shalt  }
0x6b: {  	_ =	shalt  }
0x6c: {  	_ =	shalt  }
0x6d: {  	_ =	shalt  }
0x6e: {  	_ =	shalt  }
0x6f: {  	_ =	shalt  }
0x70: {  	_ =	shalt  }
0x71: {  	_ =	shalt  }
0x72: {  	_ =	shalt  }
0x73: {  	_ =	shalt  }
0x74: {  	_ =	shalt  }
0x75: {  	_ =	shalt  }
0x76: {  	_ =	shalt  }
0x77: {  	_ =	shalt  }
0x78: {  	_ =	shalt  }
0x79: {  	_ =	shalt  }
0x7a: {  	_ =	shalt  }
0x7b: {  	_ =	shalt  }
0x7c: {  	_ =	shalt  }
0x7d: {  	_ =	shalt  }
0x7e: {  	_ =	shalt  }
0x7f: {  	_ =	shalt  }
0x80: {  	_ =	shalt  }
0x81: {  	_ =	shalt  }
0x82: {  	_ =	shalt  }
0x83: {  	_ =	shalt  }
0x84: {  	_ =	shalt  }
0x85: {  	_ =	shalt  }
0x86: {  	_ =	shalt  }
0x87: {  	_ =	shalt  }
.Lfunc_end0:
.L_simem_size_0:
called_computation.1_lowered:
.L_overlay_start_0:
0x88: {  	s2 =	sld [smem:$0x3FD9]  }
0x89: {  	s3 =	sld [smem:$0x3FFE];
	_ =	sdelay $0x1  }
0x8a: {  	s1 =	srdreg.scid  }
0x8b: {  	s0 =	sand.u32 $0x1, s1  }
0x8c: {  	s16 =	sshll.u32 s0, $0xA;
	s2 =	sadd.s32 s3, s2  }
0x8d: {  	s2 =	sadd.s32 s2, s16  }
0x8e: {  	[smem:$0x3FBE] =	sst s2  }
0x8f: {  	_ = 	snop  }
0x90: {  	(tm) =	ssettm $0x1  }
0x91: {  	s17 =	sld [smem:$0x3FFB];
	_ =	sdelay $0x3  }
0x92: {  	_ =	strace s17  }
0x93: {  	s2 =	sld [smem:$0x3FFC];
	_ =	sdelay $0x3  }
0x94: {  	_ =	strace s2  }
0x95: {  	s2 =	sld [smem:$0x3FFD];
	_ =	sdelay $0x3  }
0x96: {  	_ =	strace s2  }
0x97: {  	_ =	strace $0x8FFFFFFF  }
0x98: {  	s18 =	sld [smem:$0x3FDB];
	_ =	sdelay $0x1  }
0x99: {  	s19 =	simm.s32 $_scs_section_size  }
0x9a: {  	s4 =	simm.s32 $_size__tile_overlayer_lowered;
	s5 =	simm.s32 $_tile_overlayer_lowered  }
0x9b: {  	s22 =	simm.s32 $0x1BFF;
	s21 =	sshll.u32 s5, $0x1;
	s2 =	sadd.s32 s19, s18  }
0x9c: {  	s6 =	simm.s32 $0x0;
	s20 =	sshll.u32 s4, $0x1;
	s4 =	sadd.s32 s21, s2  }
0x9d: {  	[timem:s6], [sflag:s22] =	dma.local [hbm:s4], s20  }
0x9e: {  	_ =	swait.ge [sflag:s22], s20  }
0x9f: {  	s3 =	ssub.s32 $0x0, s20;
	[sflag:s22] =	ssyncset.done $0x0  }
0xa0: {  	[sflag:s22] =	ssyncadd.s32 s3;
	_ =	sdelay $0x1  }
0xa1: {  	s23 =	simm.s32 $0x1B8B  }
0xa2: {  	_ =	swait.ge [sflag:s23], $0x1  }
0xa3: {  	[sflag:s23] =	ssyncset.done $0x0  }
0xa4: {  	s25 =	simm.s32 $0x1B8E;
	s24 =	sld [smem:$0x3FFE];
	[sflag:s23] =	ssyncadd.s32 $0xFFFFFFFF  }
0xa5: {  	s26 =	simm.s32 $execute0_lowered;
	[smem:$0x3FD2] =	sst s25  }
0xa6: {  	s4 =	sshll.u32 s26, $0x1;
	_ =	strace $0x80000049;
	[dreg:$0x1] =	wrdreg $0xFFFFFFFF  }
0xa7: {  	s28 =	simm.s32 $_size_execute0_lowered;
	s2 =	sadd.s32 s2, s4;
	[dreg:$0x0] =	wrdreg $0x0  }
0xa8: {  	s4 =	sshll.u32 s28, $0x1;
	[dreg:$0x2] =	wrdreg s2  }
0xa9: {  	[dreg:$0x3] =	wrdreg s4  }
0xaa: {  	[dreg:$0x4] =	wrdreg $0xC0  }
0xab: {  	_ =	task [dreg:s6], $0x5FFFF  }
0xac: {  	[dreg:$0x1] =	wrdreg $0xFFFFFFFF  }
0xad: {  	[dreg:$0x0] =	wrdreg $0x60  }
0xae: {  	[dreg:$0x2] =	wrdreg s24  }
0xaf: {  	[dreg:$0x3] =	wrdreg $0x7B000  }
0xb0: {  	[dreg:$0x4] =	wrdreg $0x9  }
0xb1: {  	_ =	task.clear_ibuf [dreg:s6], $0x5FFFF;
	_ =	strace $0x90000049  }
0xb2: {  	s29 =	simm.s32 $0x9;
	_ =	strace $0x8000004B  }
0xb3: {  	_ =	swait.ge [sflag:s29], $0x1  }
0xb4: {  	[sflag:s29] =	ssyncadd.s32 $0xFFFFFFFF  }
0xb5: {  	_ =	strace $0x9000004B  }
0xb6: {  	_ =	sfence  }
0xb7: {  	s30 =	sld [smem:$0x0];
	_ =	sdelay $0x2  }
0xb8: {  	s31 =	sshll.u32 s1, $0xD;
	s1 =	sshrl.u32 s1, $0x2  }
0xb9: {  	s3 =	sand.u32 $0x4000, s31;
	s1 =	sadd.s32 s1, s30  }
0xba: {  	s0 =	sor.u32 s3, s0;
	s1 =	sshll.u32 s1, $0x11  }
0xbb: {  	s0 =	sor.u32 s1, s0  }
0xbc: {  	s0 =	sadd.s32 $0x8F2B, s0  }
0xbd: {  	[sflag:s0] =	ssyncadd.remote.s32 $0x1  }
0xbe: {  	_ =	sfence.sel $0xFFFF  }
0xbf: {  	[dreg:$0x0] =	wrdreg $0xFFFFFFFF;
	(pc) =	sbr.abs _section_cstart, $3  }
0xc0: {  	[dreg:$0x1] =	wrdreg $0xFFFFFFFF  }
0xc1: {  	_ =	task.clear_ibuf [dreg:s6], $0x2FFFF;
	_ =	strace $0x9FFFFFFF  }
0xc2: {  	(tm) =	ssettm $0x7FFFFFFF  }
0xc3: {  	_ =	shalt  }
tec
execute0_lowered:
.L_overlay_start_1:
0x0: {  	(tag) =	ssettag $0x1  }
0x1: {  	s8 =	rddreg [dreg:$0x0]  }
0x2: {  	s1 =	rddreg [dreg:$0x1];
	s3 =	simm.s32 $0x0  }
0x3: {  	s2 =	srdreg.scid;
	s0 =	stileid.u32;
	s17 =	simm.s32 $0x28  }
0x4: {  	s18 =	simm.s32 $0x7;
	s19 =	simm.s32 $0x8;
	s20 =	simm.s32 $0x9  }
0x5: {  	s21 =	simm.s32 $0x0;
	[smem:$0x7FF] =	sst s3;
	s9 =	sand.u32 $0x1, s2  }
0x6: {  	s11 =	smul.u32 $0x13C00, s0;
	s4 =	sadd.s32 $0x5A00, s8;
	s5 =	sadd.s32 $0x18ABA00, s8  }
0x7: {  	s6 =	sadd.s32 $0x4E5200, s8;
	s23 =	sadd.s32 $0x3200, s8;
	s25 =	smul.u32 $0x4F000, s0  }
0x8: {  	s26 =	sshll.u32 s0, $0x6;
	s10 =	smul.u32 $0x13C000, s9;
	_ =	strace $0x8000004A  }
0x9: {  	[dreg:$0x3] =	wrdreg s23;
	s24 =	ssub.s32 $0x2, s9;
	s9 =	sshll.u32 s9, $0x4  }
0xa: {  	s12 =	sshrl.u32 s24, $0x1;
	s13 =	sor.u32 s0, s9;
	s10 =	sadd.s32 s11, s10  }
0xb: {  	s9 =	sshrl.u32 s25, $0x2;
	s28 =	smul.u32 $0x27100, s13;
	s10 =	sshrl.u32 s10, $0x3  }
0xc: {  	s15 =	ssub.s32 s24, s12;
	s14 =	sadd.s32 s10, s8;
	s8 =	smul.u32 $0xFA00, s13  }
0xd: {  	s16 =	sadd.s32 s9, s1;
	s9 =	sor.u32 $0x1C0A, s26;
	s31 =	sadd.s32 s5, s28  }
0xe: {  	s11 =	smul.u32 $0x2710, s13;
	[dreg:$0x5] =	wrdreg s31;
	s29 =	sshrl.u32 s8, $0x3  }
0xf: {  	s13 =	sadd.s32 $0x2D200, s14;
	s14 =	smax.u32 s15, $0x1;
	s30 =	sadd.s32 s6, s29  }
0x10: {  	s15 =	sshrl.u32 s16, $0x3;
	s16 =	simm.s32 $0xA;
	[dreg:$0x4] =	wrdreg s30  }
.LBB2_1:
0x11: {  	s0 =	rddreg [dreg:$0x3]  }
0x12: {  	[spmem:s15], [sflag:s9] =	dma.local [hbm:s0], $0x2780  }
0x13: {  	_ =	swait.ge [sflag:s16], $0x2780  }
0x14: {  	[sflag:s16] =	ssyncset.done $0x0  }
0x15: {  	[sflag:s16] =	ssyncadd.s32 $0xFFFFD880  }
0x16: {  	[bflag:$0x0] =	sbarrier.arrive $0xFFFF  }
0x17: {  	s30 =	rddreg [dreg:$0x4]  }
0x18: {  	[tilespmem:s3], [sflag:$0xA] =	stream.linear.gather [hbm4b:s30+s3], $0x100, $0x38;
	[tilespmem:$0x1B700] =	vst v63  }
0x19: {  	_ =	swait.ge [sflag:s16], $0x100  }
0x1a: {  	[sflag:s16] =	ssyncset.done $0x0  }
0x1b: {  	s22 =	simm.s32 $0x300;
	[sflag:s16] =	ssyncadd.s32 $0xFFFFFF00  }
0x1c: {  	[tilespmem:s22], [sflag:$0x1] =	stream.indirect.gather [hbm4b:s4+s17], $0x80, s3, s17, $0xb8;
	[tilespmem:$0x1B700] =	vst v63  }
0x1d: {  	s23 =	simm.s32 $0x3F00;
	s24 =	simm.s32 $0x0;
	s31 =	rddreg [dreg:$0x5]  }
0x1e: {  	[tilespmem:s23], [sflag:$0x4] =	stream.linear.gather [hbm4b:s31+s3], $0x1400, $0x38;
	[tilespmem:$0x1B700] =	vst v63  }
.LBB2_2:
0x1f: {  	s25 =	smov.u32 s24;
	s24 =	sadd.s32 $0x1, s24  }
0x20: {  	s26 =	sand.u32 $0xFF, s24  }
0x21: {  	s26 =	smul.u32 $0xAB, s26;
	_ =	sdelay $0x1  }
0x22: {  	s26 =	sshrl.u32 s26, $0x9  }
0x23: {  	s26 =	smul.u32 $0x3, s26  }
0x24: {  	p0 =	seq.s32 s25, $0xF9  }
0x25: {  	p1 =	slt.u32 @!p0 s25, $0x2;
	s26 =	ssub.s32 s24, s26  }
0x26: {  	s30 =	smul.u32 $0xAB, s25;
	p1 =	por p1, p0;
	s26 =	sand.u32 $0xFF, s26  }
0x27: {  	s2 =	smulhi.u32 $0xAAAAAAAB, s25;
	s28 =	sadd.s32 @!p1 $0x7, s26  }
0x28: {  	s29 =	sshll.u32 @!p0 s24, $0x8;
	s31 =	simm.s32 @!p0 $0x0;
	_ =	swait.ge @!p1 [sflag:s28], $0x1400  }
0x29: {  	s12 =	smul.u32 @!p0 $0x28, s24;
	s29 =	sadd.s32 @!p0 s8, s29;
	[sflag:s28] =	ssyncset.done @!p1 $0x0  }
0x2a: {  	s30 =	sshrl.u32 s30, $0x9;
	[sflag:s28] =	ssyncadd.s32 @!p1 $0xFFFFEC00;
	s28 =	sshrl.u32 @!p0 s29, $0x3  }
0x2b: {  	s30 =	sand.u32 $0x7F, s30;
	s29 =	sshll.u32 @!p0 s26, $0x8;
	s28 =	sadd.s32 @!p0 s6, s28  }
0x2c: {  	[tilespmem:s29], [sflag:$0xA] =	stream.linear.gather @!p0 [hbm4b:s28+s31], $0x100, $0x38;
	[tilespmem:$0x1B700] =	vst v63  }
0x2d: {  	s10 =	simm.s32 @!p0 $0x28;
	s30 =	smul.u32 $0x3, s30;
	s28 =	simm.s32 @!p0 $0xA  }
0x2e: {  	s2 =	sshrl.u32 s2, $0x1;
	s0 =	smul.u32 @!p0 $0x1400, s26;
	_ =	swait.ge @!p0 [sflag:s28], $0x100  }
0x2f: {  	s2 =	smul.u32 $0xFFFF1000, s2;
	s30 =	ssub.s32 s25, s30;
	[sflag:s28] =	ssyncset.done @!p0 $0x0  }
0x30: {  	s7 =	sadd.s32 @!p0 $0x1, s26;
	[sflag:s28] =	ssyncadd.s32 @!p0 $0xFFFFFF00;
	s28 =	sor.u32 @!p0 $0x300, s0  }
0x31: {  	[tilespmem:s28], [sflag:s7] =	stream.indirect.gather @!p0 [hbm4b:s4+s10], $0x80, s29, s10, $0xb8;
	[tilespmem:$0x1B700] =	vst v63  }
0x32: {  	s25 =	sand.u32 $0xFF, s30;
	s10 =	sadd.s32 @!p0 s11, s12  }
0x33: {  	s0 =	sadd.s32 @!p0 $0x3F00, s0;
	s12 =	sshra.s32 s2, $0x2;
	s7 =	sshll.u32 @!p0 s10, $0x4  }
0x34: {  	s10 =	sadd.s32 @!p0 $0x4, s26;
	s26 =	sadd.s32 $0x1, s25;
	s7 =	sadd.s32 @!p0 s5, s7  }
0x35: {  	[tilespmem:s0], [sflag:s10] =	stream.linear.gather @!p0 [hbm4b:s7+s31], $0x1400, $0x38;
	[tilespmem:$0x1B700] =	vst v63  }
0x36: {  	s30 =	sadd.s32 s12, s22;
	_ =	swait.ge [sflag:s26], $0x1400  }
0x37: {  	v0 =	vmov s30;
	s0 =	sadd.s32 s12, s23;
	[sflag:s26] =	ssyncset.done $0x0  }
0x38: {  	s31 =	sadd.s32 $0x4, s25;
	v1 =	vmov s0;
	[sflag:s26] =	ssyncadd.s32 $0xFFFFEC00  }
0x39: {  	_ =	swait.ge [sflag:s31], $0x1400  }
0x3a: {  	[sflag:s31] =	ssyncset.done $0x0  }
0x3b: {  	s26 =	simm.s32 $0x0;
	[sflag:s31] =	ssyncadd.s32 $0xFFFFEC00  }
0x3c: {  	v2 =	vld.idx.msk [tilespmem:v0+s26+$0x0 ss:$0x1], $0xffff  }
0x3d: {  	v3 =	vld.idx.msk [tilespmem:v1+s26+$0x0 ss:$0x1], $0xffff;
	_ =	sdelay $0x4  }
0x3e: {  	v2 =	vmul.f32 v3, v2;
	_ =	sdelay $0x1  }
0x3f: {  	[tilespmem:v0+s26+$0x0 ss:$0x1] =	vst.idx.msk $0xffff, v2  }
0x40: {  	v2 =	vld.idx.msk [tilespmem:v0+s26+$0x10 ss:$0x1], $0xffff  }
0x41: {  	v3 =	vld.idx.msk [tilespmem:v1+s26+$0x10 ss:$0x1], $0xffff;
	_ =	sdelay $0x4  }
0x42: {  	v2 =	vmul.f32 v3, v2;
	_ =	sdelay $0x1  }
0x43: {  	[tilespmem:v0+s26+$0x10 ss:$0x1] =	vst.idx.msk $0xffff, v2  }
0x44: {  	v2 =	vld.idx.msk [tilespmem:v0+s26+$0x20 ss:$0x1], $0xffff  }
0x45: {  	v3 =	vld.idx.msk [tilespmem:v1+s26+$0x20 ss:$0x1], $0xffff;
	_ =	sdelay $0x4  }
0x46: {  	v2 =	vmul.f32 v3, v2;
	_ =	sdelay $0x1  }
0x47: {  	[tilespmem:v0+s26+$0x20 ss:$0x1] =	vst.idx.msk $0xffff, v2  }
0x48: {  	v2 =	vld.idx.msk [tilespmem:v0+s26+$0x30 ss:$0x1], $0xffff  }
0x49: {  	v3 =	vld.idx.msk [tilespmem:v1+s26+$0x30 ss:$0x1], $0xffff;
	_ =	sdelay $0x4  }
0x4a: {  	v2 =	vmul.f32 v3, v2;
	_ =	sdelay $0x1  }
0x4b: {  	[tilespmem:v0+s26+$0x30 ss:$0x1] =	vst.idx.msk $0xffff, v2  }
0x4c: {  	v2 =	vld.idx.msk [tilespmem:v0+s26+$0x40 ss:$0x1], $0xffff  }
0x4d: {  	v3 =	vld.idx.msk [tilespmem:v1+s26+$0x40 ss:$0x1], $0xffff;
	_ =	sdelay $0x4  }
0x4e: {  	v2 =	vmul.f32 v3, v2;
	_ =	sdelay $0x1  }
0x4f: {  	[tilespmem:v0+s26+$0x40 ss:$0x1] =	vst.idx.msk $0xffff, v2  }
0x50: {  	v2 =	vld.idx.msk [tilespmem:v0+s26+$0x50 ss:$0x1], $0xffff  }
0x51: {  	v3 =	vld.idx.msk [tilespmem:v1+s26+$0x50 ss:$0x1], $0xffff;
	_ =	sdelay $0x4  }
0x52: {  	v2 =	vmul.f32 v3, v2;
	_ =	sdelay $0x1  }
0x53: {  	[tilespmem:v0+s26+$0x50 ss:$0x1] =	vst.idx.msk $0xffff, v2  }
0x54: {  	v2 =	vld.idx.msk [tilespmem:v0+s26+$0x60 ss:$0x1], $0xffff  }
0x55: {  	v3 =	vld.idx.msk [tilespmem:v1+s26+$0x60 ss:$0x1], $0xffff;
	_ =	sdelay $0x4  }
0x56: {  	v2 =	vmul.f32 v3, v2;
	_ =	sdelay $0x1  }
0x57: {  	[tilespmem:v0+s26+$0x60 ss:$0x1] =	vst.idx.msk $0xffff, v2  }
0x58: {  	s28 =	smul.u32 $0x1400, s25;
	s29 =	simm.s32 $0x200;
	v2 =	vld.idx.msk [tilespmem:v0+s26+$0x70 ss:$0x1], $0xffff  }
.LBB2_3:
0x59: {  	p0 =	sne.s32 s29, $0x4E00;
	v3 =	vld.idx.msk [tilespmem:v1+s26+$0x70 ss:$0x1], $0xffff;
	s0 =	smov.u32 s29;
	s29 =	sadd.s32 $0x200, s29  }
0x5a: {  	_ =	sdelay $0x4  }
0x5b: {  	v2 =	vmul.f32 v3, v2;
	_ =	sdelay $0x1  }
0x5c: {  	[tilespmem:v0+s26+$0x70 ss:$0x1] =	vst.idx.msk $0xffff, v2;
	s26 =	sshra.s32 s0, $0x2  }
0x5d: {  	v2 =	vld.idx.msk [tilespmem:v0+s26+$0x0 ss:$0x1], $0xffff  }
0x5e: {  	v3 =	vld.idx.msk [tilespmem:v1+s26+$0x0 ss:$0x1], $0xffff;
	_ =	sdelay $0x5  }
0x5f: {  	v2 =	vmul.f32 v3, v2;
	_ =	sdelay $0x1  }
0x60: {  	[tilespmem:v0+s26+$0x0 ss:$0x1] =	vst.idx.msk $0xffff, v2  }
0x61: {  	v2 =	vld.idx.msk [tilespmem:v0+s26+$0x10 ss:$0x1], $0xffff  }
0x62: {  	v3 =	vld.idx.msk [tilespmem:v1+s26+$0x10 ss:$0x1], $0xffff;
	_ =	sdelay $0x5  }
0x63: {  	v2 =	vmul.f32 v3, v2;
	_ =	sdelay $0x1  }
0x64: {  	[tilespmem:v0+s26+$0x10 ss:$0x1] =	vst.idx.msk $0xffff, v2  }
0x65: {  	v2 =	vld.idx.msk [tilespmem:v0+s26+$0x20 ss:$0x1], $0xffff  }
0x66: {  	v3 =	vld.idx.msk [tilespmem:v1+s26+$0x20 ss:$0x1], $0xffff;
	_ =	sdelay $0x5  }
0x67: {  	v2 =	vmul.f32 v3, v2;
	_ =	sdelay $0x1  }
0x68: {  	[tilespmem:v0+s26+$0x20 ss:$0x1] =	vst.idx.msk $0xffff, v2  }
0x69: {  	v2 =	vld.idx.msk [tilespmem:v0+s26+$0x30 ss:$0x1], $0xffff  }
0x6a: {  	v3 =	vld.idx.msk [tilespmem:v1+s26+$0x30 ss:$0x1], $0xffff;
	_ =	sdelay $0x5  }
0x6b: {  	v2 =	vmul.f32 v3, v2;
	_ =	sdelay $0x1  }
0x6c: {  	[tilespmem:v0+s26+$0x30 ss:$0x1] =	vst.idx.msk $0xffff, v2  }
0x6d: {  	v2 =	vld.idx.msk [tilespmem:v0+s26+$0x40 ss:$0x1], $0xffff  }
0x6e: {  	v3 =	vld.idx.msk [tilespmem:v1+s26+$0x40 ss:$0x1], $0xffff;
	_ =	sdelay $0x5  }
0x6f: {  	v2 =	vmul.f32 v3, v2;
	_ =	sdelay $0x1  }
0x70: {  	[tilespmem:v0+s26+$0x40 ss:$0x1] =	vst.idx.msk $0xffff, v2  }
0x71: {  	v2 =	vld.idx.msk [tilespmem:v0+s26+$0x50 ss:$0x1], $0xffff  }
0x72: {  	v3 =	vld.idx.msk [tilespmem:v1+s26+$0x50 ss:$0x1], $0xffff;
	_ =	sdelay $0x5  }
0x73: {  	v2 =	vmul.f32 v3, v2;
	_ =	sdelay $0x1  }
0x74: {  	[tilespmem:v0+s26+$0x50 ss:$0x1] =	vst.idx.msk $0xffff, v2  }
0x75: {  	v2 =	vld.idx.msk [tilespmem:v0+s26+$0x60 ss:$0x1], $0xffff  }
0x76: {  	v3 =	vld.idx.msk [tilespmem:v1+s26+$0x60 ss:$0x1], $0xffff;
	_ =	sdelay $0x4  }
.Ltmp0:
0x77: {  	(pc) =	sbr.rel @p0 .LBB2_3-.Ltmp0, $3  }
0x78: {  	v2 =	vmul.f32 v3, v2;
	_ =	sdelay $0x1  }
0x79: {  	[tilespmem:v0+s26+$0x60 ss:$0x1] =	vst.idx.msk $0xffff, v2  }
0x7a: {  	v2 =	vld.idx.msk [tilespmem:v0+s26+$0x70 ss:$0x1], $0xffff  }
0x7b: {  	_ =	sdelay $0x3  }
0x7c: {  	v1 =	vld.idx.msk [tilespmem:v1+s26+$0x70 ss:$0x1], $0xffff;
	_ =	sdelay $0x2  }
0x7d: {  	p0 =	sne.s32 s24, $0xFA  }
.Ltmp1:
0x7e: {  	_ = 	snop;
	(pc) =	sbr.rel @p0 .LBB2_2-.Ltmp1, $4  }
0x7f: {  	v1 =	vmul.f32 v1, v2  }
0x80: {  	s0 =	sshll.u32 s25, $0x8;
	s2 =	sadd.s32 $0x300, s28;
	s7 =	sadd.s32 $0x7, s25  }
0x81: {  	s23 =	sadd.s32 $0x1400, s23;
	s22 =	sadd.s32 $0x1400, s22;
	s0 =	sor.u32 $0x80, s0;
	[tilespmem:v0+s26+$0x70 ss:$0x1] =	vst.idx.msk $0xffff, v1  }
0x82: {  	[spmem:s1] =	stream.indirect.scatter.add.f32 [tilespmem:s2], [sflag:s7], $0x80, s0, s17, $0xb8;
	[tilespmem:$0x1B700] =	vst v63  }
0x83: {  	_ =	swait.ge [sflag:s18], $0x1400  }
0x84: {  	[sflag:s18] =	ssyncset.done $0x0  }
0x85: {  	[sflag:s18] =	ssyncadd.s32 $0xFFFFEC00  }
0x86: {  	_ =	swait.ge [sflag:s19], $0x1400  }
0x87: {  	[sflag:s19] =	ssyncset.done $0x0  }
0x88: {  	[sflag:s19] =	ssyncadd.s32 $0xFFFFEC00  }
0x89: {  	_ =	swait.ge [sflag:s20], $0x1400  }
0x8a: {  	s21 =	sadd.s32 $0x1, s21;
	[sflag:s20] =	ssyncset.done $0x0  }
0x8b: {  	p0 =	sne.s32 s21, s14;
	[sflag:s20] =	ssyncadd.s32 $0xFFFFEC00  }
.Ltmp2:
0x8c: {  	[bflag:$0x0] =	sbarrier.arrive $0xFFFF;
	(pc) =	sbr.rel @p0 .LBB2_1-.Ltmp2, $4  }
0x8d: {  	[hbm:s13], [sflag:s9] =	dma.local [spmem:s15], $0x2780  }
0x8e: {  	_ =	swait.ge [sflag:s16], $0x2780  }
0x8f: {  	[sflag:s16] =	ssyncset.done $0x0  }
0x90: {  	[sflag:s16] =	ssyncadd.s32 $0xFFFFD880  }
0x91: {  	_ =	sfence.sel $0x180000  }
0x92: {  	[bflag:$0x0] =	sbarrier.arrive $0xFFFF  }
0x93: {  	_ =	strace $0x9000004A  }
0x94: {  	s0 =	stileid.u32;
	[bflag:$0x2] =	sbarrier.arrive $0xFFFF  }
0x95: {  	p0 =	sne.s32 s0, $0x0;
	s0 =	rddreg [dreg:$0x2]  }
0x96: {  	s0 =	sadd.s32 @!p0 $0x100000, s0  }
0x97: {  	[sflag:s0] =	ssyncadd.tile.s32 @!p0 $0x1;
	_ =	shalt  }
.Lfunc_end2:
_tile_overlayer_lowered:
.L_overlay_start_2:
0x98: {  	(tag) =	ssettag $0x2  }
0x99: {  	s0 =	rddreg [dreg:$0x0];
	s2 =	stileid.u32  }
0x9a: {  	s1 =	rddreg [dreg:$0x1];
	p0 =	sne.s32 s2, $0x0  }
0x9b: {  	s3 =	rddreg [dreg:$0x2];
	[bflag:$0x3] =	sbarrier.arrive $0xFFFF;
	s2 =	simm.s32 @!p0 $0x1C0A  }
0x9c: {  	[timem:s3], [sflag:s2] =	dma.local @!p0 [hbm:s0], s1  }
0x9d: {  	s0 =	simm.s32 @!p0 $0xA  }
0x9e: {  	_ =	swait.ge @!p0 [sflag:s0], s1  }
0x9f: {  	s1 =	ssub.s32 @!p0 $0x0, s1;
	[sflag:s0] =	ssyncset.done @!p0 $0x0  }
0xa0: {  	[sflag:s0] =	ssyncadd.s32 @!p0 s1  }
0xa1: {  	[bflag:$0x3] =	sbarrier.arrive $0xFFFF  }
0xa2: {  	_ =	shalt  }

// kernel: kernel.17.cloned.1.call-start
scs
__scs_entry_jumppad:
0x0: {  	(pc) =	sbr.rel $0x88, $3  }
0x1: {  	(tag) =	ssettag $0x0;
	lr =	simm.s32 $0x1  }
0x2: {  	[smem:$0x3F97] =	sst lr;
	_ =	strace $0xD0000000  }
0x3: {  	_ = 	snop  }
0x4: {  	_ = 	snop  }
0x5: {  	_ = 	snop  }
0x6: {  	_ = 	snop  }
0x7: {  	_ = 	snop  }
__scs_overlays_trampoline_lowered:
0x8: {  	[smem:$0x3FA6] =	sst s0  }
0x9: {  	[smem:$0x3FA7] =	sst s1  }
0xa: {  	[smem:$0x3FA8] =	sst s2  }
0xb: {  	[smem:$0x3FA9] =	sst s3  }
0xc: {  	[smem:$0x3FAA] =	sst s4  }
0xd: {  	[smem:$0x3FAB] =	sst s5  }
0xe: {  	[smem:$0x3FAC] =	sst s6  }
0xf: {  	[smem:$0x3FAD] =	sst s7  }
0x10: {  	[smem:$0x3FAE] =	sst s8  }
0x11: {  	[smem:$0x3FAF] =	sst s9;
	s0 =	simm.s32 @!p0 $0x0  }
0x12: {  	s1 =	sld [smem:$0x3F95];
	s0 =	simm.s32 @p0 $0x1  }
0x13: {  	[smem:$0x3FB0] =	sst s0;
	s0 =	simm.s32 @!p1 $0x0  }
0x14: {  	s2 =	sld [smem:$0x3F94];
	s0 =	simm.s32 @p1 $0x1  }
0x15: {  	[smem:$0x3FB1] =	sst s0;
	s0 =	simm.s32 @!p2 $0x0  }
0x16: {  	s3 =	sld [smem:$0x3FDB];
	s0 =	simm.s32 @p2 $0x1  }
0x17: {  	s4 =	simm.s32 $0x1BF5;
	[smem:$0x3FB3] =	sst s0  }
0x18: {  	s0 =	sld [smem:$0x3F96];
	_ =	swait.ge [sflag:s4], $0x0  }
0x19: {  	s7 =	sld [smem:$0x3F97]  }
0x1a: {  	s8 =	sadd.s32 $0xFFFFE003, lr  }
0x1b: {  	s9 =	sadd.s32 $0xFFFFFEF7, lr;
	s5 =	simm.s32 $0xFFFFFFFF;
	p2 =	slt.u32 s8, $0xFFFFF086  }
0x1c: {  	p1 =	slt.u32 s9, $0xF7A;
	s5 =	simm.s32 @!p2 $0x0  }
0x1d: {  	s5 =	simm.s32 @p1 $0x1;
	p0 =	seq.s32 s7, s2  }
0x1e: {  	s7 =	smul.u32 @!p0 $0xF7A, s2;
	p2 =	seq.s32 @!p0 s5, $0x0  }
0x1f: {  	s9 =	smul.u32 $0xF7A, s1;
	s8 =	simm.s32 @!p0 $0x1BF5;
	p2 =	por !p2, p0  }
0x20: {  	[sflag:s8] =	ssyncset.s32 @!p0 $0xFFFFF086;
	s6 =	sadd.s32 @!p0 s3, s7;
	s7 =	simm.s32 @!p0 $0x108  }
0x21: {  	s3 =	sadd.s32 s3, s9;
	s6 =	sadd.s32 @!p0 $0x88, s6;
	s7 =	simm.s32 @p2 $0x1082  }
0x22: {  	[simem:s7], [sflag:s8] =	dma.local @!p0 [hbm:s6], $0xF7A  }
0x23: {  	s9 =	sor.u32 $0xD0000000, s2;
	s6 =	simm.s32 $0x108;
	_ =	swait.ge @!p0 [sflag:s8], $0x0  }
0x24: {  	s3 =	sadd.s32 $0x88, s3;
	s6 =	simm.s32 @!p1 $0x1082;
	[sflag:s4] =	ssyncset.s32 $0xFFFFF086  }
0x25: {  	[simem:s6], [sflag:s4] =	dma.local [hbm:s3], $0xF7A  }
0x26: {  	[smem:$0x3F97] =	sst s1;
	(tag) =	ssettag s2;
	_ =	strace s9  }
0x27: {  	s1 =	sld [smem:$0x3FA7]  }
0x28: {  	s2 =	sld [smem:$0x3FA8]  }
0x29: {  	s4 =	sld [smem:$0x3FAA]  }
0x2a: {  	p0 =	seq.s32 s5, $0x0;
	s5 =	sld [smem:$0x3FAB]  }
0x2b: {  	s6 =	sld [smem:$0x3FAC]  }
0x2c: {  	s7 =	sld [smem:$0x3FAD]  }
0x2d: {  	s3 =	simm.s32 $0x108;
	s8 =	sld [smem:$0x3FAE]  }
0x2e: {  	s3 =	simm.s32 @!p0 $0x1082;
	s9 =	sld [smem:$0x3FAF]  }
0x2f: {  	lr =	sadd.s32 s0, s3;
	s0 =	sld [smem:$0x3FA6]  }
0x30: {  	s3 =	sld [smem:$0x3FA9]  }
0x31: {  	[smem:$0x3FB2] =	sst s10  }
0x32: {  	s10 =	sld [smem:$0x3FB0];
	_ =	sdelay $0x3  }
0x33: {  	p0 =	seq.s32 s10, $0x1;
	s10 =	sld [smem:$0x3FB2];
	_ =	sdelay $0x3  }
0x34: {  	[smem:$0x3FB2] =	sst s10  }
0x35: {  	s10 =	sld [smem:$0x3FB1];
	_ =	sdelay $0x3  }
0x36: {  	p1 =	seq.s32 s10, $0x1;
	s10 =	sld [smem:$0x3FB2];
	_ =	sdelay $0x3  }
0x37: {  	[smem:$0x3FB2] =	sst s10  }
0x38: {  	s10 =	sld [smem:$0x3FB3]  }
0x39: {  	_ = 	snop;
	(pc) =	sbr.ind lr, $3  }
0x3a: {  	_ = 	snop  }
0x3b: {  	_ = 	snop  }
0x3c: {  	p2 =	seq.s32 s10, $0x1;
	s10 =	sld [smem:$0x3FB2]  }
0x3d: {  	_ =	shalt  }
0x3e: {  	_ =	shalt  }
0x3f: {  	_ =	shalt  }
0x40: {  	_ =	shalt  }
0x41: {  	_ =	shalt  }
0x42: {  	_ =	shalt  }
0x43: {  	_ =	shalt  }
0x44: {  	_ =	shalt  }
0x45: {  	_ =	shalt  }
0x46: {  	_ =	shalt  }
0x47: {  	_ =	shalt  }
0x48: {  	_ =	shalt  }
0x49: {  	_ =	shalt  }
0x4a: {  	_ =	shalt  }
0x4b: {  	_ =	shalt  }
0x4c: {  	_ =	shalt  }
0x4d: {  	_ =	shalt  }
0x4e: {  	_ =	shalt  }
0x4f: {  	_ =	shalt  }
0x50: {  	_ =	shalt  }
0x51: {  	_ =	shalt  }
0x52: {  	_ =	shalt  }
0x53: {  	_ =	shalt  }
0x54: {  	_ =	shalt  }
0x55: {  	_ =	shalt  }
0x56: {  	_ =	shalt  }
0x57: {  	_ =	shalt  }
0x58: {  	_ =	shalt  }
0x59: {  	_ =	shalt  }
0x5a: {  	_ =	shalt  }
0x5b: {  	_ =	shalt  }
0x5c: {  	_ =	shalt  }
0x5d: {  	_ =	shalt  }
0x5e: {  	_ =	shalt  }
0x5f: {  	_ =	shalt  }
0x60: {  	_ =	shalt  }
0x61: {  	_ =	shalt  }
0x62: {  	_ =	shalt  }
0x63: {  	_ =	shalt  }
0x64: {  	_ =	shalt  }
0x65: {  	_ =	shalt  }
0x66: {  	_ =	shalt  }
0x67: {  	_ =	shalt  }
0x68: {  	_ =	shalt  }
0x69: {  	_ =	shalt  }
0x6a: {  	_ =	shalt  }
0x6b: {  	_ =	shalt  }
0x6c: {  	_ =	shalt  }
0x6d: {  	_ =	shalt  }
0x6e: {  	_ =	shalt  }
0x6f: {  	_ =	shalt  }
0x70: {  	_ =	shalt  }
0x71: {  	_ =	shalt  }
0x72: {  	_ =	shalt  }
0x73: {  	_ =	shalt  }
0x74: {  	_ =	shalt  }
0x75: {  	_ =	shalt  }
0x76: {  	_ =	shalt  }
0x77: {  	_ =	shalt  }
0x78: {  	_ =	shalt  }
0x79: {  	_ =	shalt  }
0x7a: {  	_ =	shalt  }
0x7b: {  	_ =	shalt  }
0x7c: {  	_ =	shalt  }
0x7d: {  	_ =	shalt  }
0x7e: {  	_ =	shalt  }
0x7f: {  	_ =	shalt  }
0x80: {  	_ =	shalt  }
0x81: {  	_ =	shalt  }
0x82: {  	_ =	shalt  }
0x83: {  	_ =	shalt  }
0x84: {  	_ =	shalt  }
0x85: {  	_ =	shalt  }
0x86: {  	_ =	shalt  }
0x87: {  	_ =	shalt  }
.Lfunc_end0:
.L_simem_size_0:
called_computation.2_lowered:
.L_overlay_start_0:
0x88: {  	s2 =	sld [smem:$0x3FD9]  }
0x89: {  	s3 =	sld [smem:$0x3FFE];
	_ =	sdelay $0x1  }
0x8a: {  	s1 =	srdreg.scid  }
0x8b: {  	s0 =	sand.u32 $0x1, s1  }
0x8c: {  	s16 =	sshll.u32 s0, $0xA;
	s2 =	sadd.s32 s3, s2  }
0x8d: {  	s2 =	sadd.s32 s2, s16  }
0x8e: {  	[smem:$0x3FBE] =	sst s2  }
0x8f: {  	_ = 	snop  }
0x90: {  	(tm) =	ssettm $0x1  }
0x91: {  	s17 =	sld [smem:$0x3FFB];
	_ =	sdelay $0x3  }
0x92: {  	_ =	strace s17  }
0x93: {  	s2 =	sld [smem:$0x3FFC];
	_ =	sdelay $0x3  }
0x94: {  	_ =	strace s2  }
0x95: {  	s2 =	sld [smem:$0x3FFD];
	_ =	sdelay $0x3  }
0x96: {  	_ =	strace s2  }
0x97: {  	_ =	strace $0x8FFFFFFF  }
0x98: {  	s18 =	sld [smem:$0x3FDB];
	_ =	sdelay $0x1  }
0x99: {  	s19 =	simm.s32 $_scs_section_size  }
0x9a: {  	s4 =	simm.s32 $_size__tile_overlayer_lowered;
	s5 =	simm.s32 $_tile_overlayer_lowered  }
0x9b: {  	s22 =	simm.s32 $0x1BFF;
	s21 =	sshll.u32 s5, $0x1;
	s2 =	sadd.s32 s19, s18  }
0x9c: {  	s6 =	simm.s32 $0x0;
	s20 =	sshll.u32 s4, $0x1;
	s4 =	sadd.s32 s21, s2  }
0x9d: {  	[timem:s6], [sflag:s22] =	dma.local [hbm:s4], s20  }
0x9e: {  	_ =	swait.ge [sflag:s22], s20  }
0x9f: {  	s3 =	ssub.s32 $0x0, s20;
	[sflag:s22] =	ssyncset.done $0x0  }
0xa0: {  	[sflag:s22] =	ssyncadd.s32 s3;
	_ =	sdelay $0x1  }
0xa1: {  	s23 =	simm.s32 $0x1B8B  }
0xa2: {  	_ =	swait.ge [sflag:s23], $0x1  }
0xa3: {  	[sflag:s23] =	ssyncset.done $0x0  }
0xa4: {  	s25 =	simm.s32 $0x1B8E;
	s24 =	sld [smem:$0x3FFE];
	[sflag:s23] =	ssyncadd.s32 $0xFFFFFFFF  }
0xa5: {  	s26 =	simm.s32 $execute0_lowered;
	[smem:$0x3FD2] =	sst s25  }
0xa6: {  	s4 =	sshll.u32 s26, $0x1;
	_ =	strace $0x8000004C;
	[dreg:$0x1] =	wrdreg $0xFFFFFFFF  }
0xa7: {  	s28 =	simm.s32 $_size_execute0_lowered;
	s2 =	sadd.s32 s2, s4;
	[dreg:$0x0] =	wrdreg $0x0  }
0xa8: {  	s4 =	sshll.u32 s28, $0x1;
	[dreg:$0x2] =	wrdreg s2  }
0xa9: {  	[dreg:$0x3] =	wrdreg s4  }
0xaa: {  	[dreg:$0x4] =	wrdreg $0xC0  }
0xab: {  	_ =	task [dreg:s6], $0x5FFFF  }
0xac: {  	[dreg:$0x1] =	wrdreg $0xFFFFFFFF  }
0xad: {  	[dreg:$0x0] =	wrdreg $0x60  }
0xae: {  	[dreg:$0x2] =	wrdreg s24  }
0xaf: {  	[dreg:$0x3] =	wrdreg $0x7B000  }
0xb0: {  	[dreg:$0x4] =	wrdreg $0x9  }
0xb1: {  	_ =	task.clear_ibuf [dreg:s6], $0x5FFFF;
	_ =	strace $0x9000004C  }
0xb2: {  	s29 =	simm.s32 $0x9;
	_ =	strace $0x8000004E  }
0xb3: {  	_ =	swait.ge [sflag:s29], $0x1  }
0xb4: {  	[sflag:s29] =	ssyncadd.s32 $0xFFFFFFFF  }
0xb5: {  	_ =	strace $0x9000004E  }
0xb6: {  	_ =	sfence  }
0xb7: {  	s30 =	sld [smem:$0x0];
	_ =	sdelay $0x2  }
0xb8: {  	s31 =	sshll.u32 s1, $0xD;
	s1 =	sshrl.u32 s1, $0x2  }
0xb9: {  	s3 =	sand.u32 $0x4000, s31;
	s1 =	sadd.s32 s1, s30  }
0xba: {  	s0 =	sor.u32 s3, s0;
	s1 =	sshll.u32 s1, $0x11  }
0xbb: {  	s0 =	sor.u32 s1, s0  }
0xbc: {  	s0 =	sadd.s32 $0x8F2B, s0  }
0xbd: {  	[sflag:s0] =	ssyncadd.remote.s32 $0x1  }
0xbe: {  	_ =	sfence.sel $0xFFFF  }
0xbf: {  	[dreg:$0x0] =	wrdreg $0xFFFFFFFF;
	(pc) =	sbr.abs _section_cstart, $3  }
0xc0: {  	[dreg:$0x1] =	wrdreg $0xFFFFFFFF  }
0xc1: {  	_ =	task.clear_ibuf [dreg:s6], $0x2FFFF;
	_ =	strace $0x9FFFFFFF  }
0xc2: {  	(tm) =	ssettm $0x7FFFFFFF  }
0xc3: {  	_ =	shalt  }
tec
execute0_lowered:
.L_overlay_start_1:
0x0: {  	(tag) =	ssettag $0x1  }
0x1: {  	s8 =	rddreg [dreg:$0x0]  }
0x2: {  	s1 =	rddreg [dreg:$0x1];
	s3 =	simm.s32 $0x0  }
0x3: {  	s2 =	srdreg.scid;
	s0 =	stileid.u32;
	s17 =	simm.s32 $0x28  }
0x4: {  	s18 =	simm.s32 $0x7;
	s19 =	simm.s32 $0x8;
	s20 =	simm.s32 $0x9  }
0x5: {  	s21 =	simm.s32 $0x0;
	[smem:$0x7FF] =	sst s3;
	s9 =	sand.u32 $0x1, s2  }
0x6: {  	s11 =	smul.u32 $0x13C00, s0;
	s4 =	sadd.s32 $0x5A00, s8;
	s5 =	sadd.s32 $0x1D8DA00, s8  }
0x7: {  	s6 =	sadd.s32 $0x4E5200, s8;
	s23 =	sadd.s32 $0x3200, s8;
	s25 =	smul.u32 $0x4F000, s0  }
0x8: {  	s26 =	sshll.u32 s0, $0x6;
	s10 =	smul.u32 $0x13C000, s9;
	_ =	strace $0x8000004D  }
0x9: {  	[dreg:$0x3] =	wrdreg s23;
	s24 =	ssub.s32 $0x2, s9;
	s9 =	sshll.u32 s9, $0x4  }
0xa: {  	s12 =	sshrl.u32 s24, $0x1;
	s13 =	sor.u32 s0, s9;
	s10 =	sadd.s32 s11, s10  }
0xb: {  	s9 =	sshrl.u32 s25, $0x2;
	s28 =	smul.u32 $0x27100, s13;
	s10 =	sshrl.u32 s10, $0x3  }
0xc: {  	s15 =	ssub.s32 s24, s12;
	s14 =	sadd.s32 s10, s8;
	s8 =	smul.u32 $0xFA00, s13  }
0xd: {  	s16 =	sadd.s32 s9, s1;
	s9 =	sor.u32 $0x1C0A, s26;
	s31 =	sadd.s32 s5, s28  }
0xe: {  	s11 =	smul.u32 $0x2710, s13;
	[dreg:$0x5] =	wrdreg s31;
	s29 =	sshrl.u32 s8, $0x3  }
0xf: {  	s13 =	sadd.s32 $0x2D200, s14;
	s14 =	smax.u32 s15, $0x1;
	s30 =	sadd.s32 s6, s29  }
0x10: {  	s15 =	sshrl.u32 s16, $0x3;
	s16 =	simm.s32 $0xA;
	[dreg:$0x4] =	wrdreg s30  }
.LBB2_1:
0x11: {  	s0 =	rddreg [dreg:$0x3]  }
0x12: {  	[spmem:s15], [sflag:s9] =	dma.local [hbm:s0], $0x2780  }
0x13: {  	_ =	swait.ge [sflag:s16], $0x2780  }
0x14: {  	[sflag:s16] =	ssyncset.done $0x0  }
0x15: {  	[sflag:s16] =	ssyncadd.s32 $0xFFFFD880  }
0x16: {  	[bflag:$0x0] =	sbarrier.arrive $0xFFFF  }
0x17: {  	s30 =	rddreg [dreg:$0x4]  }
0x18: {  	[tilespmem:s3], [sflag:$0xA] =	stream.linear.gather [hbm4b:s30+s3], $0x100, $0x38;
	[tilespmem:$0x1B700] =	vst v63  }
0x19: {  	_ =	swait.ge [sflag:s16], $0x100  }
0x1a: {  	[sflag:s16] =	ssyncset.done $0x0  }
0x1b: {  	s22 =	simm.s32 $0x300;
	[sflag:s16] =	ssyncadd.s32 $0xFFFFFF00  }
0x1c: {  	[tilespmem:s22], [sflag:$0x1] =	stream.indirect.gather [hbm4b:s4+s17], $0x80, s3, s17, $0xb8;
	[tilespmem:$0x1B700] =	vst v63  }
0x1d: {  	s23 =	simm.s32 $0x3F00;
	s24 =	simm.s32 $0x0;
	s31 =	rddreg [dreg:$0x5]  }
0x1e: {  	[tilespmem:s23], [sflag:$0x4] =	stream.linear.gather [hbm4b:s31+s3], $0x1400, $0x38;
	[tilespmem:$0x1B700] =	vst v63  }
.LBB2_2:
0x1f: {  	s25 =	smov.u32 s24;
	s24 =	sadd.s32 $0x1, s24  }
0x20: {  	s26 =	sand.u32 $0xFF, s24  }
0x21: {  	s26 =	smul.u32 $0xAB, s26;
	_ =	sdelay $0x1  }
0x22: {  	s26 =	sshrl.u32 s26, $0x9  }
0x23: {  	s26 =	smul.u32 $0x3, s26  }
0x24: {  	p0 =	seq.s32 s25, $0xF9  }
0x25: {  	p1 =	slt.u32 @!p0 s25, $0x2;
	s26 =	ssub.s32 s24, s26  }
0x26: {  	s30 =	smul.u32 $0xAB, s25;
	p1 =	por p1, p0;
	s26 =	sand.u32 $0xFF, s26  }
0x27: {  	s2 =	smulhi.u32 $0xAAAAAAAB, s25;
	s28 =	sadd.s32 @!p1 $0x7, s26  }
0x28: {  	s29 =	sshll.u32 @!p0 s24, $0x8;
	s31 =	simm.s32 @!p0 $0x0;
	_ =	swait.ge @!p1 [sflag:s28], $0x1400  }
0x29: {  	s12 =	smul.u32 @!p0 $0x28, s24;
	s29 =	sadd.s32 @!p0 s8, s29;
	[sflag:s28] =	ssyncset.done @!p1 $0x0  }
0x2a: {  	s30 =	sshrl.u32 s30, $0x9;
	[sflag:s28] =	ssyncadd.s32 @!p1 $0xFFFFEC00;
	s28 =	sshrl.u32 @!p0 s29, $0x3  }
0x2b: {  	s30 =	sand.u32 $0x7F, s30;
	s29 =	sshll.u32 @!p0 s26, $0x8;
	s28 =	sadd.s32 @!p0 s6, s28  }
0x2c: {  	[tilespmem:s29], [sflag:$0xA] =	stream.linear.gather @!p0 [hbm4b:s28+s31], $0x100, $0x38;
	[tilespmem:$0x1B700] =	vst v63  }
0x2d: {  	s10 =	simm.s32 @!p0 $0x28;
	s30 =	smul.u32 $0x3, s30;
	s28 =	simm.s32 @!p0 $0xA  }
0x2e: {  	s2 =	sshrl.u32 s2, $0x1;
	s0 =	smul.u32 @!p0 $0x1400, s26;
	_ =	swait.ge @!p0 [sflag:s28], $0x100  }
0x2f: {  	s2 =	smul.u32 $0xFFFF1000, s2;
	s30 =	ssub.s32 s25, s30;
	[sflag:s28] =	ssyncset.done @!p0 $0x0  }
0x30: {  	s7 =	sadd.s32 @!p0 $0x1, s26;
	[sflag:s28] =	ssyncadd.s32 @!p0 $0xFFFFFF00;
	s28 =	sor.u32 @!p0 $0x300, s0  }
0x31: {  	[tilespmem:s28], [sflag:s7] =	stream.indirect.gather @!p0 [hbm4b:s4+s10], $0x80, s29, s10, $0xb8;
	[tilespmem:$0x1B700] =	vst v63  }
0x32: {  	s25 =	sand.u32 $0xFF, s30;
	s10 =	sadd.s32 @!p0 s11, s12  }
0x33: {  	s0 =	sadd.s32 @!p0 $0x3F00, s0;
	s12 =	sshra.s32 s2, $0x2;
	s7 =	sshll.u32 @!p0 s10, $0x4  }
0x34: {  	s10 =	sadd.s32 @!p0 $0x4, s26;
	s26 =	sadd.s32 $0x1, s25;
	s7 =	sadd.s32 @!p0 s5, s7  }
0x35: {  	[tilespmem:s0], [sflag:s10] =	stream.linear.gather @!p0 [hbm4b:s7+s31], $0x1400, $0x38;
	[tilespmem:$0x1B700] =	vst v63  }
0x36: {  	s30 =	sadd.s32 s12, s22;
	_ =	swait.ge [sflag:s26], $0x1400  }
0x37: {  	v0 =	vmov s30;
	s0 =	sadd.s32 s12, s23;
	[sflag:s26] =	ssyncset.done $0x0  }
0x38: {  	s31 =	sadd.s32 $0x4, s25;
	v1 =	vmov s0;
	[sflag:s26] =	ssyncadd.s32 $0xFFFFEC00  }
0x39: {  	_ =	swait.ge [sflag:s31], $0x1400  }
0x3a: {  	[sflag:s31] =	ssyncset.done $0x0  }
0x3b: {  	s26 =	simm.s32 $0x0;
	[sflag:s31] =	ssyncadd.s32 $0xFFFFEC00  }
0x3c: {  	v2 =	vld.idx.msk [tilespmem:v0+s26+$0x0 ss:$0x1], $0xffff  }
0x3d: {  	v3 =	vld.idx.msk [tilespmem:v1+s26+$0x0 ss:$0x1], $0xffff;
	_ =	sdelay $0x4  }
0x3e: {  	v2 =	vmul.f32 v3, v2;
	_ =	sdelay $0x1  }
0x3f: {  	[tilespmem:v0+s26+$0x0 ss:$0x1] =	vst.idx.msk $0xffff, v2  }
0x40: {  	v2 =	vld.idx.msk [tilespmem:v0+s26+$0x10 ss:$0x1], $0xffff  }
0x41: {  	v3 =	vld.idx.msk [tilespmem:v1+s26+$0x10 ss:$0x1], $0xffff;
	_ =	sdelay $0x4  }
0x42: {  	v2 =	vmul.f32 v3, v2;
	_ =	sdelay $0x1  }
0x43: {  	[tilespmem:v0+s26+$0x10 ss:$0x1] =	vst.idx.msk $0xffff, v2  }
0x44: {  	v2 =	vld.idx.msk [tilespmem:v0+s26+$0x20 ss:$0x1], $0xffff  }
0x45: {  	v3 =	vld.idx.msk [tilespmem:v1+s26+$0x20 ss:$0x1], $0xffff;
	_ =	sdelay $0x4  }
0x46: {  	v2 =	vmul.f32 v3, v2;
	_ =	sdelay $0x1  }
0x47: {  	[tilespmem:v0+s26+$0x20 ss:$0x1] =	vst.idx.msk $0xffff, v2  }
0x48: {  	v2 =	vld.idx.msk [tilespmem:v0+s26+$0x30 ss:$0x1], $0xffff  }
0x49: {  	v3 =	vld.idx.msk [tilespmem:v1+s26+$0x30 ss:$0x1], $0xffff;
	_ =	sdelay $0x4  }
0x4a: {  	v2 =	vmul.f32 v3, v2;
	_ =	sdelay $0x1  }
0x4b: {  	[tilespmem:v0+s26+$0x30 ss:$0x1] =	vst.idx.msk $0xffff, v2  }
0x4c: {  	v2 =	vld.idx.msk [tilespmem:v0+s26+$0x40 ss:$0x1], $0xffff  }
0x4d: {  	v3 =	vld.idx.msk [tilespmem:v1+s26+$0x40 ss:$0x1], $0xffff;
	_ =	sdelay $0x4  }
0x4e: {  	v2 =	vmul.f32 v3, v2;
	_ =	sdelay $0x1  }
0x4f: {  	[tilespmem:v0+s26+$0x40 ss:$0x1] =	vst.idx.msk $0xffff, v2  }
0x50: {  	v2 =	vld.idx.msk [tilespmem:v0+s26+$0x50 ss:$0x1], $0xffff  }
0x51: {  	v3 =	vld.idx.msk [tilespmem:v1+s26+$0x50 ss:$0x1], $0xffff;
	_ =	sdelay $0x4  }
0x52: {  	v2 =	vmul.f32 v3, v2;
	_ =	sdelay $0x1  }
0x53: {  	[tilespmem:v0+s26+$0x50 ss:$0x1] =	vst.idx.msk $0xffff, v2  }
0x54: {  	v2 =	vld.idx.msk [tilespmem:v0+s26+$0x60 ss:$0x1], $0xffff  }
0x55: {  	v3 =	vld.idx.msk [tilespmem:v1+s26+$0x60 ss:$0x1], $0xffff;
	_ =	sdelay $0x4  }
0x56: {  	v2 =	vmul.f32 v3, v2;
	_ =	sdelay $0x1  }
0x57: {  	[tilespmem:v0+s26+$0x60 ss:$0x1] =	vst.idx.msk $0xffff, v2  }
0x58: {  	s28 =	smul.u32 $0x1400, s25;
	s29 =	simm.s32 $0x200;
	v2 =	vld.idx.msk [tilespmem:v0+s26+$0x70 ss:$0x1], $0xffff  }
.LBB2_3:
0x59: {  	p0 =	sne.s32 s29, $0x4E00;
	v3 =	vld.idx.msk [tilespmem:v1+s26+$0x70 ss:$0x1], $0xffff;
	s0 =	smov.u32 s29;
	s29 =	sadd.s32 $0x200, s29  }
0x5a: {  	_ =	sdelay $0x4  }
0x5b: {  	v2 =	vmul.f32 v3, v2;
	_ =	sdelay $0x1  }
0x5c: {  	[tilespmem:v0+s26+$0x70 ss:$0x1] =	vst.idx.msk $0xffff, v2;
	s26 =	sshra.s32 s0, $0x2  }
0x5d: {  	v2 =	vld.idx.msk [tilespmem:v0+s26+$0x0 ss:$0x1], $0xffff  }
0x5e: {  	v3 =	vld.idx.msk [tilespmem:v1+s26+$0x0 ss:$0x1], $0xffff;
	_ =	sdelay $0x5  }
0x5f: {  	v2 =	vmul.f32 v3, v2;
	_ =	sdelay $0x1  }
0x60: {  	[tilespmem:v0+s26+$0x0 ss:$0x1] =	vst.idx.msk $0xffff, v2  }
0x61: {  	v2 =	vld.idx.msk [tilespmem:v0+s26+$0x10 ss:$0x1], $0xffff  }
0x62: {  	v3 =	vld.idx.msk [tilespmem:v1+s26+$0x10 ss:$0x1], $0xffff;
	_ =	sdelay $0x5  }
0x63: {  	v2 =	vmul.f32 v3, v2;
	_ =	sdelay $0x1  }
0x64: {  	[tilespmem:v0+s26+$0x10 ss:$0x1] =	vst.idx.msk $0xffff, v2  }
0x65: {  	v2 =	vld.idx.msk [tilespmem:v0+s26+$0x20 ss:$0x1], $0xffff  }
0x66: {  	v3 =	vld.idx.msk [tilespmem:v1+s26+$0x20 ss:$0x1], $0xffff;
	_ =	sdelay $0x5  }
0x67: {  	v2 =	vmul.f32 v3, v2;
	_ =	sdelay $0x1  }
0x68: {  	[tilespmem:v0+s26+$0x20 ss:$0x1] =	vst.idx.msk $0xffff, v2  }
0x69: {  	v2 =	vld.idx.msk [tilespmem:v0+s26+$0x30 ss:$0x1], $0xffff  }
0x6a: {  	v3 =	vld.idx.msk [tilespmem:v1+s26+$0x30 ss:$0x1], $0xffff;
	_ =	sdelay $0x5  }
0x6b: {  	v2 =	vmul.f32 v3, v2;
	_ =	sdelay $0x1  }
0x6c: {  	[tilespmem:v0+s26+$0x30 ss:$0x1] =	vst.idx.msk $0xffff, v2  }
0x6d: {  	v2 =	vld.idx.msk [tilespmem:v0+s26+$0x40 ss:$0x1], $0xffff  }
0x6e: {  	v3 =	vld.idx.msk [tilespmem:v1+s26+$0x40 ss:$0x1], $0xffff;
	_ =	sdelay $0x5  }
0x6f: {  	v2 =	vmul.f32 v3, v2;
	_ =	sdelay $0x1  }
0x70: {  	[tilespmem:v0+s26+$0x40 ss:$0x1] =	vst.idx.msk $0xffff, v2  }
0x71: {  	v2 =	vld.idx.msk [tilespmem:v0+s26+$0x50 ss:$0x1], $0xffff  }
0x72: {  	v3 =	vld.idx.msk [tilespmem:v1+s26+$0x50 ss:$0x1], $0xffff;
	_ =	sdelay $0x5  }
0x73: {  	v2 =	vmul.f32 v3, v2;
	_ =	sdelay $0x1  }
0x74: {  	[tilespmem:v0+s26+$0x50 ss:$0x1] =	vst.idx.msk $0xffff, v2  }
0x75: {  	v2 =	vld.idx.msk [tilespmem:v0+s26+$0x60 ss:$0x1], $0xffff  }
0x76: {  	v3 =	vld.idx.msk [tilespmem:v1+s26+$0x60 ss:$0x1], $0xffff;
	_ =	sdelay $0x4  }
.Ltmp0:
0x77: {  	(pc) =	sbr.rel @p0 .LBB2_3-.Ltmp0, $3  }
0x78: {  	v2 =	vmul.f32 v3, v2;
	_ =	sdelay $0x1  }
0x79: {  	[tilespmem:v0+s26+$0x60 ss:$0x1] =	vst.idx.msk $0xffff, v2  }
0x7a: {  	v2 =	vld.idx.msk [tilespmem:v0+s26+$0x70 ss:$0x1], $0xffff  }
0x7b: {  	_ =	sdelay $0x3  }
0x7c: {  	v1 =	vld.idx.msk [tilespmem:v1+s26+$0x70 ss:$0x1], $0xffff;
	_ =	sdelay $0x2  }
0x7d: {  	p0 =	sne.s32 s24, $0xFA  }
.Ltmp1:
0x7e: {  	_ = 	snop;
	(pc) =	sbr.rel @p0 .LBB2_2-.Ltmp1, $4  }
0x7f: {  	v1 =	vmul.f32 v1, v2  }
0x80: {  	s0 =	sshll.u32 s25, $0x8;
	s2 =	sadd.s32 $0x300, s28;
	s7 =	sadd.s32 $0x7, s25  }
0x81: {  	s23 =	sadd.s32 $0x1400, s23;
	s22 =	sadd.s32 $0x1400, s22;
	s0 =	sor.u32 $0x80, s0;
	[tilespmem:v0+s26+$0x70 ss:$0x1] =	vst.idx.msk $0xffff, v1  }
0x82: {  	[spmem:s1] =	stream.indirect.scatter.add.f32 [tilespmem:s2], [sflag:s7], $0x80, s0, s17, $0xb8;
	[tilespmem:$0x1B700] =	vst v63  }
0x83: {  	_ =	swait.ge [sflag:s18], $0x1400  }
0x84: {  	[sflag:s18] =	ssyncset.done $0x0  }
0x85: {  	[sflag:s18] =	ssyncadd.s32 $0xFFFFEC00  }
0x86: {  	_ =	swait.ge [sflag:s19], $0x1400  }
0x87: {  	[sflag:s19] =	ssyncset.done $0x0  }
0x88: {  	[sflag:s19] =	ssyncadd.s32 $0xFFFFEC00  }
0x89: {  	_ =	swait.ge [sflag:s20], $0x1400  }
0x8a: {  	s21 =	sadd.s32 $0x1, s21;
	[sflag:s20] =	ssyncset.done $0x0  }
0x8b: {  	p0 =	sne.s32 s21, s14;
	[sflag:s20] =	ssyncadd.s32 $0xFFFFEC00  }
.Ltmp2:
0x8c: {  	[bflag:$0x0] =	sbarrier.arrive $0xFFFF;
	(pc) =	sbr.rel @p0 .LBB2_1-.Ltmp2, $4  }
0x8d: {  	[hbm:s13], [sflag:s9] =	dma.local [spmem:s15], $0x2780  }
0x8e: {  	_ =	swait.ge [sflag:s16], $0x2780  }
0x8f: {  	[sflag:s16] =	ssyncset.done $0x0  }
0x90: {  	[sflag:s16] =	ssyncadd.s32 $0xFFFFD880  }
0x91: {  	_ =	sfence.sel $0x180000  }
0x92: {  	[bflag:$0x0] =	sbarrier.arrive $0xFFFF  }
0x93: {  	_ =	strace $0x9000004D  }
0x94: {  	s0 =	stileid.u32;
	[bflag:$0x2] =	sbarrier.arrive $0xFFFF  }
0x95: {  	p0 =	sne.s32 s0, $0x0;
	s0 =	rddreg [dreg:$0x2]  }
0x96: {  	s0 =	sadd.s32 @!p0 $0x100000, s0  }
0x97: {  	[sflag:s0] =	ssyncadd.tile.s32 @!p0 $0x1;
	_ =	shalt  }
.Lfunc_end2:
_tile_overlayer_lowered:
.L_overlay_start_2:
0x98: {  	(tag) =	ssettag $0x2  }
0x99: {  	s0 =	rddreg [dreg:$0x0];
	s2 =	stileid.u32  }
0x9a: {  	s1 =	rddreg [dreg:$0x1];
	p0 =	sne.s32 s2, $0x0  }
0x9b: {  	s3 =	rddreg [dreg:$0x2];
	[bflag:$0x3] =	sbarrier.arrive $0xFFFF;
	s2 =	simm.s32 @!p0 $0x1C0A  }
0x9c: {  	[timem:s3], [sflag:s2] =	dma.local @!p0 [hbm:s0], s1  }
0x9d: {  	s0 =	simm.s32 @!p0 $0xA  }
0x9e: {  	_ =	swait.ge @!p0 [sflag:s0], s1  }
0x9f: {  	s1 =	ssub.s32 @!p0 $0x0, s1;
	[sflag:s0] =	ssyncset.done @!p0 $0x0  }
0xa0: {  	[sflag:s0] =	ssyncadd.s32 @!p0 s1  }
0xa1: {  	[bflag:$0x3] =	sbarrier.arrive $0xFFFF  }
0xa2: {  	_ =	shalt  }

// kernel: kernel.20.cloned.1.call-start
scs
__scs_entry_jumppad:
0x0: {  	(pc) =	sbr.rel $0x88, $3  }
0x1: {  	(tag) =	ssettag $0x0;
	lr =	simm.s32 $0x1  }
0x2: {  	[smem:$0x3F97] =	sst lr;
	_ =	strace $0xD0000000  }
0x3: {  	_ = 	snop  }
0x4: {  	_ = 	snop  }
0x5: {  	_ = 	snop  }
0x6: {  	_ = 	snop  }
0x7: {  	_ = 	snop  }
__scs_overlays_trampoline_lowered:
0x8: {  	[smem:$0x3FA6] =	sst s0  }
0x9: {  	[smem:$0x3FA7] =	sst s1  }
0xa: {  	[smem:$0x3FA8] =	sst s2  }
0xb: {  	[smem:$0x3FA9] =	sst s3  }
0xc: {  	[smem:$0x3FAA] =	sst s4  }
0xd: {  	[smem:$0x3FAB] =	sst s5  }
0xe: {  	[smem:$0x3FAC] =	sst s6  }
0xf: {  	[smem:$0x3FAD] =	sst s7  }
0x10: {  	[smem:$0x3FAE] =	sst s8  }
0x11: {  	[smem:$0x3FAF] =	sst s9;
	s0 =	simm.s32 @!p0 $0x0  }
0x12: {  	s1 =	sld [smem:$0x3F95];
	s0 =	simm.s32 @p0 $0x1  }
0x13: {  	[smem:$0x3FB0] =	sst s0;
	s0 =	simm.s32 @!p1 $0x0  }
0x14: {  	s2 =	sld [smem:$0x3F94];
	s0 =	simm.s32 @p1 $0x1  }
0x15: {  	[smem:$0x3FB1] =	sst s0;
	s0 =	simm.s32 @!p2 $0x0  }
0x16: {  	s3 =	sld [smem:$0x3FDB];
	s0 =	simm.s32 @p2 $0x1  }
0x17: {  	s4 =	simm.s32 $0x1BF5;
	[smem:$0x3FB3] =	sst s0  }
0x18: {  	s0 =	sld [smem:$0x3F96];
	_ =	swait.ge [sflag:s4], $0x0  }
0x19: {  	s7 =	sld [smem:$0x3F97]  }
0x1a: {  	s8 =	sadd.s32 $0xFFFFE003, lr  }
0x1b: {  	s9 =	sadd.s32 $0xFFFFFEF7, lr;
	s5 =	simm.s32 $0xFFFFFFFF;
	p2 =	slt.u32 s8, $0xFFFFF086  }
0x1c: {  	p1 =	slt.u32 s9, $0xF7A;
	s5 =	simm.s32 @!p2 $0x0  }
0x1d: {  	s5 =	simm.s32 @p1 $0x1;
	p0 =	seq.s32 s7, s2  }
0x1e: {  	s7 =	smul.u32 @!p0 $0xF7A, s2;
	p2 =	seq.s32 @!p0 s5, $0x0  }
0x1f: {  	s9 =	smul.u32 $0xF7A, s1;
	s8 =	simm.s32 @!p0 $0x1BF5;
	p2 =	por !p2, p0  }
0x20: {  	[sflag:s8] =	ssyncset.s32 @!p0 $0xFFFFF086;
	s6 =	sadd.s32 @!p0 s3, s7;
	s7 =	simm.s32 @!p0 $0x108  }
0x21: {  	s3 =	sadd.s32 s3, s9;
	s6 =	sadd.s32 @!p0 $0x88, s6;
	s7 =	simm.s32 @p2 $0x1082  }
0x22: {  	[simem:s7], [sflag:s8] =	dma.local @!p0 [hbm:s6], $0xF7A  }
0x23: {  	s9 =	sor.u32 $0xD0000000, s2;
	s6 =	simm.s32 $0x108;
	_ =	swait.ge @!p0 [sflag:s8], $0x0  }
0x24: {  	s3 =	sadd.s32 $0x88, s3;
	s6 =	simm.s32 @!p1 $0x1082;
	[sflag:s4] =	ssyncset.s32 $0xFFFFF086  }
0x25: {  	[simem:s6], [sflag:s4] =	dma.local [hbm:s3], $0xF7A  }
0x26: {  	[smem:$0x3F97] =	sst s1;
	(tag) =	ssettag s2;
	_ =	strace s9  }
0x27: {  	s1 =	sld [smem:$0x3FA7]  }
0x28: {  	s2 =	sld [smem:$0x3FA8]  }
0x29: {  	s4 =	sld [smem:$0x3FAA]  }
0x2a: {  	p0 =	seq.s32 s5, $0x0;
	s5 =	sld [smem:$0x3FAB]  }
0x2b: {  	s6 =	sld [smem:$0x3FAC]  }
0x2c: {  	s7 =	sld [smem:$0x3FAD]  }
0x2d: {  	s3 =	simm.s32 $0x108;
	s8 =	sld [smem:$0x3FAE]  }
0x2e: {  	s3 =	simm.s32 @!p0 $0x1082;
	s9 =	sld [smem:$0x3FAF]  }
0x2f: {  	lr =	sadd.s32 s0, s3;
	s0 =	sld [smem:$0x3FA6]  }
0x30: {  	s3 =	sld [smem:$0x3FA9]  }
0x31: {  	[smem:$0x3FB2] =	sst s10  }
0x32: {  	s10 =	sld [smem:$0x3FB0];
	_ =	sdelay $0x3  }
0x33: {  	p0 =	seq.s32 s10, $0x1;
	s10 =	sld [smem:$0x3FB2];
	_ =	sdelay $0x3  }
0x34: {  	[smem:$0x3FB2] =	sst s10  }
0x35: {  	s10 =	sld [smem:$0x3FB1];
	_ =	sdelay $0x3  }
0x36: {  	p1 =	seq.s32 s10, $0x1;
	s10 =	sld [smem:$0x3FB2];
	_ =	sdelay $0x3  }
0x37: {  	[smem:$0x3FB2] =	sst s10  }
0x38: {  	s10 =	sld [smem:$0x3FB3]  }
0x39: {  	_ = 	snop;
	(pc) =	sbr.ind lr, $3  }
0x3a: {  	_ = 	snop  }
0x3b: {  	_ = 	snop  }
0x3c: {  	p2 =	seq.s32 s10, $0x1;
	s10 =	sld [smem:$0x3FB2]  }
0x3d: {  	_ =	shalt  }
0x3e: {  	_ =	shalt  }
0x3f: {  	_ =	shalt  }
0x40: {  	_ =	shalt  }
0x41: {  	_ =	shalt  }
0x42: {  	_ =	shalt  }
0x43: {  	_ =	shalt  }
0x44: {  	_ =	shalt  }
0x45: {  	_ =	shalt  }
0x46: {  	_ =	shalt  }
0x47: {  	_ =	shalt  }
0x48: {  	_ =	shalt  }
0x49: {  	_ =	shalt  }
0x4a: {  	_ =	shalt  }
0x4b: {  	_ =	shalt  }
0x4c: {  	_ =	shalt  }
0x4d: {  	_ =	shalt  }
0x4e: {  	_ =	shalt  }
0x4f: {  	_ =	shalt  }
0x50: {  	_ =	shalt  }
0x51: {  	_ =	shalt  }
0x52: {  	_ =	shalt  }
0x53: {  	_ =	shalt  }
0x54: {  	_ =	shalt  }
0x55: {  	_ =	shalt  }
0x56: {  	_ =	shalt  }
0x57: {  	_ =	shalt  }
0x58: {  	_ =	shalt  }
0x59: {  	_ =	shalt  }
0x5a: {  	_ =	shalt  }
0x5b: {  	_ =	shalt  }
0x5c: {  	_ =	shalt  }
0x5d: {  	_ =	shalt  }
0x5e: {  	_ =	shalt  }
0x5f: {  	_ =	shalt  }
0x60: {  	_ =	shalt  }
0x61: {  	_ =	shalt  }
0x62: {  	_ =	shalt  }
0x63: {  	_ =	shalt  }
0x64: {  	_ =	shalt  }
0x65: {  	_ =	shalt  }
0x66: {  	_ =	shalt  }
0x67: {  	_ =	shalt  }
0x68: {  	_ =	shalt  }
0x69: {  	_ =	shalt  }
0x6a: {  	_ =	shalt  }
0x6b: {  	_ =	shalt  }
0x6c: {  	_ =	shalt  }
0x6d: {  	_ =	shalt  }
0x6e: {  	_ =	shalt  }
0x6f: {  	_ =	shalt  }
0x70: {  	_ =	shalt  }
0x71: {  	_ =	shalt  }
0x72: {  	_ =	shalt  }
0x73: {  	_ =	shalt  }
0x74: {  	_ =	shalt  }
0x75: {  	_ =	shalt  }
0x76: {  	_ =	shalt  }
0x77: {  	_ =	shalt  }
0x78: {  	_ =	shalt  }
0x79: {  	_ =	shalt  }
0x7a: {  	_ =	shalt  }
0x7b: {  	_ =	shalt  }
0x7c: {  	_ =	shalt  }
0x7d: {  	_ =	shalt  }
0x7e: {  	_ =	shalt  }
0x7f: {  	_ =	shalt  }
0x80: {  	_ =	shalt  }
0x81: {  	_ =	shalt  }
0x82: {  	_ =	shalt  }
0x83: {  	_ =	shalt  }
0x84: {  	_ =	shalt  }
0x85: {  	_ =	shalt  }
0x86: {  	_ =	shalt  }
0x87: {  	_ =	shalt  }
.Lfunc_end0:
.L_simem_size_0:
called_computation.3_lowered:
.L_overlay_start_0:
0x88: {  	s2 =	sld [smem:$0x3FD9]  }
0x89: {  	s3 =	sld [smem:$0x3FFE];
	_ =	sdelay $0x1  }
0x8a: {  	s1 =	srdreg.scid  }
0x8b: {  	s0 =	sand.u32 $0x1, s1  }
0x8c: {  	s16 =	sshll.u32 s0, $0xA;
	s2 =	sadd.s32 s3, s2  }
0x8d: {  	s2 =	sadd.s32 s2, s16  }
0x8e: {  	[smem:$0x3FBE] =	sst s2  }
0x8f: {  	_ = 	snop  }
0x90: {  	(tm) =	ssettm $0x1  }
0x91: {  	s17 =	sld [smem:$0x3FFB];
	_ =	sdelay $0x3  }
0x92: {  	_ =	strace s17  }
0x93: {  	s2 =	sld [smem:$0x3FFC];
	_ =	sdelay $0x3  }
0x94: {  	_ =	strace s2  }
0x95: {  	s2 =	sld [smem:$0x3FFD];
	_ =	sdelay $0x3  }
0x96: {  	_ =	strace s2  }
0x97: {  	_ =	strace $0x8FFFFFFF  }
0x98: {  	s18 =	sld [smem:$0x3FDB];
	_ =	sdelay $0x1  }
0x99: {  	s19 =	simm.s32 $_scs_section_size  }
0x9a: {  	s4 =	simm.s32 $_size__tile_overlayer_lowered;
	s5 =	simm.s32 $_tile_overlayer_lowered  }
0x9b: {  	s22 =	simm.s32 $0x1BFF;
	s21 =	sshll.u32 s5, $0x1;
	s2 =	sadd.s32 s19, s18  }
0x9c: {  	s6 =	simm.s32 $0x0;
	s20 =	sshll.u32 s4, $0x1;
	s4 =	sadd.s32 s21, s2  }
0x9d: {  	[timem:s6], [sflag:s22] =	dma.local [hbm:s4], s20  }
0x9e: {  	_ =	swait.ge [sflag:s22], s20  }
0x9f: {  	s3 =	ssub.s32 $0x0, s20;
	[sflag:s22] =	ssyncset.done $0x0  }
0xa0: {  	[sflag:s22] =	ssyncadd.s32 s3;
	_ =	sdelay $0x1  }
0xa1: {  	s23 =	simm.s32 $0x1B8B  }
0xa2: {  	_ =	swait.ge [sflag:s23], $0x1  }
0xa3: {  	[sflag:s23] =	ssyncset.done $0x0  }
0xa4: {  	s25 =	simm.s32 $0x1B8E;
	s24 =	sld [smem:$0x3FFE];
	[sflag:s23] =	ssyncadd.s32 $0xFFFFFFFF  }
0xa5: {  	s26 =	simm.s32 $execute0_lowered;
	[smem:$0x3FD2] =	sst s25  }
0xa6: {  	s4 =	sshll.u32 s26, $0x1;
	_ =	strace $0x8000004F;
	[dreg:$0x1] =	wrdreg $0xFFFFFFFF  }
0xa7: {  	s28 =	simm.s32 $_size_execute0_lowered;
	s2 =	sadd.s32 s2, s4;
	[dreg:$0x0] =	wrdreg $0x0  }
0xa8: {  	s4 =	sshll.u32 s28, $0x1;
	[dreg:$0x2] =	wrdreg s2  }
0xa9: {  	[dreg:$0x3] =	wrdreg s4  }
0xaa: {  	[dreg:$0x4] =	wrdreg $0xC0  }
0xab: {  	_ =	task [dreg:s6], $0x5FFFF  }
0xac: {  	[dreg:$0x1] =	wrdreg $0xFFFFFFFF  }
0xad: {  	[dreg:$0x0] =	wrdreg $0x60  }
0xae: {  	[dreg:$0x2] =	wrdreg s24  }
0xaf: {  	[dreg:$0x3] =	wrdreg $0x7B000  }
0xb0: {  	[dreg:$0x4] =	wrdreg $0x9  }
0xb1: {  	_ =	task.clear_ibuf [dreg:s6], $0x5FFFF;
	_ =	strace $0x9000004F  }
0xb2: {  	s29 =	simm.s32 $0x9;
	_ =	strace $0x80000051  }
0xb3: {  	_ =	swait.ge [sflag:s29], $0x1  }
0xb4: {  	[sflag:s29] =	ssyncadd.s32 $0xFFFFFFFF  }
0xb5: {  	_ =	strace $0x90000051  }
0xb6: {  	_ =	sfence  }
0xb7: {  	s30 =	sld [smem:$0x0];
	_ =	sdelay $0x2  }
0xb8: {  	s31 =	sshll.u32 s1, $0xD;
	s1 =	sshrl.u32 s1, $0x2  }
0xb9: {  	s3 =	sand.u32 $0x4000, s31;
	s1 =	sadd.s32 s1, s30  }
0xba: {  	s0 =	sor.u32 s3, s0;
	s1 =	sshll.u32 s1, $0x11  }
0xbb: {  	s0 =	sor.u32 s1, s0  }
0xbc: {  	s0 =	sadd.s32 $0x8F2B, s0  }
0xbd: {  	[sflag:s0] =	ssyncadd.remote.s32 $0x1  }
0xbe: {  	_ =	sfence.sel $0xFFFF  }
0xbf: {  	[dreg:$0x0] =	wrdreg $0xFFFFFFFF;
	(pc) =	sbr.abs _section_cstart, $3  }
0xc0: {  	[dreg:$0x1] =	wrdreg $0xFFFFFFFF  }
0xc1: {  	_ =	task.clear_ibuf [dreg:s6], $0x2FFFF;
	_ =	strace $0x9FFFFFFF  }
0xc2: {  	(tm) =	ssettm $0x7FFFFFFF  }
0xc3: {  	_ =	shalt  }
tec
execute0_lowered:
.L_overlay_start_1:
0x0: {  	(tag) =	ssettag $0x1  }
0x1: {  	s8 =	rddreg [dreg:$0x0]  }
0x2: {  	s1 =	rddreg [dreg:$0x1];
	s3 =	simm.s32 $0x0  }
0x3: {  	s2 =	srdreg.scid;
	s0 =	stileid.u32;
	s17 =	simm.s32 $0x28  }
0x4: {  	s18 =	simm.s32 $0x7;
	s19 =	simm.s32 $0x8;
	s20 =	simm.s32 $0x9  }
0x5: {  	s21 =	simm.s32 $0x0;
	[smem:$0x7FF] =	sst s3;
	s9 =	sand.u32 $0x1, s2  }
0x6: {  	s11 =	smul.u32 $0x13C00, s0;
	s4 =	sadd.s32 $0x5A00, s8;
	s5 =	sadd.s32 $0x226FA00, s8  }
0x7: {  	s6 =	sadd.s32 $0x4E5200, s8;
	s23 =	sadd.s32 $0x3200, s8;
	s25 =	smul.u32 $0x4F000, s0  }
0x8: {  	s26 =	sshll.u32 s0, $0x6;
	s10 =	smul.u32 $0x13C000, s9;
	_ =	strace $0x80000050  }
0x9: {  	[dreg:$0x3] =	wrdreg s23;
	s24 =	ssub.s32 $0x2, s9;
	s9 =	sshll.u32 s9, $0x4  }
0xa: {  	s12 =	sshrl.u32 s24, $0x1;
	s13 =	sor.u32 s0, s9;
	s10 =	sadd.s32 s11, s10  }
0xb: {  	s9 =	sshrl.u32 s25, $0x2;
	s28 =	smul.u32 $0x27100, s13;
	s10 =	sshrl.u32 s10, $0x3  }
0xc: {  	s15 =	ssub.s32 s24, s12;
	s14 =	sadd.s32 s10, s8;
	s8 =	smul.u32 $0xFA00, s13  }
0xd: {  	s16 =	sadd.s32 s9, s1;
	s9 =	sor.u32 $0x1C0A, s26;
	s31 =	sadd.s32 s5, s28  }
0xe: {  	s11 =	smul.u32 $0x2710, s13;
	[dreg:$0x5] =	wrdreg s31;
	s29 =	sshrl.u32 s8, $0x3  }
0xf: {  	s13 =	sadd.s32 $0x2D200, s14;
	s14 =	smax.u32 s15, $0x1;
	s30 =	sadd.s32 s6, s29  }
0x10: {  	s15 =	sshrl.u32 s16, $0x3;
	s16 =	simm.s32 $0xA;
	[dreg:$0x4] =	wrdreg s30  }
.LBB2_1:
0x11: {  	s0 =	rddreg [dreg:$0x3]  }
0x12: {  	[spmem:s15], [sflag:s9] =	dma.local [hbm:s0], $0x2780  }
0x13: {  	_ =	swait.ge [sflag:s16], $0x2780  }
0x14: {  	[sflag:s16] =	ssyncset.done $0x0  }
0x15: {  	[sflag:s16] =	ssyncadd.s32 $0xFFFFD880  }
0x16: {  	[bflag:$0x0] =	sbarrier.arrive $0xFFFF  }
0x17: {  	s30 =	rddreg [dreg:$0x4]  }
0x18: {  	[tilespmem:s3], [sflag:$0xA] =	stream.linear.gather [hbm4b:s30+s3], $0x100, $0x38;
	[tilespmem:$0x1B700] =	vst v63  }
0x19: {  	_ =	swait.ge [sflag:s16], $0x100  }
0x1a: {  	[sflag:s16] =	ssyncset.done $0x0  }
0x1b: {  	s22 =	simm.s32 $0x300;
	[sflag:s16] =	ssyncadd.s32 $0xFFFFFF00  }
0x1c: {  	[tilespmem:s22], [sflag:$0x1] =	stream.indirect.gather [hbm4b:s4+s17], $0x80, s3, s17, $0xb8;
	[tilespmem:$0x1B700] =	vst v63  }
0x1d: {  	s23 =	simm.s32 $0x3F00;
	s24 =	simm.s32 $0x0;
	s31 =	rddreg [dreg:$0x5]  }
0x1e: {  	[tilespmem:s23], [sflag:$0x4] =	stream.linear.gather [hbm4b:s31+s3], $0x1400, $0x38;
	[tilespmem:$0x1B700] =	vst v63  }
.LBB2_2:
0x1f: {  	s25 =	smov.u32 s24;
	s24 =	sadd.s32 $0x1, s24  }
0x20: {  	s26 =	sand.u32 $0xFF, s24  }
0x21: {  	s26 =	smul.u32 $0xAB, s26;
	_ =	sdelay $0x1  }
0x22: {  	s26 =	sshrl.u32 s26, $0x9  }
0x23: {  	s26 =	smul.u32 $0x3, s26  }
0x24: {  	p0 =	seq.s32 s25, $0xF9  }
0x25: {  	p1 =	slt.u32 @!p0 s25, $0x2;
	s26 =	ssub.s32 s24, s26  }
0x26: {  	s30 =	smul.u32 $0xAB, s25;
	p1 =	por p1, p0;
	s26 =	sand.u32 $0xFF, s26  }
0x27: {  	s2 =	smulhi.u32 $0xAAAAAAAB, s25;
	s28 =	sadd.s32 @!p1 $0x7, s26  }
0x28: {  	s29 =	sshll.u32 @!p0 s24, $0x8;
	s31 =	simm.s32 @!p0 $0x0;
	_ =	swait.ge @!p1 [sflag:s28], $0x1400  }
0x29: {  	s12 =	smul.u32 @!p0 $0x28, s24;
	s29 =	sadd.s32 @!p0 s8, s29;
	[sflag:s28] =	ssyncset.done @!p1 $0x0  }
0x2a: {  	s30 =	sshrl.u32 s30, $0x9;
	[sflag:s28] =	ssyncadd.s32 @!p1 $0xFFFFEC00;
	s28 =	sshrl.u32 @!p0 s29, $0x3  }
0x2b: {  	s30 =	sand.u32 $0x7F, s30;
	s29 =	sshll.u32 @!p0 s26, $0x8;
	s28 =	sadd.s32 @!p0 s6, s28  }
0x2c: {  	[tilespmem:s29], [sflag:$0xA] =	stream.linear.gather @!p0 [hbm4b:s28+s31], $0x100, $0x38;
	[tilespmem:$0x1B700] =	vst v63  }
0x2d: {  	s10 =	simm.s32 @!p0 $0x28;
	s30 =	smul.u32 $0x3, s30;
	s28 =	simm.s32 @!p0 $0xA  }
0x2e: {  	s2 =	sshrl.u32 s2, $0x1;
	s0 =	smul.u32 @!p0 $0x1400, s26;
	_ =	swait.ge @!p0 [sflag:s28], $0x100  }
0x2f: {  	s2 =	smul.u32 $0xFFFF1000, s2;
	s30 =	ssub.s32 s25, s30;
	[sflag:s28] =	ssyncset.done @!p0 $0x0  }
0x30: {  	s7 =	sadd.s32 @!p0 $0x1, s26;
	[sflag:s28] =	ssyncadd.s32 @!p0 $0xFFFFFF00;
	s28 =	sor.u32 @!p0 $0x300, s0  }
0x31: {  	[tilespmem:s28], [sflag:s7] =	stream.indirect.gather @!p0 [hbm4b:s4+s10], $0x80, s29, s10, $0xb8;
	[tilespmem:$0x1B700] =	vst v63  }
0x32: {  	s25 =	sand.u32 $0xFF, s30;
	s10 =	sadd.s32 @!p0 s11, s12  }
0x33: {  	s0 =	sadd.s32 @!p0 $0x3F00, s0;
	s12 =	sshra.s32 s2, $0x2;
	s7 =	sshll.u32 @!p0 s10, $0x4  }
0x34: {  	s10 =	sadd.s32 @!p0 $0x4, s26;
	s26 =	sadd.s32 $0x1, s25;
	s7 =	sadd.s32 @!p0 s5, s7  }
0x35: {  	[tilespmem:s0], [sflag:s10] =	stream.linear.gather @!p0 [hbm4b:s7+s31], $0x1400, $0x38;
	[tilespmem:$0x1B700] =	vst v63  }
0x36: {  	s30 =	sadd.s32 s12, s22;
	_ =	swait.ge [sflag:s26], $0x1400  }
0x37: {  	v0 =	vmov s30;
	s0 =	sadd.s32 s12, s23;
	[sflag:s26] =	ssyncset.done $0x0  }
0x38: {  	s31 =	sadd.s32 $0x4, s25;
	v1 =	vmov s0;
	[sflag:s26] =	ssyncadd.s32 $0xFFFFEC00  }
0x39: {  	_ =	swait.ge [sflag:s31], $0x1400  }
0x3a: {  	[sflag:s31] =	ssyncset.done $0x0  }
0x3b: {  	s26 =	simm.s32 $0x0;
	[sflag:s31] =	ssyncadd.s32 $0xFFFFEC00  }
0x3c: {  	v2 =	vld.idx.msk [tilespmem:v0+s26+$0x0 ss:$0x1], $0xffff  }
0x3d: {  	v3 =	vld.idx.msk [tilespmem:v1+s26+$0x0 ss:$0x1], $0xffff;
	_ =	sdelay $0x4  }
0x3e: {  	v2 =	vmul.f32 v3, v2;
	_ =	sdelay $0x1  }
0x3f: {  	[tilespmem:v0+s26+$0x0 ss:$0x1] =	vst.idx.msk $0xffff, v2  }
0x40: {  	v2 =	vld.idx.msk [tilespmem:v0+s26+$0x10 ss:$0x1], $0xffff  }
0x41: {  	v3 =	vld.idx.msk [tilespmem:v1+s26+$0x10 ss:$0x1], $0xffff;
	_ =	sdelay $0x4  }
0x42: {  	v2 =	vmul.f32 v3, v2;
	_ =	sdelay $0x1  }
0x43: {  	[tilespmem:v0+s26+$0x10 ss:$0x1] =	vst.idx.msk $0xffff, v2  }
0x44: {  	v2 =	vld.idx.msk [tilespmem:v0+s26+$0x20 ss:$0x1], $0xffff  }
0x45: {  	v3 =	vld.idx.msk [tilespmem:v1+s26+$0x20 ss:$0x1], $0xffff;
	_ =	sdelay $0x4  }
0x46: {  	v2 =	vmul.f32 v3, v2;
	_ =	sdelay $0x1  }
0x47: {  	[tilespmem:v0+s26+$0x20 ss:$0x1] =	vst.idx.msk $0xffff, v2  }
0x48: {  	v2 =	vld.idx.msk [tilespmem:v0+s26+$0x30 ss:$0x1], $0xffff  }
0x49: {  	v3 =	vld.idx.msk [tilespmem:v1+s26+$0x30 ss:$0x1], $0xffff;
	_ =	sdelay $0x4  }
0x4a: {  	v2 =	vmul.f32 v3, v2;
	_ =	sdelay $0x1  }
0x4b: {  	[tilespmem:v0+s26+$0x30 ss:$0x1] =	vst.idx.msk $0xffff, v2  }
0x4c: {  	v2 =	vld.idx.msk [tilespmem:v0+s26+$0x40 ss:$0x1], $0xffff  }
0x4d: {  	v3 =	vld.idx.msk [tilespmem:v1+s26+$0x40 ss:$0x1], $0xffff;
	_ =	sdelay $0x4  }
0x4e: {  	v2 =	vmul.f32 v3, v2;
	_ =	sdelay $0x1  }
0x4f: {  	[tilespmem:v0+s26+$0x40 ss:$0x1] =	vst.idx.msk $0xffff, v2  }
0x50: {  	v2 =	vld.idx.msk [tilespmem:v0+s26+$0x50 ss:$0x1], $0xffff  }
0x51: {  	v3 =	vld.idx.msk [tilespmem:v1+s26+$0x50 ss:$0x1], $0xffff;
	_ =	sdelay $0x4  }
0x52: {  	v2 =	vmul.f32 v3, v2;
	_ =	sdelay $0x1  }
0x53: {  	[tilespmem:v0+s26+$0x50 ss:$0x1] =	vst.idx.msk $0xffff, v2  }
0x54: {  	v2 =	vld.idx.msk [tilespmem:v0+s26+$0x60 ss:$0x1], $0xffff  }
0x55: {  	v3 =	vld.idx.msk [tilespmem:v1+s26+$0x60 ss:$0x1], $0xffff;
	_ =	sdelay $0x4  }
0x56: {  	v2 =	vmul.f32 v3, v2;
	_ =	sdelay $0x1  }
0x57: {  	[tilespmem:v0+s26+$0x60 ss:$0x1] =	vst.idx.msk $0xffff, v2  }
0x58: {  	s28 =	smul.u32 $0x1400, s25;
	s29 =	simm.s32 $0x200;
	v2 =	vld.idx.msk [tilespmem:v0+s26+$0x70 ss:$0x1], $0xffff  }
.LBB2_3:
0x59: {  	p0 =	sne.s32 s29, $0x4E00;
	v3 =	vld.idx.msk [tilespmem:v1+s26+$0x70 ss:$0x1], $0xffff;
	s0 =	smov.u32 s29;
	s29 =	sadd.s32 $0x200, s29  }
0x5a: {  	_ =	sdelay $0x4  }
0x5b: {  	v2 =	vmul.f32 v3, v2;
	_ =	sdelay $0x1  }
0x5c: {  	[tilespmem:v0+s26+$0x70 ss:$0x1] =	vst.idx.msk $0xffff, v2;
	s26 =	sshra.s32 s0, $0x2  }
0x5d: {  	v2 =	vld.idx.msk [tilespmem:v0+s26+$0x0 ss:$0x1], $0xffff  }
0x5e: {  	v3 =	vld.idx.msk [tilespmem:v1+s26+$0x0 ss:$0x1], $0xffff;
	_ =	sdelay $0x5  }
0x5f: {  	v2 =	vmul.f32 v3, v2;
	_ =	sdelay $0x1  }
0x60: {  	[tilespmem:v0+s26+$0x0 ss:$0x1] =	vst.idx.msk $0xffff, v2  }
0x61: {  	v2 =	vld.idx.msk [tilespmem:v0+s26+$0x10 ss:$0x1], $0xffff  }
0x62: {  	v3 =	vld.idx.msk [tilespmem:v1+s26+$0x10 ss:$0x1], $0xffff;
	_ =	sdelay $0x5  }
0x63: {  	v2 =	vmul.f32 v3, v2;
	_ =	sdelay $0x1  }
0x64: {  	[tilespmem:v0+s26+$0x10 ss:$0x1] =	vst.idx.msk $0xffff, v2  }
0x65: {  	v2 =	vld.idx.msk [tilespmem:v0+s26+$0x20 ss:$0x1], $0xffff  }
0x66: {  	v3 =	vld.idx.msk [tilespmem:v1+s26+$0x20 ss:$0x1], $0xffff;
	_ =	sdelay $0x5  }
0x67: {  	v2 =	vmul.f32 v3, v2;
	_ =	sdelay $0x1  }
0x68: {  	[tilespmem:v0+s26+$0x20 ss:$0x1] =	vst.idx.msk $0xffff, v2  }
0x69: {  	v2 =	vld.idx.msk [tilespmem:v0+s26+$0x30 ss:$0x1], $0xffff  }
0x6a: {  	v3 =	vld.idx.msk [tilespmem:v1+s26+$0x30 ss:$0x1], $0xffff;
	_ =	sdelay $0x5  }
0x6b: {  	v2 =	vmul.f32 v3, v2;
	_ =	sdelay $0x1  }
0x6c: {  	[tilespmem:v0+s26+$0x30 ss:$0x1] =	vst.idx.msk $0xffff, v2  }
0x6d: {  	v2 =	vld.idx.msk [tilespmem:v0+s26+$0x40 ss:$0x1], $0xffff  }
0x6e: {  	v3 =	vld.idx.msk [tilespmem:v1+s26+$0x40 ss:$0x1], $0xffff;
	_ =	sdelay $0x5  }
0x6f: {  	v2 =	vmul.f32 v3, v2;
	_ =	sdelay $0x1  }
0x70: {  	[tilespmem:v0+s26+$0x40 ss:$0x1] =	vst.idx.msk $0xffff, v2  }
0x71: {  	v2 =	vld.idx.msk [tilespmem:v0+s26+$0x50 ss:$0x1], $0xffff  }
0x72: {  	v3 =	vld.idx.msk [tilespmem:v1+s26+$0x50 ss:$0x1], $0xffff;
	_ =	sdelay $0x5  }
0x73: {  	v2 =	vmul.f32 v3, v2;
	_ =	sdelay $0x1  }
0x74: {  	[tilespmem:v0+s26+$0x50 ss:$0x1] =	vst.idx.msk $0xffff, v2  }
0x75: {  	v2 =	vld.idx.msk [tilespmem:v0+s26+$0x60 ss:$0x1], $0xffff  }
0x76: {  	v3 =	vld.idx.msk [tilespmem:v1+s26+$0x60 ss:$0x1], $0xffff;
	_ =	sdelay $0x4  }
.Ltmp0:
0x77: {  	(pc) =	sbr.rel @p0 .LBB2_3-.Ltmp0, $3  }
0x78: {  	v2 =	vmul.f32 v3, v2;
	_ =	sdelay $0x1  }
0x79: {  	[tilespmem:v0+s26+$0x60 ss:$0x1] =	vst.idx.msk $0xffff, v2  }
0x7a: {  	v2 =	vld.idx.msk [tilespmem:v0+s26+$0x70 ss:$0x1], $0xffff  }
0x7b: {  	_ =	sdelay $0x3  }
0x7c: {  	v1 =	vld.idx.msk [tilespmem:v1+s26+$0x70 ss:$0x1], $0xffff;
	_ =	sdelay $0x2  }
0x7d: {  	p0 =	sne.s32 s24, $0xFA  }
.Ltmp1:
0x7e: {  	_ = 	snop;
	(pc) =	sbr.rel @p0 .LBB2_2-.Ltmp1, $4  }
0x7f: {  	v1 =	vmul.f32 v1, v2  }
0x80: {  	s0 =	sshll.u32 s25, $0x8;
	s2 =	sadd.s32 $0x300, s28;
	s7 =	sadd.s32 $0x7, s25  }
0x81: {  	s23 =	sadd.s32 $0x1400, s23;
	s22 =	sadd.s32 $0x1400, s22;
	s0 =	sor.u32 $0x80, s0;
	[tilespmem:v0+s26+$0x70 ss:$0x1] =	vst.idx.msk $0xffff, v1  }
0x82: {  	[spmem:s1] =	stream.indirect.scatter.add.f32 [tilespmem:s2], [sflag:s7], $0x80, s0, s17, $0xb8;
	[tilespmem:$0x1B700] =	vst v63  }
0x83: {  	_ =	swait.ge [sflag:s18], $0x1400  }
0x84: {  	[sflag:s18] =	ssyncset.done $0x0  }
0x85: {  	[sflag:s18] =	ssyncadd.s32 $0xFFFFEC00  }
0x86: {  	_ =	swait.ge [sflag:s19], $0x1400  }
0x87: {  	[sflag:s19] =	ssyncset.done $0x0  }
0x88: {  	[sflag:s19] =	ssyncadd.s32 $0xFFFFEC00  }
0x89: {  	_ =	swait.ge [sflag:s20], $0x1400  }
0x8a: {  	s21 =	sadd.s32 $0x1, s21;
	[sflag:s20] =	ssyncset.done $0x0  }
0x8b: {  	p0 =	sne.s32 s21, s14;
	[sflag:s20] =	ssyncadd.s32 $0xFFFFEC00  }
.Ltmp2:
0x8c: {  	[bflag:$0x0] =	sbarrier.arrive $0xFFFF;
	(pc) =	sbr.rel @p0 .LBB2_1-.Ltmp2, $4  }
0x8d: {  	[hbm:s13], [sflag:s9] =	dma.local [spmem:s15], $0x2780  }
0x8e: {  	_ =	swait.ge [sflag:s16], $0x2780  }
0x8f: {  	[sflag:s16] =	ssyncset.done $0x0  }
0x90: {  	[sflag:s16] =	ssyncadd.s32 $0xFFFFD880  }
0x91: {  	_ =	sfence.sel $0x180000  }
0x92: {  	[bflag:$0x0] =	sbarrier.arrive $0xFFFF  }
0x93: {  	_ =	strace $0x90000050  }
0x94: {  	s0 =	stileid.u32;
	[bflag:$0x2] =	sbarrier.arrive $0xFFFF  }
0x95: {  	p0 =	sne.s32 s0, $0x0;
	s0 =	rddreg [dreg:$0x2]  }
0x96: {  	s0 =	sadd.s32 @!p0 $0x100000, s0  }
0x97: {  	[sflag:s0] =	ssyncadd.tile.s32 @!p0 $0x1;
	_ =	shalt  }
.Lfunc_end2:
_tile_overlayer_lowered:
.L_overlay_start_2:
0x98: {  	(tag) =	ssettag $0x2  }
0x99: {  	s0 =	rddreg [dreg:$0x0];
	s2 =	stileid.u32  }
0x9a: {  	s1 =	rddreg [dreg:$0x1];
	p0 =	sne.s32 s2, $0x0  }
0x9b: {  	s3 =	rddreg [dreg:$0x2];
	[bflag:$0x3] =	sbarrier.arrive $0xFFFF;
	s2 =	simm.s32 @!p0 $0x1C0A  }
0x9c: {  	[timem:s3], [sflag:s2] =	dma.local @!p0 [hbm:s0], s1  }
0x9d: {  	s0 =	simm.s32 @!p0 $0xA  }
0x9e: {  	_ =	swait.ge @!p0 [sflag:s0], s1  }
0x9f: {  	s1 =	ssub.s32 @!p0 $0x0, s1;
	[sflag:s0] =	ssyncset.done @!p0 $0x0  }
0xa0: {  	[sflag:s0] =	ssyncadd.s32 @!p0 s1  }
0xa1: {  	[bflag:$0x3] =	sbarrier.arrive $0xFFFF  }
0xa2: {  	_ =	shalt  }

</sc_bundles>
